<compile_context>
chip_gen: v7x
topology: tpu7x:2x2x1
jax: 0.10.2.dev20260603
libtpu: 0.0.44.dev20260713+nightly
codegen_flags: <defaults>
</compile_context>

<pallas_src>
import jax
import jax.numpy as jnp
from jax import lax
from jax.experimental import pallas as pl
from jax.experimental.pallas import tpu as pltpu
from jax.experimental.pallas import tpu_sc as plsc

N_NODES = 10000
N_EDGES = 320000

NC = 2
NS = 16
NW = NC * NS
E_PER_W = 10240
E_PAD = NW * E_PER_W
N_ACC = 10240
ROWS_PER_SUB = N_ACC // NS
PAD_SPREAD = 64
DW = 8

_mesh = plsc.VectorSubcoreMesh(core_axis_name="c", subcore_axis_name="s")
_sc_params = pltpu.CompilerParams(use_tc_tiling_on_sc=False)


DEG_LE = 1024
DEG_NL = E_PER_W // DEG_LE


def _deg_body(dst_hbm, ones_hbm, zeros_hbm, out_hbm,
              ia, ib, ones_v, acc, sem, ija, ijb):
    c = lax.axis_index("c")
    s = lax.axis_index("s")
    wid = s * NC + c
    r0 = s * ROWS_PER_SUB
    base = wid * E_PER_W
    idx = (ia, ib)
    isem = (ija, ijb)
    pltpu.sync_copy(zeros_hbm.at[pl.ds(r0, ROWS_PER_SUB)],
                    acc.at[pl.ds(r0, ROWS_PER_SUB)])
    pltpu.sync_copy(ones_hbm, ones_v)
    plsc.subcore_barrier()

    def start_i(j, b):
        pltpu.async_copy(dst_hbm.at[pl.ds(base + j * DEG_LE, DEG_LE)],
                         idx[b], isem[b])

    def wait_i(b):
        pltpu.make_async_copy(dst_hbm.at[pl.ds(base, DEG_LE)],
                              idx[b], isem[b]).wait()

    start_i(0, 0)
    start_i(1, 1)

    @pl.loop(0, DEG_NL // 2)
    def _fire(q):
        for u in range(2):
            j = 2 * q + u
            wait_i(u)
            pltpu.async_copy(ones_v, acc.at[idx[u]], sem, add=True)
            pltpu.make_async_copy(ones_v, acc.at[idx[0]], sem).wait()

            @pl.when(j + 2 < DEG_NL)
            def _():
                start_i(j + 2, u)

    plsc.subcore_barrier()
    pltpu.sync_copy(acc.at[pl.ds(r0, ROWS_PER_SUB)],
                    out_hbm.at[c, pl.ds(r0, ROWS_PER_SUB)])


_deg_kernel = pl.kernel(
    _deg_body,
    out_type=jax.ShapeDtypeStruct((NC, N_ACC, DW), jnp.float32),
    mesh=_mesh,
    compiler_params=_sc_params,
    scratch_types=[
        pltpu.VMEM((DEG_LE,), jnp.int32),
        pltpu.VMEM((DEG_LE,), jnp.int32),
        pltpu.VMEM((DEG_LE, DW), jnp.float32),
        pltpu.VMEM_SHARED((N_ACC, DW), jnp.float32),
        pltpu.SemaphoreType.DMA,
        pltpu.SemaphoreType.DMA,
        pltpu.SemaphoreType.DMA,
    ],
)


def _make_spmm(width, le):
    nl = E_PER_W // le
    assert (nl - 4) % 4 == 0

    def body(src_hbm, dst_hbm, g_hbm, zeros_hbm, out_hbm,
             si0, si1, si2, si3, di0, di1, di2, di3,
             r0b, r1b, r2b, r3b, acc,
             g0, g1, g2, g3, s0, s1, s2, s3, i0, i1, i2, i3):
        c = lax.axis_index("c")
        s = lax.axis_index("s")
        wid = s * NC + c
        r0 = s * ROWS_PER_SUB
        base = wid * E_PER_W
        sidx = (si0, si1, si2, si3)
        didx = (di0, di1, di2, di3)
        rows = (r0b, r1b, r2b, r3b)
        gsem = (g0, g1, g2, g3)
        ssem = (s0, s1, s2, s3)
        isem = (i0, i1, i2, i3)
        pltpu.sync_copy(zeros_hbm.at[pl.ds(r0, ROWS_PER_SUB)],
                        acc.at[pl.ds(r0, ROWS_PER_SUB)])
        plsc.subcore_barrier()

        def start_i(j, b):
            pltpu.async_copy(src_hbm.at[pl.ds(base + j * le, le)],
                             sidx[b], isem[b])
            pltpu.async_copy(dst_hbm.at[pl.ds(base + j * le, le)],
                             didx[b], isem[b])

        def wait_i(b):
            pltpu.make_async_copy(src_hbm.at[pl.ds(base, le)],
                                  sidx[b], isem[b]).wait()
            pltpu.make_async_copy(dst_hbm.at[pl.ds(base, le)],
                                  didx[b], isem[b]).wait()

        def start_g(b):
            pltpu.async_copy(g_hbm.at[sidx[b]], rows[b], gsem[b])

        def wait_g(b):
            pltpu.make_async_copy(g_hbm.at[sidx[0]], rows[b], gsem[b]).wait()

        def start_s(b):
            pltpu.async_copy(rows[b], acc.at[didx[b]], ssem[b], add=True)

        def wait_s(b):
            pltpu.make_async_copy(rows[b], acc.at[didx[0]], ssem[b]).wait()

        for b in range(4):
            start_i(b, b)
        wait_i(0)
        start_g(0)
        wait_i(1)
        start_g(1)
        wait_g(0)
        start_s(0)
        wait_i(2)
        start_g(2)
        wait_g(1)
        start_s(1)
        wait_i(3)
        start_g(3)

        @pl.loop(0, (nl - 4) // 4)
        def _pipe(q):
            for u in range(4):
                j = 2 + 4 * q + u
                b = (2 + u) % 4
                bn = (b + 2) % 4
                wait_g(b)
                start_s(b)
                wait_s(bn)
                start_i(j + 2, bn)
                wait_i(bn)
                start_g(bn)

        for j in (nl - 2, nl - 1):
            b = j % 4
            wait_g(b)
            start_s(b)
        for b in range(4):
            wait_s(b)

        plsc.subcore_barrier()
        pltpu.sync_copy(acc.at[pl.ds(r0, ROWS_PER_SUB)],
                        out_hbm.at[c, pl.ds(r0, ROWS_PER_SUB)])

    return pl.kernel(
        body,
        out_type=jax.ShapeDtypeStruct((NC, N_ACC, width), jnp.float32),
        mesh=_mesh,
        compiler_params=_sc_params,
        scratch_types=[
            pltpu.VMEM((le,), jnp.int32),
            pltpu.VMEM((le,), jnp.int32),
            pltpu.VMEM((le,), jnp.int32),
            pltpu.VMEM((le,), jnp.int32),
            pltpu.VMEM((le,), jnp.int32),
            pltpu.VMEM((le,), jnp.int32),
            pltpu.VMEM((le,), jnp.int32),
            pltpu.VMEM((le,), jnp.int32),
            pltpu.VMEM((le, width), jnp.float32),
            pltpu.VMEM((le, width), jnp.float32),
            pltpu.VMEM((le, width), jnp.float32),
            pltpu.VMEM((le, width), jnp.float32),
            pltpu.VMEM_SHARED((N_ACC, width), jnp.float32),
        ] + [pltpu.SemaphoreType.DMA] * 12,
    )


_spmm64 = _make_spmm(64, 256)
_spmm32 = _make_spmm(32, 512)


def _tc_matmul1(x, W1):
    def body(x_ref, w_ref, o_ref):
        o_ref[0:N_NODES, :] = jnp.dot(x_ref[...], w_ref[...],
                                      preferred_element_type=jnp.float32)
        o_ref[N_NODES:N_ACC, :] = jnp.zeros((N_ACC - N_NODES, 64), jnp.float32)
    return pl.pallas_call(
        body,
        out_shape=jax.ShapeDtypeStruct((N_ACC, 64), jnp.float32),
    )(x, W1)


def _dinv_of(dp_val):
    deg = dp_val[0, :, 0:1] + dp_val[1, :, 0:1] + 1.0
    row = lax.broadcasted_iota(jnp.int32, (N_ACC, 1), 0)
    return jnp.where(row < N_NODES, lax.rsqrt(deg), 0.0)


def _tc_scale(h1, dp):
    def body(h_ref, dp_ref, g_ref):
        g_ref[...] = _dinv_of(dp_ref[...]) * h_ref[...]
    return pl.pallas_call(
        body,
        out_shape=jax.ShapeDtypeStruct((N_ACC, 64), jnp.float32),
    )(h1, dp)


def _tc_layer2(p1, g1, dp, b1, W2):
    def body(p_ref, g_ref, dp_ref, b_ref, w_ref, o_ref):
        pv = p_ref[...]
        agg = pv[0] + pv[1] + g_ref[...]
        dinv = _dinv_of(dp_ref[...])
        h = jnp.maximum(dinv * agg + b_ref[...], 0.0)
        o_ref[...] = dinv * jnp.dot(h, w_ref[...],
                                    preferred_element_type=jnp.float32)
    return pl.pallas_call(
        body,
        out_shape=jax.ShapeDtypeStruct((N_ACC, 32), jnp.float32),
    )(p1, g1, dp, b1, W2)


def _tc_head(p2, g2, dp, b2, Wfc, bfc):
    def body(p_ref, g_ref, dp_ref, b_ref, w_ref, bf_ref, o_ref):
        pv = p_ref[...]
        agg = pv[0] + pv[1] + g_ref[...]
        h = jnp.maximum(_dinv_of(dp_ref[...]) * agg + b_ref[...], 0.0)
        o_ref[...] = jnp.dot(h, w_ref[...],
                             preferred_element_type=jnp.float32) + bf_ref[...]
    return pl.pallas_call(
        body,
        out_shape=jax.ShapeDtypeStruct((N_ACC, 1), jnp.float32),
    )(p2, g2, dp, b2, Wfc, bfc)


def kernel(x, edge_index, W1, b1, W2, b2, Wfc, bfc):
    src = edge_index[0].astype(jnp.int32)
    dst = edge_index[1].astype(jnp.int32)
    pad = N_NODES + (jnp.arange(E_PAD - N_EDGES, dtype=jnp.int32) % PAD_SPREAD)
    src_f = jnp.concatenate([src, pad])
    dst_f = jnp.concatenate([dst, pad])

    ones_dw = jnp.ones((DEG_LE, DW), jnp.float32)
    zeros_dw = jnp.zeros((N_ACC, DW), jnp.float32)
    zeros64 = jnp.zeros((N_ACC, 64), jnp.float32)
    zeros32 = jnp.zeros((N_ACC, 32), jnp.float32)

    dp = _deg_kernel(dst_f, ones_dw, zeros_dw)
    h1 = _tc_matmul1(x, W1)
    g1 = _tc_scale(h1, dp)
    p1 = _spmm64(src_f, dst_f, g1, zeros64)
    g2 = _tc_layer2(p1, g1, dp, b1.reshape(1, 64), W2)
    p2 = _spmm32(src_f, dst_f, g2, zeros32)
    out = _tc_head(p2, g2, dp, b2.reshape(1, 32), Wfc, bfc.reshape(1, 1))
    return out[:N_NODES]

# --- scband reference (transcript-rebuilt; emitter-appended) ---
"""Pipeline reference for scband-gnnregressor-71811853189167 (READ-ONLY COPY).

The authoritative reference and input builder live on the scoring server;
editing this copy changes nothing except your own understanding.
"""

import jax, jax.numpy as jnp
import numpy as np

N_NODES = 10000
N_EDGES = 320000
D_IN = 128


def setup_inputs(seed: int = 0) -> dict:
    key = jax.random.key(seed)
    ks = jax.random.split(key, 8)
    x = jax.random.normal(ks[0], (N_NODES, D_IN), dtype=jnp.float32)
    edge_index = jax.random.randint(ks[1], (2, N_EDGES), 0, N_NODES, dtype=jnp.int64)
    # GCNConv(128 -> 64)
    W1 = jax.random.normal(ks[2], (D_IN, 64), dtype=jnp.float32) * (1.0 / np.sqrt(D_IN))
    b1 = jnp.zeros((64,), dtype=jnp.float32)
    # GCNConv(64 -> 32)
    W2 = jax.random.normal(ks[3], (64, 32), dtype=jnp.float32) * (1.0 / np.sqrt(64))
    b2 = jnp.zeros((32,), dtype=jnp.float32)
    # Linear(32 -> 1)
    Wfc = jax.random.normal(ks[4], (32, 1), dtype=jnp.float32) * (1.0 / np.sqrt(32))
    bfc = jnp.zeros((1,), dtype=jnp.float32)
    return {"x": x, "edge_index": edge_index, "W1": W1, "b1": b1, "W2": W2, "b2": b2, "Wfc": Wfc, "bfc": bfc}


def _gcn_conv(x, src, dst, W, b):
    # PyG-style GCNConv: add self-loops, symmetric normalization, linear transform,
    # message = norm * x_j (source), aggregate (sum) at destination, add bias.
    n = x.shape[0]
    loop = jnp.arange(n, dtype=src.dtype)
    s = jnp.concatenate([src, loop])
    d = jnp.concatenate([dst, loop])
    h = x @ W
    deg = jnp.zeros((n,), dtype=h.dtype).at[d].add(1.0)
    dinv = deg ** -0.5
    norm = dinv[s] * dinv[d]
    msgs = h[s] * norm[:, None]
    out = jnp.zeros((n, W.shape[1]), dtype=h.dtype).at[d].add(msgs)
    return out + b


def reference(x, edge_index, W1, b1, W2, b2, Wfc, bfc):
    src = edge_index[0]
    dst = edge_index[1]
    h = _gcn_conv(x, src, dst, W1, b1)
    h = jax.nn.relu(h)
    h = _gcn_conv(h, src, dst, W2, b2)
    h = jax.nn.relu(h)
    out = h @ Wfc + bfc
    return out

if __name__ == "__main__":
    import jax
    _d = setup_inputs()
    print(jax.jit(kernel)(*tuple(_d.values())))

</pallas_src>

<mosaic_0001>
#map = affine_map<(d0, d1) -> (0)>
#map1 = affine_map<(d0, d1) -> (0, 0)>
#map2 = affine_map<(d0, d1) -> (0, 0, 0)>
module attributes {stable_mosaic.version = 14 : i64} {
  func.func @_deg_body(%arg0: i32, %arg1: i32, %arg2: memref<327680xi32, #tpu.memory_space<hbm>>, %arg3: memref<1024x8xf32, #tpu.memory_space<hbm>>, %arg4: memref<10240x8xf32, #tpu.memory_space<hbm>>, %arg5: memref<2x10240x8xf32, #tpu.memory_space<hbm>>, %arg6: memref<1024xi32, #tpu.memory_space<vmem>>, %arg7: memref<1024xi32, #tpu.memory_space<vmem>>, %arg8: memref<1024x8xf32, #tpu.memory_space<vmem>>, %arg9: memref<10240x8xf32, #tpu.memory_space<vmem_shared>>, %arg10: memref<!tpu.dma_semaphore, #tpu.memory_space<semaphore_mem>>, %arg11: memref<!tpu.dma_semaphore, #tpu.memory_space<semaphore_mem>>, %arg12: memref<!tpu.dma_semaphore, #tpu.memory_space<semaphore_mem>>) attributes {dimension_semantics = [#tpu.dimension_semantics<core_parallel>, #tpu.dimension_semantics<subcore_parallel>], iteration_bounds = array<i64: 2, 16>, scalar_prefetch = 0 : i64, scratch_operands = 7 : i64, tpu.core_type = #tpu.core_type<sc_vector_subcore>, window_params = [{transform_indices = #map}, {transform_indices = #map1}, {transform_indices = #map1}, {transform_indices = #map2}]} {
    %mul3A = arith.constant 2 : i32
    %mul3A_0 = arith.muli %arg1, %mul3A : i32
    %add3A = arith.addi %mul3A_0, %arg0 : i32
    %mul3A_1 = arith.constant 640 : i32
    %mul3A_2 = arith.muli %arg1, %mul3A_1 : i32
    %mul3A_3 = arith.constant 10240 : i32
    %mul3A_4 = arith.muli %add3A, %mul3A_3 : i32
    "tpu.region"() ({
      %run_scoped3A = tpu.sem_alloc : memref<!tpu.dma_semaphore, #tpu.memory_space<semaphore_mem>>
      %dma_start3A_17 = arith.constant 0 : i32
      %dma_start3A_18 = tpu.memref_slice %arg9[%mul3A_2, %dma_start3A_17] : memref<10240x8xf32, #tpu.memory_space<vmem_shared>> -> memref<640x8xf32, #tpu.memory_space<vmem_shared>>
      %dma_start3A_19 = arith.constant 0 : i32
      %dma_start3A_20 = tpu.memref_slice %arg4[%mul3A_2, %dma_start3A_19] : memref<10240x8xf32, #tpu.memory_space<hbm>> -> memref<640x8xf32, #tpu.memory_space<hbm>>
      tpu.enqueue_dma source(%dma_start3A_20 : memref<640x8xf32, #tpu.memory_space<hbm>>) target(%dma_start3A_18 : memref<640x8xf32, #tpu.memory_space<vmem_shared>>) target_semaphore(%run_scoped3A : memref<!tpu.dma_semaphore, #tpu.memory_space<semaphore_mem>>)
      %dma_wait3A = arith.constant 0 : i32
      %dma_wait3A_21 = tpu.memref_slice %arg9[%mul3A_2, %dma_wait3A] : memref<10240x8xf32, #tpu.memory_space<vmem_shared>> -> memref<640x8xf32, #tpu.memory_space<vmem_shared>>
      %dma_wait3A_22 = arith.constant 0 : i32
      %dma_wait3A_23 = tpu.memref_slice %arg4[%mul3A_2, %dma_wait3A_22] : memref<10240x8xf32, #tpu.memory_space<hbm>> -> memref<640x8xf32, #tpu.memory_space<hbm>>
      tpu.wait_dma2 semaphore(%run_scoped3A : memref<!tpu.dma_semaphore, #tpu.memory_space<semaphore_mem>>) src(%dma_wait3A_23 : memref<640x8xf32, #tpu.memory_space<hbm>>) dst(%dma_wait3A_21 : memref<640x8xf32, #tpu.memory_space<vmem_shared>>)
      tpu.yield
    }) : () -> ()
    "tpu.region"() ({
      %run_scoped3A = tpu.sem_alloc : memref<!tpu.dma_semaphore, #tpu.memory_space<semaphore_mem>>
      tpu.enqueue_dma source(%arg3 : memref<1024x8xf32, #tpu.memory_space<hbm>>) target(%arg8 : memref<1024x8xf32, #tpu.memory_space<vmem>>) target_semaphore(%run_scoped3A : memref<!tpu.dma_semaphore, #tpu.memory_space<semaphore_mem>>)
      tpu.wait_dma2 semaphore(%run_scoped3A : memref<!tpu.dma_semaphore, #tpu.memory_space<semaphore_mem>>) src(%arg3 : memref<1024x8xf32, #tpu.memory_space<hbm>>) dst(%arg8 : memref<1024x8xf32, #tpu.memory_space<vmem>>)
      tpu.yield
    }) : () -> ()
    %barrier3A = arith.constant 0 : index
    tpu.barrier barrier_id(%barrier3A)
    %add3A_5 = arith.constant 0 : i32
    %add3A_6 = arith.addi %mul3A_4, %add3A_5 : i32
    %dma_start3A = tpu.memref_slice %arg2[%add3A_6] : memref<327680xi32, #tpu.memory_space<hbm>> -> memref<1024xi32, #tpu.memory_space<hbm>>
    %dma_start3A_7 = tpu.memref_slice %arg2[%add3A_6] : memref<327680xi32, #tpu.memory_space<hbm>> -> memref<1024xi32, #tpu.memory_space<hbm>>
    tpu.enqueue_dma source(%dma_start3A_7 : memref<1024xi32, #tpu.memory_space<hbm>>) target(%arg6 : memref<1024xi32, #tpu.memory_space<vmem>>) target_semaphore(%arg11 : memref<!tpu.dma_semaphore, #tpu.memory_space<semaphore_mem>>)
    %add3A_8 = arith.constant 1024 : i32
    %add3A_9 = arith.addi %mul3A_4, %add3A_8 : i32
    %dma_start3A_10 = tpu.memref_slice %arg2[%add3A_9] : memref<327680xi32, #tpu.memory_space<hbm>> -> memref<1024xi32, #tpu.memory_space<hbm>>
    %dma_start3A_11 = tpu.memref_slice %arg2[%add3A_9] : memref<327680xi32, #tpu.memory_space<hbm>> -> memref<1024xi32, #tpu.memory_space<hbm>>
    tpu.enqueue_dma source(%dma_start3A_11 : memref<1024xi32, #tpu.memory_space<hbm>>) target(%arg7 : memref<1024xi32, #tpu.memory_space<vmem>>) target_semaphore(%arg12 : memref<!tpu.dma_semaphore, #tpu.memory_space<semaphore_mem>>)
    %scan3A = arith.constant 0 : i32
    %scan3A_12 = arith.constant 5 : i32
    %scan3A_13 = arith.addi %scan3A, %scan3A_12 : i32
    %scan3A_14 = arith.constant 1 : i32
    scf.for %scan3A_17 = %scan3A to %scan3A_13 step %scan3A_14  : i32 {
      %mul3A_18 = arith.constant 1 : i32
      %mul3A_19 = arith.muli %scan3A_17, %mul3A_18 : i32
      %add3A_20 = arith.constant 0 : i32
      %add3A_21 = arith.addi %add3A_20, %mul3A_19 : i32
      %mul3A_22 = arith.constant 2 : i32
      %mul3A_23 = arith.muli %mul3A_22, %add3A_21 : i32
      %add3A_24 = arith.constant 0 : i32
      %add3A_25 = arith.addi %mul3A_23, %add3A_24 : i32
      %dma_wait3A = tpu.memref_slice %arg2[%mul3A_4] : memref<327680xi32, #tpu.memory_space<hbm>> -> memref<1024xi32, #tpu.memory_space<hbm>>
      %dma_wait3A_26 = tpu.memref_slice %arg2[%mul3A_4] : memref<327680xi32, #tpu.memory_space<hbm>> -> memref<1024xi32, #tpu.memory_space<hbm>>
      tpu.wait_dma2 semaphore(%arg11 : memref<!tpu.dma_semaphore, #tpu.memory_space<semaphore_mem>>) src(%dma_wait3A_26 : memref<1024xi32, #tpu.memory_space<hbm>>) dst(%arg6 : memref<1024xi32, #tpu.memory_space<vmem>>)
      %dma_start3A_27 = arith.constant 0 : i32
      %dma_start3A_28 = arith.constant 0 : i32
      %dma_start3A_29 = tpu.memref_slice %arg9[%dma_start3A_27, %dma_start3A_28] : memref<10240x8xf32, #tpu.memory_space<vmem_shared>> -> memref<10240x8xf32, #tpu.memory_space<vmem_shared>>
      tpu.enqueue_indirect_dma source(%arg8 : memref<1024x8xf32, #tpu.memory_space<vmem>>) target(%dma_start3A_29 : memref<10240x8xf32, #tpu.memory_space<vmem_shared>>) offsets(%arg6 : memref<1024xi32, #tpu.memory_space<vmem>>) semaphore(%arg10 : memref<!tpu.dma_semaphore, #tpu.memory_space<semaphore_mem>>) {add = true}
      %dma_wait3A_30 = arith.constant 0 : i32
      %dma_wait3A_31 = arith.constant 0 : i32
      %dma_wait3A_32 = tpu.memref_slice %arg9[%dma_wait3A_30, %dma_wait3A_31] : memref<10240x8xf32, #tpu.memory_space<vmem_shared>> -> memref<10240x8xf32, #tpu.memory_space<vmem_shared>>
      tpu.wait_indirect_dma semaphore(%arg10 : memref<!tpu.dma_semaphore, #tpu.memory_space<semaphore_mem>>) src(%arg8 : memref<1024x8xf32, #tpu.memory_space<vmem>>) dst(%dma_wait3A_32 : memref<10240x8xf32, #tpu.memory_space<vmem_shared>>)
      %add3A_33 = arith.constant 2 : i32
      %add3A_34 = arith.addi %add3A_25, %add3A_33 : i32
      %lt3A = arith.constant 10 : i32
      %lt3A_35 = arith.cmpi slt, %add3A_34, %lt3A : i32
      %convert_element_type3A = arith.extui %lt3A_35 : i1 to i32
      %cond3A = arith.constant 0 : i32
      %cond3A_36 = arith.cmpi ne, %convert_element_type3A, %cond3A : i32
      scf.if %cond3A_36 {
        %add3A_56 = arith.constant 2 : i32
        %add3A_57 = arith.addi %add3A_25, %add3A_56 : i32
        %mul3A_58 = arith.constant 1024 : i32
        %mul3A_59 = arith.muli %add3A_57, %mul3A_58 : i32
        %add3A_60 = arith.addi %mul3A_4, %mul3A_59 : i32
        %dma_start3A_61 = tpu.memref_slice %arg2[%add3A_60] : memref<327680xi32, #tpu.memory_space<hbm>> -> memref<1024xi32, #tpu.memory_space<hbm>>
        %dma_start3A_62 = tpu.memref_slice %arg2[%add3A_60] : memref<327680xi32, #tpu.memory_space<hbm>> -> memref<1024xi32, #tpu.memory_space<hbm>>
        tpu.enqueue_dma source(%dma_start3A_62 : memref<1024xi32, #tpu.memory_space<hbm>>) target(%arg6 : memref<1024xi32, #tpu.memory_space<vmem>>) target_semaphore(%arg11 : memref<!tpu.dma_semaphore, #tpu.memory_space<semaphore_mem>>)
      } else {
      }
      %mul3A_37 = arith.constant 2 : i32
      %mul3A_38 = arith.muli %mul3A_37, %add3A_21 : i32
      %add3A_39 = arith.constant 1 : i32
      %add3A_40 = arith.addi %mul3A_38, %add3A_39 : i32
      %dma_wait3A_41 = tpu.memref_slice %arg2[%mul3A_4] : memref<327680xi32, #tpu.memory_space<hbm>> -> memref<1024xi32, #tpu.memory_space<hbm>>
      %dma_wait3A_42 = tpu.memref_slice %arg2[%mul3A_4] : memref<327680xi32, #tpu.memory_space<hbm>> -> memref<1024xi32, #tpu.memory_space<hbm>>
      tpu.wait_dma2 semaphore(%arg12 : memref<!tpu.dma_semaphore, #tpu.memory_space<semaphore_mem>>) src(%dma_wait3A_42 : memref<1024xi32, #tpu.memory_space<hbm>>) dst(%arg7 : memref<1024xi32, #tpu.memory_space<vmem>>)
      %dma_start3A_43 = arith.constant 0 : i32
      %dma_start3A_44 = arith.constant 0 : i32
      %dma_start3A_45 = tpu.memref_slice %arg9[%dma_start3A_43, %dma_start3A_44] : memref<10240x8xf32, #tpu.memory_space<vmem_shared>> -> memref<10240x8xf32, #tpu.memory_space<vmem_shared>>
      tpu.enqueue_indirect_dma source(%arg8 : memref<1024x8xf32, #tpu.memory_space<vmem>>) target(%dma_start3A_45 : memref<10240x8xf32, #tpu.memory_space<vmem_shared>>) offsets(%arg7 : memref<1024xi32, #tpu.memory_space<vmem>>) semaphore(%arg10 : memref<!tpu.dma_semaphore, #tpu.memory_space<semaphore_mem>>) {add = true}
      %dma_wait3A_46 = arith.constant 0 : i32
      %dma_wait3A_47 = arith.constant 0 : i32
      %dma_wait3A_48 = tpu.memref_slice %arg9[%dma_wait3A_46, %dma_wait3A_47] : memref<10240x8xf32, #tpu.memory_space<vmem_shared>> -> memref<10240x8xf32, #tpu.memory_space<vmem_shared>>
      tpu.wait_indirect_dma semaphore(%arg10 : memref<!tpu.dma_semaphore, #tpu.memory_space<semaphore_mem>>) src(%arg8 : memref<1024x8xf32, #tpu.memory_space<vmem>>) dst(%dma_wait3A_48 : memref<10240x8xf32, #tpu.memory_space<vmem_shared>>)
      %add3A_49 = arith.constant 2 : i32
      %add3A_50 = arith.addi %add3A_40, %add3A_49 : i32
      %lt3A_51 = arith.constant 10 : i32
      %lt3A_52 = arith.cmpi slt, %add3A_50, %lt3A_51 : i32
      %convert_element_type3A_53 = arith.extui %lt3A_52 : i1 to i32
      %cond3A_54 = arith.constant 0 : i32
      %cond3A_55 = arith.cmpi ne, %convert_element_type3A_53, %cond3A_54 : i32
      scf.if %cond3A_55 {
        %add3A_56 = arith.constant 2 : i32
        %add3A_57 = arith.addi %add3A_40, %add3A_56 : i32
        %mul3A_58 = arith.constant 1024 : i32
        %mul3A_59 = arith.muli %add3A_57, %mul3A_58 : i32
        %add3A_60 = arith.addi %mul3A_4, %mul3A_59 : i32
        %dma_start3A_61 = tpu.memref_slice %arg2[%add3A_60] : memref<327680xi32, #tpu.memory_space<hbm>> -> memref<1024xi32, #tpu.memory_space<hbm>>
        %dma_start3A_62 = tpu.memref_slice %arg2[%add3A_60] : memref<327680xi32, #tpu.memory_space<hbm>> -> memref<1024xi32, #tpu.memory_space<hbm>>
        tpu.enqueue_dma source(%dma_start3A_62 : memref<1024xi32, #tpu.memory_space<hbm>>) target(%arg7 : memref<1024xi32, #tpu.memory_space<vmem>>) target_semaphore(%arg12 : memref<!tpu.dma_semaphore, #tpu.memory_space<semaphore_mem>>)
      } else {
      }
    }
    %scan3A_15 = arith.constant 5 : i32
    %barrier3A_16 = arith.constant 0 : index
    tpu.barrier barrier_id(%barrier3A_16)
    "tpu.region"() ({
      %run_scoped3A = tpu.sem_alloc : memref<!tpu.dma_semaphore, #tpu.memory_space<semaphore_mem>>
      %dma_start3A_17 = arith.constant 0 : i32
      %dma_start3A_18 = tpu.memref_slice %arg5[%arg0, %mul3A_2, %dma_start3A_17] : memref<2x10240x8xf32, #tpu.memory_space<hbm>> -> memref<1x640x8xf32, #tpu.memory_space<hbm>>
      %dma_start3A_19 = tpu.memref_squeeze %dma_start3A_18 : memref<1x640x8xf32, #tpu.memory_space<hbm>> -> memref<640x8xf32, #tpu.memory_space<hbm>>
      %dma_start3A_20 = arith.constant 0 : i32
      %dma_start3A_21 = tpu.memref_slice %arg9[%mul3A_2, %dma_start3A_20] : memref<10240x8xf32, #tpu.memory_space<vmem_shared>> -> memref<640x8xf32, #tpu.memory_space<vmem_shared>>
      tpu.enqueue_dma source(%dma_start3A_21 : memref<640x8xf32, #tpu.memory_space<vmem_shared>>) target(%dma_start3A_19 : memref<640x8xf32, #tpu.memory_space<hbm>>) target_semaphore(%run_scoped3A : memref<!tpu.dma_semaphore, #tpu.memory_space<semaphore_mem>>)
      %dma_wait3A = arith.constant 0 : i32
      %dma_wait3A_22 = tpu.memref_slice %arg5[%arg0, %mul3A_2, %dma_wait3A] : memref<2x10240x8xf32, #tpu.memory_space<hbm>> -> memref<1x640x8xf32, #tpu.memory_space<hbm>>
      %dma_wait3A_23 = tpu.memref_squeeze %dma_wait3A_22 : memref<1x640x8xf32, #tpu.memory_space<hbm>> -> memref<640x8xf32, #tpu.memory_space<hbm>>
      %dma_wait3A_24 = arith.constant 0 : i32
      %dma_wait3A_25 = tpu.memref_slice %arg9[%mul3A_2, %dma_wait3A_24] : memref<10240x8xf32, #tpu.memory_space<vmem_shared>> -> memref<640x8xf32, #tpu.memory_space<vmem_shared>>
      tpu.wait_dma2 semaphore(%run_scoped3A : memref<!tpu.dma_semaphore, #tpu.memory_space<semaphore_mem>>) src(%dma_wait3A_25 : memref<640x8xf32, #tpu.memory_space<vmem_shared>>) dst(%dma_wait3A_23 : memref<640x8xf32, #tpu.memory_space<hbm>>)
      tpu.yield
    }) : () -> ()
    return
  }
}

#map = affine_map<(d0, d1) -> (0)>
#map1 = affine_map<(d0, d1) -> (0, 0)>
#map2 = affine_map<(d0, d1) -> (0, 0, 0)>
module attributes {stable_mosaic.version = 14 : i64} {
  func.func @body(%arg0: i32, %arg1: i32, %arg2: memref<327680xi32, #tpu.memory_space<hbm>>, %arg3: memref<327680xi32, #tpu.memory_space<hbm>>, %arg4: memref<10240x64xf32, #tpu.memory_space<hbm>>, %arg5: memref<10240x64xf32, #tpu.memory_space<hbm>>, %arg6: memref<2x10240x64xf32, #tpu.memory_space<hbm>>, %arg7: memref<256xi32, #tpu.memory_space<vmem>>, %arg8: memref<256xi32, #tpu.memory_space<vmem>>, %arg9: memref<256xi32, #tpu.memory_space<vmem>>, %arg10: memref<256xi32, #tpu.memory_space<vmem>>, %arg11: memref<256xi32, #tpu.memory_space<vmem>>, %arg12: memref<256xi32, #tpu.memory_space<vmem>>, %arg13: memref<256xi32, #tpu.memory_space<vmem>>, %arg14: memref<256xi32, #tpu.memory_space<vmem>>, %arg15: memref<256x64xf32, #tpu.memory_space<vmem>>, %arg16: memref<256x64xf32, #tpu.memory_space<vmem>>, %arg17: memref<256x64xf32, #tpu.memory_space<vmem>>, %arg18: memref<256x64xf32, #tpu.memory_space<vmem>>, %arg19: memref<10240x64xf32, #tpu.memory_space<vmem_shared>>, %arg20: memref<!tpu.dma_semaphore, #tpu.memory_space<semaphore_mem>>, %arg21: memref<!tpu.dma_semaphore, #tpu.memory_space<semaphore_mem>>, %arg22: memref<!tpu.dma_semaphore, #tpu.memory_space<semaphore_mem>>, %arg23: memref<!tpu.dma_semaphore, #tpu.memory_space<semaphore_mem>>, %arg24: memref<!tpu.dma_semaphore, #tpu.memory_space<semaphore_mem>>, %arg25: memref<!tpu.dma_semaphore, #tpu.memory_space<semaphore_mem>>, %arg26: memref<!tpu.dma_semaphore, #tpu.memory_space<semaphore_mem>>, %arg27: memref<!tpu.dma_semaphore, #tpu.memory_space<semaphore_mem>>, %arg28: memref<!tpu.dma_semaphore, #tpu.memory_space<semaphore_mem>>, %arg29: memref<!tpu.dma_semaphore, #tpu.memory_space<semaphore_mem>>, %arg30: memref<!tpu.dma_semaphore, #tpu.memory_space<semaphore_mem>>, %arg31: memref<!tpu.dma_semaphore, #tpu.memory_space<semaphore_mem>>) attributes {dimension_semantics = [#tpu.dimension_semantics<core_parallel>, #tpu.dimension_semantics<subcore_parallel>], iteration_bounds = array<i64: 2, 16>, scalar_prefetch = 0 : i64, scratch_operands = 25 : i64, tpu.core_type = #tpu.core_type<sc_vector_subcore>, window_params = [{transform_indices = #map}, {transform_indices = #map}, {transform_indices = #map1}, {transform_indices = #map1}, {transform_indices = #map2}]} {
    %mul3A = arith.constant 2 : i32
    %mul3A_0 = arith.muli %arg1, %mul3A : i32
    %add3A = arith.addi %mul3A_0, %arg0 : i32
    %mul3A_1 = arith.constant 640 : i32
    %mul3A_2 = arith.muli %arg1, %mul3A_1 : i32
    %mul3A_3 = arith.constant 10240 : i32
    %mul3A_4 = arith.muli %add3A, %mul3A_3 : i32
    "tpu.region"() ({
      %run_scoped3A = tpu.sem_alloc : memref<!tpu.dma_semaphore, #tpu.memory_space<semaphore_mem>>
      %dma_start3A_104 = arith.constant 0 : i32
      %dma_start3A_105 = tpu.memref_slice %arg19[%mul3A_2, %dma_start3A_104] : memref<10240x64xf32, #tpu.memory_space<vmem_shared>> -> memref<640x64xf32, #tpu.memory_space<vmem_shared>>
      %dma_start3A_106 = arith.constant 0 : i32
      %dma_start3A_107 = tpu.memref_slice %arg5[%mul3A_2, %dma_start3A_106] : memref<10240x64xf32, #tpu.memory_space<hbm>> -> memref<640x64xf32, #tpu.memory_space<hbm>>
      tpu.enqueue_dma source(%dma_start3A_107 : memref<640x64xf32, #tpu.memory_space<hbm>>) target(%dma_start3A_105 : memref<640x64xf32, #tpu.memory_space<vmem_shared>>) target_semaphore(%run_scoped3A : memref<!tpu.dma_semaphore, #tpu.memory_space<semaphore_mem>>)
      %dma_wait3A_108 = arith.constant 0 : i32
      %dma_wait3A_109 = tpu.memref_slice %arg19[%mul3A_2, %dma_wait3A_108] : memref<10240x64xf32, #tpu.memory_space<vmem_shared>> -> memref<640x64xf32, #tpu.memory_space<vmem_shared>>
      %dma_wait3A_110 = arith.constant 0 : i32
      %dma_wait3A_111 = tpu.memref_slice %arg5[%mul3A_2, %dma_wait3A_110] : memref<10240x64xf32, #tpu.memory_space<hbm>> -> memref<640x64xf32, #tpu.memory_space<hbm>>
      tpu.wait_dma2 semaphore(%run_scoped3A : memref<!tpu.dma_semaphore, #tpu.memory_space<semaphore_mem>>) src(%dma_wait3A_111 : memref<640x64xf32, #tpu.memory_space<hbm>>) dst(%dma_wait3A_109 : memref<640x64xf32, #tpu.memory_space<vmem_shared>>)
      tpu.yield
    }) : () -> ()
    %barrier3A = arith.constant 0 : index
    tpu.barrier barrier_id(%barrier3A)
    %add3A_5 = arith.constant 0 : i32
    %add3A_6 = arith.addi %mul3A_4, %add3A_5 : i32
    %dma_start3A = tpu.memref_slice %arg2[%add3A_6] : memref<327680xi32, #tpu.memory_space<hbm>> -> memref<256xi32, #tpu.memory_space<hbm>>
    %dma_start3A_7 = tpu.memref_slice %arg2[%add3A_6] : memref<327680xi32, #tpu.memory_space<hbm>> -> memref<256xi32, #tpu.memory_space<hbm>>
    tpu.enqueue_dma source(%dma_start3A_7 : memref<256xi32, #tpu.memory_space<hbm>>) target(%arg7 : memref<256xi32, #tpu.memory_space<vmem>>) target_semaphore(%arg28 : memref<!tpu.dma_semaphore, #tpu.memory_space<semaphore_mem>>)
    %add3A_8 = arith.constant 0 : i32
    %add3A_9 = arith.addi %mul3A_4, %add3A_8 : i32
    %dma_start3A_10 = tpu.memref_slice %arg3[%add3A_9] : memref<327680xi32, #tpu.memory_space<hbm>> -> memref<256xi32, #tpu.memory_space<hbm>>
    %dma_start3A_11 = tpu.memref_slice %arg3[%add3A_9] : memref<327680xi32, #tpu.memory_space<hbm>> -> memref<256xi32, #tpu.memory_space<hbm>>
    tpu.enqueue_dma source(%dma_start3A_11 : memref<256xi32, #tpu.memory_space<hbm>>) target(%arg11 : memref<256xi32, #tpu.memory_space<vmem>>) target_semaphore(%arg28 : memref<!tpu.dma_semaphore, #tpu.memory_space<semaphore_mem>>)
    %add3A_12 = arith.constant 256 : i32
    %add3A_13 = arith.addi %mul3A_4, %add3A_12 : i32
    %dma_start3A_14 = tpu.memref_slice %arg2[%add3A_13] : memref<327680xi32, #tpu.memory_space<hbm>> -> memref<256xi32, #tpu.memory_space<hbm>>
    %dma_start3A_15 = tpu.memref_slice %arg2[%add3A_13] : memref<327680xi32, #tpu.memory_space<hbm>> -> memref<256xi32, #tpu.memory_space<hbm>>
    tpu.enqueue_dma source(%dma_start3A_15 : memref<256xi32, #tpu.memory_space<hbm>>) target(%arg8 : memref<256xi32, #tpu.memory_space<vmem>>) target_semaphore(%arg29 : memref<!tpu.dma_semaphore, #tpu.memory_space<semaphore_mem>>)
    %add3A_16 = arith.constant 256 : i32
    %add3A_17 = arith.addi %mul3A_4, %add3A_16 : i32
    %dma_start3A_18 = tpu.memref_slice %arg3[%add3A_17] : memref<327680xi32, #tpu.memory_space<hbm>> -> memref<256xi32, #tpu.memory_space<hbm>>
    %dma_start3A_19 = tpu.memref_slice %arg3[%add3A_17] : memref<327680xi32, #tpu.memory_space<hbm>> -> memref<256xi32, #tpu.memory_space<hbm>>
    tpu.enqueue_dma source(%dma_start3A_19 : memref<256xi32, #tpu.memory_space<hbm>>) target(%arg12 : memref<256xi32, #tpu.memory_space<vmem>>) target_semaphore(%arg29 : memref<!tpu.dma_semaphore, #tpu.memory_space<semaphore_mem>>)
    %add3A_20 = arith.constant 512 : i32
    %add3A_21 = arith.addi %mul3A_4, %add3A_20 : i32
    %dma_start3A_22 = tpu.memref_slice %arg2[%add3A_21] : memref<327680xi32, #tpu.memory_space<hbm>> -> memref<256xi32, #tpu.memory_space<hbm>>
    %dma_start3A_23 = tpu.memref_slice %arg2[%add3A_21] : memref<327680xi32, #tpu.memory_space<hbm>> -> memref<256xi32, #tpu.memory_space<hbm>>
    tpu.enqueue_dma source(%dma_start3A_23 : memref<256xi32, #tpu.memory_space<hbm>>) target(%arg9 : memref<256xi32, #tpu.memory_space<vmem>>) target_semaphore(%arg30 : memref<!tpu.dma_semaphore, #tpu.memory_space<semaphore_mem>>)
    %add3A_24 = arith.constant 512 : i32
    %add3A_25 = arith.addi %mul3A_4, %add3A_24 : i32
    %dma_start3A_26 = tpu.memref_slice %arg3[%add3A_25] : memref<327680xi32, #tpu.memory_space<hbm>> -> memref<256xi32, #tpu.memory_space<hbm>>
    %dma_start3A_27 = tpu.memref_slice %arg3[%add3A_25] : memref<327680xi32, #tpu.memory_space<hbm>> -> memref<256xi32, #tpu.memory_space<hbm>>
    tpu.enqueue_dma source(%dma_start3A_27 : memref<256xi32, #tpu.memory_space<hbm>>) target(%arg13 : memref<256xi32, #tpu.memory_space<vmem>>) target_semaphore(%arg30 : memref<!tpu.dma_semaphore, #tpu.memory_space<semaphore_mem>>)
    %add3A_28 = arith.constant 768 : i32
    %add3A_29 = arith.addi %mul3A_4, %add3A_28 : i32
    %dma_start3A_30 = tpu.memref_slice %arg2[%add3A_29] : memref<327680xi32, #tpu.memory_space<hbm>> -> memref<256xi32, #tpu.memory_space<hbm>>
    %dma_start3A_31 = tpu.memref_slice %arg2[%add3A_29] : memref<327680xi32, #tpu.memory_space<hbm>> -> memref<256xi32, #tpu.memory_space<hbm>>
    tpu.enqueue_dma source(%dma_start3A_31 : memref<256xi32, #tpu.memory_space<hbm>>) target(%arg10 : memref<256xi32, #tpu.memory_space<vmem>>) target_semaphore(%arg31 : memref<!tpu.dma_semaphore, #tpu.memory_space<semaphore_mem>>)
    %add3A_32 = arith.constant 768 : i32
    %add3A_33 = arith.addi %mul3A_4, %add3A_32 : i32
    %dma_start3A_34 = tpu.memref_slice %arg3[%add3A_33] : memref<327680xi32, #tpu.memory_space<hbm>> -> memref<256xi32, #tpu.memory_space<hbm>>
    %dma_start3A_35 = tpu.memref_slice %arg3[%add3A_33] : memref<327680xi32, #tpu.memory_space<hbm>> -> memref<256xi32, #tpu.memory_space<hbm>>
    tpu.enqueue_dma source(%dma_start3A_35 : memref<256xi32, #tpu.memory_space<hbm>>) target(%arg14 : memref<256xi32, #tpu.memory_space<vmem>>) target_semaphore(%arg31 : memref<!tpu.dma_semaphore, #tpu.memory_space<semaphore_mem>>)
    %dma_wait3A = tpu.memref_slice %arg2[%mul3A_4] : memref<327680xi32, #tpu.memory_space<hbm>> -> memref<256xi32, #tpu.memory_space<hbm>>
    %dma_wait3A_36 = tpu.memref_slice %arg2[%mul3A_4] : memref<327680xi32, #tpu.memory_space<hbm>> -> memref<256xi32, #tpu.memory_space<hbm>>
    tpu.wait_dma2 semaphore(%arg28 : memref<!tpu.dma_semaphore, #tpu.memory_space<semaphore_mem>>) src(%dma_wait3A_36 : memref<256xi32, #tpu.memory_space<hbm>>) dst(%arg7 : memref<256xi32, #tpu.memory_space<vmem>>)
    %dma_wait3A_37 = tpu.memref_slice %arg3[%mul3A_4] : memref<327680xi32, #tpu.memory_space<hbm>> -> memref<256xi32, #tpu.memory_space<hbm>>
    %dma_wait3A_38 = tpu.memref_slice %arg3[%mul3A_4] : memref<327680xi32, #tpu.memory_space<hbm>> -> memref<256xi32, #tpu.memory_space<hbm>>
    tpu.wait_dma2 semaphore(%arg28 : memref<!tpu.dma_semaphore, #tpu.memory_space<semaphore_mem>>) src(%dma_wait3A_38 : memref<256xi32, #tpu.memory_space<hbm>>) dst(%arg11 : memref<256xi32, #tpu.memory_space<vmem>>)
    %dma_start3A_39 = arith.constant 0 : i32
    %dma_start3A_40 = arith.constant 0 : i32
    %dma_start3A_41 = tpu.memref_slice %arg4[%dma_start3A_39, %dma_start3A_40] : memref<10240x64xf32, #tpu.memory_space<hbm>> -> memref<10240x64xf32, #tpu.memory_space<hbm>>
    tpu.enqueue_indirect_dma source(%dma_start3A_41 : memref<10240x64xf32, #tpu.memory_space<hbm>>) target(%arg15 : memref<256x64xf32, #tpu.memory_space<vmem>>) offsets(%arg7 : memref<256xi32, #tpu.memory_space<vmem>>) semaphore(%arg20 : memref<!tpu.dma_semaphore, #tpu.memory_space<semaphore_mem>>)
    %dma_wait3A_42 = tpu.memref_slice %arg2[%mul3A_4] : memref<327680xi32, #tpu.memory_space<hbm>> -> memref<256xi32, #tpu.memory_space<hbm>>
    %dma_wait3A_43 = tpu.memref_slice %arg2[%mul3A_4] : memref<327680xi32, #tpu.memory_space<hbm>> -> memref<256xi32, #tpu.memory_space<hbm>>
    tpu.wait_dma2 semaphore(%arg29 : memref<!tpu.dma_semaphore, #tpu.memory_space<semaphore_mem>>) src(%dma_wait3A_43 : memref<256xi32, #tpu.memory_space<hbm>>) dst(%arg8 : memref<256xi32, #tpu.memory_space<vmem>>)
    %dma_wait3A_44 = tpu.memref_slice %arg3[%mul3A_4] : memref<327680xi32, #tpu.memory_space<hbm>> -> memref<256xi32, #tpu.memory_space<hbm>>
    %dma_wait3A_45 = tpu.memref_slice %arg3[%mul3A_4] : memref<327680xi32, #tpu.memory_space<hbm>> -> memref<256xi32, #tpu.memory_space<hbm>>
    tpu.wait_dma2 semaphore(%arg29 : memref<!tpu.dma_semaphore, #tpu.memory_space<semaphore_mem>>) src(%dma_wait3A_45 : memref<256xi32, #tpu.memory_space<hbm>>) dst(%arg12 : memref<256xi32, #tpu.memory_space<vmem>>)
    %dma_start3A_46 = arith.constant 0 : i32
    %dma_start3A_47 = arith.constant 0 : i32
    %dma_start3A_48 = tpu.memref_slice %arg4[%dma_start3A_46, %dma_start3A_47] : memref<10240x64xf32, #tpu.memory_space<hbm>> -> memref<10240x64xf32, #tpu.memory_space<hbm>>
    tpu.enqueue_indirect_dma source(%dma_start3A_48 : memref<10240x64xf32, #tpu.memory_space<hbm>>) target(%arg16 : memref<256x64xf32, #tpu.memory_space<vmem>>) offsets(%arg8 : memref<256xi32, #tpu.memory_space<vmem>>) semaphore(%arg21 : memref<!tpu.dma_semaphore, #tpu.memory_space<semaphore_mem>>)
    %dma_wait3A_49 = arith.constant 0 : i32
    %dma_wait3A_50 = arith.constant 0 : i32
    %dma_wait3A_51 = tpu.memref_slice %arg4[%dma_wait3A_49, %dma_wait3A_50] : memref<10240x64xf32, #tpu.memory_space<hbm>> -> memref<10240x64xf32, #tpu.memory_space<hbm>>
    tpu.wait_indirect_dma semaphore(%arg20 : memref<!tpu.dma_semaphore, #tpu.memory_space<semaphore_mem>>) src(%dma_wait3A_51 : memref<10240x64xf32, #tpu.memory_space<hbm>>) dst(%arg15 : memref<256x64xf32, #tpu.memory_space<vmem>>)
    %dma_start3A_52 = arith.constant 0 : i32
    %dma_start3A_53 = arith.constant 0 : i32
    %dma_start3A_54 = tpu.memref_slice %arg19[%dma_start3A_52, %dma_start3A_53] : memref<10240x64xf32, #tpu.memory_space<vmem_shared>> -> memref<10240x64xf32, #tpu.memory_space<vmem_shared>>
    tpu.enqueue_indirect_dma source(%arg15 : memref<256x64xf32, #tpu.memory_space<vmem>>) target(%dma_start3A_54 : memref<10240x64xf32, #tpu.memory_space<vmem_shared>>) offsets(%arg11 : memref<256xi32, #tpu.memory_space<vmem>>) semaphore(%arg24 : memref<!tpu.dma_semaphore, #tpu.memory_space<semaphore_mem>>) {add = true}
    %dma_wait3A_55 = tpu.memref_slice %arg2[%mul3A_4] : memref<327680xi32, #tpu.memory_space<hbm>> -> memref<256xi32, #tpu.memory_space<hbm>>
    %dma_wait3A_56 = tpu.memref_slice %arg2[%mul3A_4] : memref<327680xi32, #tpu.memory_space<hbm>> -> memref<256xi32, #tpu.memory_space<hbm>>
    tpu.wait_dma2 semaphore(%arg30 : memref<!tpu.dma_semaphore, #tpu.memory_space<semaphore_mem>>) src(%dma_wait3A_56 : memref<256xi32, #tpu.memory_space<hbm>>) dst(%arg9 : memref<256xi32, #tpu.memory_space<vmem>>)
    %dma_wait3A_57 = tpu.memref_slice %arg3[%mul3A_4] : memref<327680xi32, #tpu.memory_space<hbm>> -> memref<256xi32, #tpu.memory_space<hbm>>
    %dma_wait3A_58 = tpu.memref_slice %arg3[%mul3A_4] : memref<327680xi32, #tpu.memory_space<hbm>> -> memref<256xi32, #tpu.memory_space<hbm>>
    tpu.wait_dma2 semaphore(%arg30 : memref<!tpu.dma_semaphore, #tpu.memory_space<semaphore_mem>>) src(%dma_wait3A_58 : memref<256xi32, #tpu.memory_space<hbm>>) dst(%arg13 : memref<256xi32, #tpu.memory_space<vmem>>)
    %dma_start3A_59 = arith.constant 0 : i32
    %dma_start3A_60 = arith.constant 0 : i32
    %dma_start3A_61 = tpu.memref_slice %arg4[%dma_start3A_59, %dma_start3A_60] : memref<10240x64xf32, #tpu.memory_space<hbm>> -> memref<10240x64xf32, #tpu.memory_space<hbm>>
    tpu.enqueue_indirect_dma source(%dma_start3A_61 : memref<10240x64xf32, #tpu.memory_space<hbm>>) target(%arg17 : memref<256x64xf32, #tpu.memory_space<vmem>>) offsets(%arg9 : memref<256xi32, #tpu.memory_space<vmem>>) semaphore(%arg22 : memref<!tpu.dma_semaphore, #tpu.memory_space<semaphore_mem>>)
    %dma_wait3A_62 = arith.constant 0 : i32
    %dma_wait3A_63 = arith.constant 0 : i32
    %dma_wait3A_64 = tpu.memref_slice %arg4[%dma_wait3A_62, %dma_wait3A_63] : memref<10240x64xf32, #tpu.memory_space<hbm>> -> memref<10240x64xf32, #tpu.memory_space<hbm>>
    tpu.wait_indirect_dma semaphore(%arg21 : memref<!tpu.dma_semaphore, #tpu.memory_space<semaphore_mem>>) src(%dma_wait3A_64 : memref<10240x64xf32, #tpu.memory_space<hbm>>) dst(%arg16 : memref<256x64xf32, #tpu.memory_space<vmem>>)
    %dma_start3A_65 = arith.constant 0 : i32
    %dma_start3A_66 = arith.constant 0 : i32
    %dma_start3A_67 = tpu.memref_slice %arg19[%dma_start3A_65, %dma_start3A_66] : memref<10240x64xf32, #tpu.memory_space<vmem_shared>> -> memref<10240x64xf32, #tpu.memory_space<vmem_shared>>
    tpu.enqueue_indirect_dma source(%arg16 : memref<256x64xf32, #tpu.memory_space<vmem>>) target(%dma_start3A_67 : memref<10240x64xf32, #tpu.memory_space<vmem_shared>>) offsets(%arg12 : memref<256xi32, #tpu.memory_space<vmem>>) semaphore(%arg25 : memref<!tpu.dma_semaphore, #tpu.memory_space<semaphore_mem>>) {add = true}
    %dma_wait3A_68 = tpu.memref_slice %arg2[%mul3A_4] : memref<327680xi32, #tpu.memory_space<hbm>> -> memref<256xi32, #tpu.memory_space<hbm>>
    %dma_wait3A_69 = tpu.memref_slice %arg2[%mul3A_4] : memref<327680xi32, #tpu.memory_space<hbm>> -> memref<256xi32, #tpu.memory_space<hbm>>
    tpu.wait_dma2 semaphore(%arg31 : memref<!tpu.dma_semaphore, #tpu.memory_space<semaphore_mem>>) src(%dma_wait3A_69 : memref<256xi32, #tpu.memory_space<hbm>>) dst(%arg10 : memref<256xi32, #tpu.memory_space<vmem>>)
    %dma_wait3A_70 = tpu.memref_slice %arg3[%mul3A_4] : memref<327680xi32, #tpu.memory_space<hbm>> -> memref<256xi32, #tpu.memory_space<hbm>>
    %dma_wait3A_71 = tpu.memref_slice %arg3[%mul3A_4] : memref<327680xi32, #tpu.memory_space<hbm>> -> memref<256xi32, #tpu.memory_space<hbm>>
    tpu.wait_dma2 semaphore(%arg31 : memref<!tpu.dma_semaphore, #tpu.memory_space<semaphore_mem>>) src(%dma_wait3A_71 : memref<256xi32, #tpu.memory_space<hbm>>) dst(%arg14 : memref<256xi32, #tpu.memory_space<vmem>>)
    %dma_start3A_72 = arith.constant 0 : i32
    %dma_start3A_73 = arith.constant 0 : i32
    %dma_start3A_74 = tpu.memref_slice %arg4[%dma_start3A_72, %dma_start3A_73] : memref<10240x64xf32, #tpu.memory_space<hbm>> -> memref<10240x64xf32, #tpu.memory_space<hbm>>
    tpu.enqueue_indirect_dma source(%dma_start3A_74 : memref<10240x64xf32, #tpu.memory_space<hbm>>) target(%arg18 : memref<256x64xf32, #tpu.memory_space<vmem>>) offsets(%arg10 : memref<256xi32, #tpu.memory_space<vmem>>) semaphore(%arg23 : memref<!tpu.dma_semaphore, #tpu.memory_space<semaphore_mem>>)
    %scan3A = arith.constant 0 : i32
    %scan3A_75 = arith.constant 9 : i32
    %scan3A_76 = arith.addi %scan3A, %scan3A_75 : i32
    %scan3A_77 = arith.constant 1 : i32
    scf.for %scan3A_104 = %scan3A to %scan3A_76 step %scan3A_77  : i32 {
      %mul3A_105 = arith.constant 1 : i32
      %mul3A_106 = arith.muli %scan3A_104, %mul3A_105 : i32
      %add3A_107 = arith.constant 0 : i32
      %add3A_108 = arith.addi %add3A_107, %mul3A_106 : i32
      %mul3A_109 = arith.constant 4 : i32
      %mul3A_110 = arith.muli %mul3A_109, %add3A_108 : i32
      %add3A_111 = arith.constant 2 : i32
      %add3A_112 = arith.addi %add3A_111, %mul3A_110 : i32
      %add3A_113 = arith.constant 0 : i32
      %add3A_114 = arith.addi %add3A_112, %add3A_113 : i32
      %dma_wait3A_115 = arith.constant 0 : i32
      %dma_wait3A_116 = arith.constant 0 : i32
      %dma_wait3A_117 = tpu.memref_slice %arg4[%dma_wait3A_115, %dma_wait3A_116] : memref<10240x64xf32, #tpu.memory_space<hbm>> -> memref<10240x64xf32, #tpu.memory_space<hbm>>
      tpu.wait_indirect_dma semaphore(%arg22 : memref<!tpu.dma_semaphore, #tpu.memory_space<semaphore_mem>>) src(%dma_wait3A_117 : memref<10240x64xf32, #tpu.memory_space<hbm>>) dst(%arg17 : memref<256x64xf32, #tpu.memory_space<vmem>>)
      %dma_start3A_118 = arith.constant 0 : i32
      %dma_start3A_119 = arith.constant 0 : i32
      %dma_start3A_120 = tpu.memref_slice %arg19[%dma_start3A_118, %dma_start3A_119] : memref<10240x64xf32, #tpu.memory_space<vmem_shared>> -> memref<10240x64xf32, #tpu.memory_space<vmem_shared>>
      tpu.enqueue_indirect_dma source(%arg17 : memref<256x64xf32, #tpu.memory_space<vmem>>) target(%dma_start3A_120 : memref<10240x64xf32, #tpu.memory_space<vmem_shared>>) offsets(%arg13 : memref<256xi32, #tpu.memory_space<vmem>>) semaphore(%arg26 : memref<!tpu.dma_semaphore, #tpu.memory_space<semaphore_mem>>) {add = true}
      %dma_wait3A_121 = arith.constant 0 : i32
      %dma_wait3A_122 = arith.constant 0 : i32
      %dma_wait3A_123 = tpu.memref_slice %arg19[%dma_wait3A_121, %dma_wait3A_122] : memref<10240x64xf32, #tpu.memory_space<vmem_shared>> -> memref<10240x64xf32, #tpu.memory_space<vmem_shared>>
      tpu.wait_indirect_dma semaphore(%arg24 : memref<!tpu.dma_semaphore, #tpu.memory_space<semaphore_mem>>) src(%arg15 : memref<256x64xf32, #tpu.memory_space<vmem>>) dst(%dma_wait3A_123 : memref<10240x64xf32, #tpu.memory_space<vmem_shared>>)
      %add3A_124 = arith.constant 2 : i32
      %add3A_125 = arith.addi %add3A_114, %add3A_124 : i32
      %mul3A_126 = arith.constant 256 : i32
      %mul3A_127 = arith.muli %add3A_125, %mul3A_126 : i32
      %add3A_128 = arith.addi %mul3A_4, %mul3A_127 : i32
      %dma_start3A_129 = tpu.memref_slice %arg2[%add3A_128] : memref<327680xi32, #tpu.memory_space<hbm>> -> memref<256xi32, #tpu.memory_space<hbm>>
      %dma_start3A_130 = tpu.memref_slice %arg2[%add3A_128] : memref<327680xi32, #tpu.memory_space<hbm>> -> memref<256xi32, #tpu.memory_space<hbm>>
      tpu.enqueue_dma source(%dma_start3A_130 : memref<256xi32, #tpu.memory_space<hbm>>) target(%arg7 : memref<256xi32, #tpu.memory_space<vmem>>) target_semaphore(%arg28 : memref<!tpu.dma_semaphore, #tpu.memory_space<semaphore_mem>>)
      %mul3A_131 = arith.constant 256 : i32
      %mul3A_132 = arith.muli %add3A_125, %mul3A_131 : i32
      %add3A_133 = arith.addi %mul3A_4, %mul3A_132 : i32
      %dma_start3A_134 = tpu.memref_slice %arg3[%add3A_133] : memref<327680xi32, #tpu.memory_space<hbm>> -> memref<256xi32, #tpu.memory_space<hbm>>
      %dma_start3A_135 = tpu.memref_slice %arg3[%add3A_133] : memref<327680xi32, #tpu.memory_space<hbm>> -> memref<256xi32, #tpu.memory_space<hbm>>
      tpu.enqueue_dma source(%dma_start3A_135 : memref<256xi32, #tpu.memory_space<hbm>>) target(%arg11 : memref<256xi32, #tpu.memory_space<vmem>>) target_semaphore(%arg28 : memref<!tpu.dma_semaphore, #tpu.memory_space<semaphore_mem>>)
      %dma_wait3A_136 = tpu.memref_slice %arg2[%mul3A_4] : memref<327680xi32, #tpu.memory_space<hbm>> -> memref<256xi32, #tpu.memory_space<hbm>>
      %dma_wait3A_137 = tpu.memref_slice %arg2[%mul3A_4] : memref<327680xi32, #tpu.memory_space<hbm>> -> memref<256xi32, #tpu.memory_space<hbm>>
      tpu.wait_dma2 semaphore(%arg28 : memref<!tpu.dma_semaphore, #tpu.memory_space<semaphore_mem>>) src(%dma_wait3A_137 : memref<256xi32, #tpu.memory_space<hbm>>) dst(%arg7 : memref<256xi32, #tpu.memory_space<vmem>>)
      %dma_wait3A_138 = tpu.memref_slice %arg3[%mul3A_4] : memref<327680xi32, #tpu.memory_space<hbm>> -> memref<256xi32, #tpu.memory_space<hbm>>
      %dma_wait3A_139 = tpu.memref_slice %arg3[%mul3A_4] : memref<327680xi32, #tpu.memory_space<hbm>> -> memref<256xi32, #tpu.memory_space<hbm>>
      tpu.wait_dma2 semaphore(%arg28 : memref<!tpu.dma_semaphore, #tpu.memory_space<semaphore_mem>>) src(%dma_wait3A_139 : memref<256xi32, #tpu.memory_space<hbm>>) dst(%arg11 : memref<256xi32, #tpu.memory_space<vmem>>)
      %dma_start3A_140 = arith.constant 0 : i32
      %dma_start3A_141 = arith.constant 0 : i32
      %dma_start3A_142 = tpu.memref_slice %arg4[%dma_start3A_140, %dma_start3A_141] : memref<10240x64xf32, #tpu.memory_space<hbm>> -> memref<10240x64xf32, #tpu.memory_space<hbm>>
      tpu.enqueue_indirect_dma source(%dma_start3A_142 : memref<10240x64xf32, #tpu.memory_space<hbm>>) target(%arg15 : memref<256x64xf32, #tpu.memory_space<vmem>>) offsets(%arg7 : memref<256xi32, #tpu.memory_space<vmem>>) semaphore(%arg20 : memref<!tpu.dma_semaphore, #tpu.memory_space<semaphore_mem>>)
      %mul3A_143 = arith.constant 4 : i32
      %mul3A_144 = arith.muli %mul3A_143, %add3A_108 : i32
      %add3A_145 = arith.constant 2 : i32
      %add3A_146 = arith.addi %add3A_145, %mul3A_144 : i32
      %add3A_147 = arith.constant 1 : i32
      %add3A_148 = arith.addi %add3A_146, %add3A_147 : i32
      %dma_wait3A_149 = arith.constant 0 : i32
      %dma_wait3A_150 = arith.constant 0 : i32
      %dma_wait3A_151 = tpu.memref_slice %arg4[%dma_wait3A_149, %dma_wait3A_150] : memref<10240x64xf32, #tpu.memory_space<hbm>> -> memref<10240x64xf32, #tpu.memory_space<hbm>>
      tpu.wait_indirect_dma semaphore(%arg23 : memref<!tpu.dma_semaphore, #tpu.memory_space<semaphore_mem>>) src(%dma_wait3A_151 : memref<10240x64xf32, #tpu.memory_space<hbm>>) dst(%arg18 : memref<256x64xf32, #tpu.memory_space<vmem>>)
      %dma_start3A_152 = arith.constant 0 : i32
      %dma_start3A_153 = arith.constant 0 : i32
      %dma_start3A_154 = tpu.memref_slice %arg19[%dma_start3A_152, %dma_start3A_153] : memref<10240x64xf32, #tpu.memory_space<vmem_shared>> -> memref<10240x64xf32, #tpu.memory_space<vmem_shared>>
      tpu.enqueue_indirect_dma source(%arg18 : memref<256x64xf32, #tpu.memory_space<vmem>>) target(%dma_start3A_154 : memref<10240x64xf32, #tpu.memory_space<vmem_shared>>) offsets(%arg14 : memref<256xi32, #tpu.memory_space<vmem>>) semaphore(%arg27 : memref<!tpu.dma_semaphore, #tpu.memory_space<semaphore_mem>>) {add = true}
      %dma_wait3A_155 = arith.constant 0 : i32
      %dma_wait3A_156 = arith.constant 0 : i32
      %dma_wait3A_157 = tpu.memref_slice %arg19[%dma_wait3A_155, %dma_wait3A_156] : memref<10240x64xf32, #tpu.memory_space<vmem_shared>> -> memref<10240x64xf32, #tpu.memory_space<vmem_shared>>
      tpu.wait_indirect_dma semaphore(%arg25 : memref<!tpu.dma_semaphore, #tpu.memory_space<semaphore_mem>>) src(%arg16 : memref<256x64xf32, #tpu.memory_space<vmem>>) dst(%dma_wait3A_157 : memref<10240x64xf32, #tpu.memory_space<vmem_shared>>)
      %add3A_158 = arith.constant 2 : i32
      %add3A_159 = arith.addi %add3A_148, %add3A_158 : i32
      %mul3A_160 = arith.constant 256 : i32
      %mul3A_161 = arith.muli %add3A_159, %mul3A_160 : i32
      %add3A_162 = arith.addi %mul3A_4, %mul3A_161 : i32
      %dma_start3A_163 = tpu.memref_slice %arg2[%add3A_162] : memref<327680xi32, #tpu.memory_space<hbm>> -> memref<256xi32, #tpu.memory_space<hbm>>
      %dma_start3A_164 = tpu.memref_slice %arg2[%add3A_162] : memref<327680xi32, #tpu.memory_space<hbm>> -> memref<256xi32, #tpu.memory_space<hbm>>
      tpu.enqueue_dma source(%dma_start3A_164 : memref<256xi32, #tpu.memory_space<hbm>>) target(%arg8 : memref<256xi32, #tpu.memory_space<vmem>>) target_semaphore(%arg29 : memref<!tpu.dma_semaphore, #tpu.memory_space<semaphore_mem>>)
      %mul3A_165 = arith.constant 256 : i32
      %mul3A_166 = arith.muli %add3A_159, %mul3A_165 : i32
      %add3A_167 = arith.addi %mul3A_4, %mul3A_166 : i32
      %dma_start3A_168 = tpu.memref_slice %arg3[%add3A_167] : memref<327680xi32, #tpu.memory_space<hbm>> -> memref<256xi32, #tpu.memory_space<hbm>>
      %dma_start3A_169 = tpu.memref_slice %arg3[%add3A_167] : memref<327680xi32, #tpu.memory_space<hbm>> -> memref<256xi32, #tpu.memory_space<hbm>>
      tpu.enqueue_dma source(%dma_start3A_169 : memref<256xi32, #tpu.memory_space<hbm>>) target(%arg12 : memref<256xi32, #tpu.memory_space<vmem>>) target_semaphore(%arg29 : memref<!tpu.dma_semaphore, #tpu.memory_space<semaphore_mem>>)
      %dma_wait3A_170 = tpu.memref_slice %arg2[%mul3A_4] : memref<327680xi32, #tpu.memory_space<hbm>> -> memref<256xi32, #tpu.memory_space<hbm>>
      %dma_wait3A_171 = tpu.memref_slice %arg2[%mul3A_4] : memref<327680xi32, #tpu.memory_space<hbm>> -> memref<256xi32, #tpu.memory_space<hbm>>
      tpu.wait_dma2 semaphore(%arg29 : memref<!tpu.dma_semaphore, #tpu.memory_space<semaphore_mem>>) src(%dma_wait3A_171 : memref<256xi32, #tpu.memory_space<hbm>>) dst(%arg8 : memref<256xi32, #tpu.memory_space<vmem>>)
      %dma_wait3A_172 = tpu.memref_slice %arg3[%mul3A_4] : memref<327680xi32, #tpu.memory_space<hbm>> -> memref<256xi32, #tpu.memory_space<hbm>>
      %dma_wait3A_173 = tpu.memref_slice %arg3[%mul3A_4] : memref<327680xi32, #tpu.memory_space<hbm>> -> memref<256xi32, #tpu.memory_space<hbm>>
      tpu.wait_dma2 semaphore(%arg29 : memref<!tpu.dma_semaphore, #tpu.memory_space<semaphore_mem>>) src(%dma_wait3A_173 : memref<256xi32, #tpu.memory_space<hbm>>) dst(%arg12 : memref<256xi32, #tpu.memory_space<vmem>>)
      %dma_start3A_174 = arith.constant 0 : i32
      %dma_start3A_175 = arith.constant 0 : i32
      %dma_start3A_176 = tpu.memref_slice %arg4[%dma_start3A_174, %dma_start3A_175] : memref<10240x64xf32, #tpu.memory_space<hbm>> -> memref<10240x64xf32, #tpu.memory_space<hbm>>
      tpu.enqueue_indirect_dma source(%dma_start3A_176 : memref<10240x64xf32, #tpu.memory_space<hbm>>) target(%arg16 : memref<256x64xf32, #tpu.memory_space<vmem>>) offsets(%arg8 : memref<256xi32, #tpu.memory_space<vmem>>) semaphore(%arg21 : memref<!tpu.dma_semaphore, #tpu.memory_space<semaphore_mem>>)
      %mul3A_177 = arith.constant 4 : i32
      %mul3A_178 = arith.muli %mul3A_177, %add3A_108 : i32
      %add3A_179 = arith.constant 2 : i32
      %add3A_180 = arith.addi %add3A_179, %mul3A_178 : i32
      %add3A_181 = arith.constant 2 : i32
      %add3A_182 = arith.addi %add3A_180, %add3A_181 : i32
      %dma_wait3A_183 = arith.constant 0 : i32
      %dma_wait3A_184 = arith.constant 0 : i32
      %dma_wait3A_185 = tpu.memref_slice %arg4[%dma_wait3A_183, %dma_wait3A_184] : memref<10240x64xf32, #tpu.memory_space<hbm>> -> memref<10240x64xf32, #tpu.memory_space<hbm>>
      tpu.wait_indirect_dma semaphore(%arg20 : memref<!tpu.dma_semaphore, #tpu.memory_space<semaphore_mem>>) src(%dma_wait3A_185 : memref<10240x64xf32, #tpu.memory_space<hbm>>) dst(%arg15 : memref<256x64xf32, #tpu.memory_space<vmem>>)
      %dma_start3A_186 = arith.constant 0 : i32
      %dma_start3A_187 = arith.constant 0 : i32
      %dma_start3A_188 = tpu.memref_slice %arg19[%dma_start3A_186, %dma_start3A_187] : memref<10240x64xf32, #tpu.memory_space<vmem_shared>> -> memref<10240x64xf32, #tpu.memory_space<vmem_shared>>
      tpu.enqueue_indirect_dma source(%arg15 : memref<256x64xf32, #tpu.memory_space<vmem>>) target(%dma_start3A_188 : memref<10240x64xf32, #tpu.memory_space<vmem_shared>>) offsets(%arg11 : memref<256xi32, #tpu.memory_space<vmem>>) semaphore(%arg24 : memref<!tpu.dma_semaphore, #tpu.memory_space<semaphore_mem>>) {add = true}
      %dma_wait3A_189 = arith.constant 0 : i32
      %dma_wait3A_190 = arith.constant 0 : i32
      %dma_wait3A_191 = tpu.memref_slice %arg19[%dma_wait3A_189, %dma_wait3A_190] : memref<10240x64xf32, #tpu.memory_space<vmem_shared>> -> memref<10240x64xf32, #tpu.memory_space<vmem_shared>>
      tpu.wait_indirect_dma semaphore(%arg26 : memref<!tpu.dma_semaphore, #tpu.memory_space<semaphore_mem>>) src(%arg17 : memref<256x64xf32, #tpu.memory_space<vmem>>) dst(%dma_wait3A_191 : memref<10240x64xf32, #tpu.memory_space<vmem_shared>>)
      %add3A_192 = arith.constant 2 : i32
      %add3A_193 = arith.addi %add3A_182, %add3A_192 : i32
      %mul3A_194 = arith.constant 256 : i32
      %mul3A_195 = arith.muli %add3A_193, %mul3A_194 : i32
      %add3A_196 = arith.addi %mul3A_4, %mul3A_195 : i32
      %dma_start3A_197 = tpu.memref_slice %arg2[%add3A_196] : memref<327680xi32, #tpu.memory_space<hbm>> -> memref<256xi32, #tpu.memory_space<hbm>>
      %dma_start3A_198 = tpu.memref_slice %arg2[%add3A_196] : memref<327680xi32, #tpu.memory_space<hbm>> -> memref<256xi32, #tpu.memory_space<hbm>>
      tpu.enqueue_dma source(%dma_start3A_198 : memref<256xi32, #tpu.memory_space<hbm>>) target(%arg9 : memref<256xi32, #tpu.memory_space<vmem>>) target_semaphore(%arg30 : memref<!tpu.dma_semaphore, #tpu.memory_space<semaphore_mem>>)
      %mul3A_199 = arith.constant 256 : i32
      %mul3A_200 = arith.muli %add3A_193, %mul3A_199 : i32
      %add3A_201 = arith.addi %mul3A_4, %mul3A_200 : i32
      %dma_start3A_202 = tpu.memref_slice %arg3[%add3A_201] : memref<327680xi32, #tpu.memory_space<hbm>> -> memref<256xi32, #tpu.memory_space<hbm>>
      %dma_start3A_203 = tpu.memref_slice %arg3[%add3A_201] : memref<327680xi32, #tpu.memory_space<hbm>> -> memref<256xi32, #tpu.memory_space<hbm>>
      tpu.enqueue_dma source(%dma_start3A_203 : memref<256xi32, #tpu.memory_space<hbm>>) target(%arg13 : memref<256xi32, #tpu.memory_space<vmem>>) target_semaphore(%arg30 : memref<!tpu.dma_semaphore, #tpu.memory_space<semaphore_mem>>)
      %dma_wait3A_204 = tpu.memref_slice %arg2[%mul3A_4] : memref<327680xi32, #tpu.memory_space<hbm>> -> memref<256xi32, #tpu.memory_space<hbm>>
      %dma_wait3A_205 = tpu.memref_slice %arg2[%mul3A_4] : memref<327680xi32, #tpu.memory_space<hbm>> -> memref<256xi32, #tpu.memory_space<hbm>>
      tpu.wait_dma2 semaphore(%arg30 : memref<!tpu.dma_semaphore, #tpu.memory_space<semaphore_mem>>) src(%dma_wait3A_205 : memref<256xi32, #tpu.memory_space<hbm>>) dst(%arg9 : memref<256xi32, #tpu.memory_space<vmem>>)
      %dma_wait3A_206 = tpu.memref_slice %arg3[%mul3A_4] : memref<327680xi32, #tpu.memory_space<hbm>> -> memref<256xi32, #tpu.memory_space<hbm>>
      %dma_wait3A_207 = tpu.memref_slice %arg3[%mul3A_4] : memref<327680xi32, #tpu.memory_space<hbm>> -> memref<256xi32, #tpu.memory_space<hbm>>
      tpu.wait_dma2 semaphore(%arg30 : memref<!tpu.dma_semaphore, #tpu.memory_space<semaphore_mem>>) src(%dma_wait3A_207 : memref<256xi32, #tpu.memory_space<hbm>>) dst(%arg13 : memref<256xi32, #tpu.memory_space<vmem>>)
      %dma_start3A_208 = arith.constant 0 : i32
      %dma_start3A_209 = arith.constant 0 : i32
      %dma_start3A_210 = tpu.memref_slice %arg4[%dma_start3A_208, %dma_start3A_209] : memref<10240x64xf32, #tpu.memory_space<hbm>> -> memref<10240x64xf32, #tpu.memory_space<hbm>>
      tpu.enqueue_indirect_dma source(%dma_start3A_210 : memref<10240x64xf32, #tpu.memory_space<hbm>>) target(%arg17 : memref<256x64xf32, #tpu.memory_space<vmem>>) offsets(%arg9 : memref<256xi32, #tpu.memory_space<vmem>>) semaphore(%arg22 : memref<!tpu.dma_semaphore, #tpu.memory_space<semaphore_mem>>)
      %mul3A_211 = arith.constant 4 : i32
      %mul3A_212 = arith.muli %mul3A_211, %add3A_108 : i32
      %add3A_213 = arith.constant 2 : i32
      %add3A_214 = arith.addi %add3A_213, %mul3A_212 : i32
      %add3A_215 = arith.constant 3 : i32
      %add3A_216 = arith.addi %add3A_214, %add3A_215 : i32
      %dma_wait3A_217 = arith.constant 0 : i32
      %dma_wait3A_218 = arith.constant 0 : i32
      %dma_wait3A_219 = tpu.memref_slice %arg4[%dma_wait3A_217, %dma_wait3A_218] : memref<10240x64xf32, #tpu.memory_space<hbm>> -> memref<10240x64xf32, #tpu.memory_space<hbm>>
      tpu.wait_indirect_dma semaphore(%arg21 : memref<!tpu.dma_semaphore, #tpu.memory_space<semaphore_mem>>) src(%dma_wait3A_219 : memref<10240x64xf32, #tpu.memory_space<hbm>>) dst(%arg16 : memref<256x64xf32, #tpu.memory_space<vmem>>)
      %dma_start3A_220 = arith.constant 0 : i32
      %dma_start3A_221 = arith.constant 0 : i32
      %dma_start3A_222 = tpu.memref_slice %arg19[%dma_start3A_220, %dma_start3A_221] : memref<10240x64xf32, #tpu.memory_space<vmem_shared>> -> memref<10240x64xf32, #tpu.memory_space<vmem_shared>>
      tpu.enqueue_indirect_dma source(%arg16 : memref<256x64xf32, #tpu.memory_space<vmem>>) target(%dma_start3A_222 : memref<10240x64xf32, #tpu.memory_space<vmem_shared>>) offsets(%arg12 : memref<256xi32, #tpu.memory_space<vmem>>) semaphore(%arg25 : memref<!tpu.dma_semaphore, #tpu.memory_space<semaphore_mem>>) {add = true}
      %dma_wait3A_223 = arith.constant 0 : i32
      %dma_wait3A_224 = arith.constant 0 : i32
      %dma_wait3A_225 = tpu.memref_slice %arg19[%dma_wait3A_223, %dma_wait3A_224] : memref<10240x64xf32, #tpu.memory_space<vmem_shared>> -> memref<10240x64xf32, #tpu.memory_space<vmem_shared>>
      tpu.wait_indirect_dma semaphore(%arg27 : memref<!tpu.dma_semaphore, #tpu.memory_space<semaphore_mem>>) src(%arg18 : memref<256x64xf32, #tpu.memory_space<vmem>>) dst(%dma_wait3A_225 : memref<10240x64xf32, #tpu.memory_space<vmem_shared>>)
      %add3A_226 = arith.constant 2 : i32
      %add3A_227 = arith.addi %add3A_216, %add3A_226 : i32
      %mul3A_228 = arith.constant 256 : i32
      %mul3A_229 = arith.muli %add3A_227, %mul3A_228 : i32
      %add3A_230 = arith.addi %mul3A_4, %mul3A_229 : i32
      %dma_start3A_231 = tpu.memref_slice %arg2[%add3A_230] : memref<327680xi32, #tpu.memory_space<hbm>> -> memref<256xi32, #tpu.memory_space<hbm>>
      %dma_start3A_232 = tpu.memref_slice %arg2[%add3A_230] : memref<327680xi32, #tpu.memory_space<hbm>> -> memref<256xi32, #tpu.memory_space<hbm>>
      tpu.enqueue_dma source(%dma_start3A_232 : memref<256xi32, #tpu.memory_space<hbm>>) target(%arg10 : memref<256xi32, #tpu.memory_space<vmem>>) target_semaphore(%arg31 : memref<!tpu.dma_semaphore, #tpu.memory_space<semaphore_mem>>)
      %mul3A_233 = arith.constant 256 : i32
      %mul3A_234 = arith.muli %add3A_227, %mul3A_233 : i32
      %add3A_235 = arith.addi %mul3A_4, %mul3A_234 : i32
      %dma_start3A_236 = tpu.memref_slice %arg3[%add3A_235] : memref<327680xi32, #tpu.memory_space<hbm>> -> memref<256xi32, #tpu.memory_space<hbm>>
      %dma_start3A_237 = tpu.memref_slice %arg3[%add3A_235] : memref<327680xi32, #tpu.memory_space<hbm>> -> memref<256xi32, #tpu.memory_space<hbm>>
      tpu.enqueue_dma source(%dma_start3A_237 : memref<256xi32, #tpu.memory_space<hbm>>) target(%arg14 : memref<256xi32, #tpu.memory_space<vmem>>) target_semaphore(%arg31 : memref<!tpu.dma_semaphore, #tpu.memory_space<semaphore_mem>>)
      %dma_wait3A_238 = tpu.memref_slice %arg2[%mul3A_4] : memref<327680xi32, #tpu.memory_space<hbm>> -> memref<256xi32, #tpu.memory_space<hbm>>
      %dma_wait3A_239 = tpu.memref_slice %arg2[%mul3A_4] : memref<327680xi32, #tpu.memory_space<hbm>> -> memref<256xi32, #tpu.memory_space<hbm>>
      tpu.wait_dma2 semaphore(%arg31 : memref<!tpu.dma_semaphore, #tpu.memory_space<semaphore_mem>>) src(%dma_wait3A_239 : memref<256xi32, #tpu.memory_space<hbm>>) dst(%arg10 : memref<256xi32, #tpu.memory_space<vmem>>)
      %dma_wait3A_240 = tpu.memref_slice %arg3[%mul3A_4] : memref<327680xi32, #tpu.memory_space<hbm>> -> memref<256xi32, #tpu.memory_space<hbm>>
      %dma_wait3A_241 = tpu.memref_slice %arg3[%mul3A_4] : memref<327680xi32, #tpu.memory_space<hbm>> -> memref<256xi32, #tpu.memory_space<hbm>>
      tpu.wait_dma2 semaphore(%arg31 : memref<!tpu.dma_semaphore, #tpu.memory_space<semaphore_mem>>) src(%dma_wait3A_241 : memref<256xi32, #tpu.memory_space<hbm>>) dst(%arg14 : memref<256xi32, #tpu.memory_space<vmem>>)
      %dma_start3A_242 = arith.constant 0 : i32
      %dma_start3A_243 = arith.constant 0 : i32
      %dma_start3A_244 = tpu.memref_slice %arg4[%dma_start3A_242, %dma_start3A_243] : memref<10240x64xf32, #tpu.memory_space<hbm>> -> memref<10240x64xf32, #tpu.memory_space<hbm>>
      tpu.enqueue_indirect_dma source(%dma_start3A_244 : memref<10240x64xf32, #tpu.memory_space<hbm>>) target(%arg18 : memref<256x64xf32, #tpu.memory_space<vmem>>) offsets(%arg10 : memref<256xi32, #tpu.memory_space<vmem>>) semaphore(%arg23 : memref<!tpu.dma_semaphore, #tpu.memory_space<semaphore_mem>>)
    }
    %scan3A_78 = arith.constant 9 : i32
    %dma_wait3A_79 = arith.constant 0 : i32
    %dma_wait3A_80 = arith.constant 0 : i32
    %dma_wait3A_81 = tpu.memref_slice %arg4[%dma_wait3A_79, %dma_wait3A_80] : memref<10240x64xf32, #tpu.memory_space<hbm>> -> memref<10240x64xf32, #tpu.memory_space<hbm>>
    tpu.wait_indirect_dma semaphore(%arg22 : memref<!tpu.dma_semaphore, #tpu.memory_space<semaphore_mem>>) src(%dma_wait3A_81 : memref<10240x64xf32, #tpu.memory_space<hbm>>) dst(%arg17 : memref<256x64xf32, #tpu.memory_space<vmem>>)
    %dma_start3A_82 = arith.constant 0 : i32
    %dma_start3A_83 = arith.constant 0 : i32
    %dma_start3A_84 = tpu.memref_slice %arg19[%dma_start3A_82, %dma_start3A_83] : memref<10240x64xf32, #tpu.memory_space<vmem_shared>> -> memref<10240x64xf32, #tpu.memory_space<vmem_shared>>
    tpu.enqueue_indirect_dma source(%arg17 : memref<256x64xf32, #tpu.memory_space<vmem>>) target(%dma_start3A_84 : memref<10240x64xf32, #tpu.memory_space<vmem_shared>>) offsets(%arg13 : memref<256xi32, #tpu.memory_space<vmem>>) semaphore(%arg26 : memref<!tpu.dma_semaphore, #tpu.memory_space<semaphore_mem>>) {add = true}
    %dma_wait3A_85 = arith.constant 0 : i32
    %dma_wait3A_86 = arith.constant 0 : i32
    %dma_wait3A_87 = tpu.memref_slice %arg4[%dma_wait3A_85, %dma_wait3A_86] : memref<10240x64xf32, #tpu.memory_space<hbm>> -> memref<10240x64xf32, #tpu.memory_space<hbm>>
    tpu.wait_indirect_dma semaphore(%arg23 : memref<!tpu.dma_semaphore, #tpu.memory_space<semaphore_mem>>) src(%dma_wait3A_87 : memref<10240x64xf32, #tpu.memory_space<hbm>>) dst(%arg18 : memref<256x64xf32, #tpu.memory_space<vmem>>)
    %dma_start3A_88 = arith.constant 0 : i32
    %dma_start3A_89 = arith.constant 0 : i32
    %dma_start3A_90 = tpu.memref_slice %arg19[%dma_start3A_88, %dma_start3A_89] : memref<10240x64xf32, #tpu.memory_space<vmem_shared>> -> memref<10240x64xf32, #tpu.memory_space<vmem_shared>>
    tpu.enqueue_indirect_dma source(%arg18 : memref<256x64xf32, #tpu.memory_space<vmem>>) target(%dma_start3A_90 : memref<10240x64xf32, #tpu.memory_space<vmem_shared>>) offsets(%arg14 : memref<256xi32, #tpu.memory_space<vmem>>) semaphore(%arg27 : memref<!tpu.dma_semaphore, #tpu.memory_space<semaphore_mem>>) {add = true}
    %dma_wait3A_91 = arith.constant 0 : i32
    %dma_wait3A_92 = arith.constant 0 : i32
    %dma_wait3A_93 = tpu.memref_slice %arg19[%dma_wait3A_91, %dma_wait3A_92] : memref<10240x64xf32, #tpu.memory_space<vmem_shared>> -> memref<10240x64xf32, #tpu.memory_space<vmem_shared>>
    tpu.wait_indirect_dma semaphore(%arg24 : memref<!tpu.dma_semaphore, #tpu.memory_space<semaphore_mem>>) src(%arg15 : memref<256x64xf32, #tpu.memory_space<vmem>>) dst(%dma_wait3A_93 : memref<10240x64xf32, #tpu.memory_space<vmem_shared>>)
    %dma_wait3A_94 = arith.constant 0 : i32
    %dma_wait3A_95 = arith.constant 0 : i32
    %dma_wait3A_96 = tpu.memref_slice %arg19[%dma_wait3A_94, %dma_wait3A_95] : memref<10240x64xf32, #tpu.memory_space<vmem_shared>> -> memref<10240x64xf32, #tpu.memory_space<vmem_shared>>
    tpu.wait_indirect_dma semaphore(%arg25 : memref<!tpu.dma_semaphore, #tpu.memory_space<semaphore_mem>>) src(%arg16 : memref<256x64xf32, #tpu.memory_space<vmem>>) dst(%dma_wait3A_96 : memref<10240x64xf32, #tpu.memory_space<vmem_shared>>)
    %dma_wait3A_97 = arith.constant 0 : i32
    %dma_wait3A_98 = arith.constant 0 : i32
    %dma_wait3A_99 = tpu.memref_slice %arg19[%dma_wait3A_97, %dma_wait3A_98] : memref<10240x64xf32, #tpu.memory_space<vmem_shared>> -> memref<10240x64xf32, #tpu.memory_space<vmem_shared>>
    tpu.wait_indirect_dma semaphore(%arg26 : memref<!tpu.dma_semaphore, #tpu.memory_space<semaphore_mem>>) src(%arg17 : memref<256x64xf32, #tpu.memory_space<vmem>>) dst(%dma_wait3A_99 : memref<10240x64xf32, #tpu.memory_space<vmem_shared>>)
    %dma_wait3A_100 = arith.constant 0 : i32
    %dma_wait3A_101 = arith.constant 0 : i32
    %dma_wait3A_102 = tpu.memref_slice %arg19[%dma_wait3A_100, %dma_wait3A_101] : memref<10240x64xf32, #tpu.memory_space<vmem_shared>> -> memref<10240x64xf32, #tpu.memory_space<vmem_shared>>
    tpu.wait_indirect_dma semaphore(%arg27 : memref<!tpu.dma_semaphore, #tpu.memory_space<semaphore_mem>>) src(%arg18 : memref<256x64xf32, #tpu.memory_space<vmem>>) dst(%dma_wait3A_102 : memref<10240x64xf32, #tpu.memory_space<vmem_shared>>)
    %barrier3A_103 = arith.constant 0 : index
    tpu.barrier barrier_id(%barrier3A_103)
    "tpu.region"() ({
      %run_scoped3A = tpu.sem_alloc : memref<!tpu.dma_semaphore, #tpu.memory_space<semaphore_mem>>
      %dma_start3A_104 = arith.constant 0 : i32
      %dma_start3A_105 = tpu.memref_slice %arg6[%arg0, %mul3A_2, %dma_start3A_104] : memref<2x10240x64xf32, #tpu.memory_space<hbm>> -> memref<1x640x64xf32, #tpu.memory_space<hbm>>
      %dma_start3A_106 = tpu.memref_squeeze %dma_start3A_105 : memref<1x640x64xf32, #tpu.memory_space<hbm>> -> memref<640x64xf32, #tpu.memory_space<hbm>>
      %dma_start3A_107 = arith.constant 0 : i32
      %dma_start3A_108 = tpu.memref_slice %arg19[%mul3A_2, %dma_start3A_107] : memref<10240x64xf32, #tpu.memory_space<vmem_shared>> -> memref<640x64xf32, #tpu.memory_space<vmem_shared>>
      tpu.enqueue_dma source(%dma_start3A_108 : memref<640x64xf32, #tpu.memory_space<vmem_shared>>) target(%dma_start3A_106 : memref<640x64xf32, #tpu.memory_space<hbm>>) target_semaphore(%run_scoped3A : memref<!tpu.dma_semaphore, #tpu.memory_space<semaphore_mem>>)
      %dma_wait3A_109 = arith.constant 0 : i32
      %dma_wait3A_110 = tpu.memref_slice %arg6[%arg0, %mul3A_2, %dma_wait3A_109] : memref<2x10240x64xf32, #tpu.memory_space<hbm>> -> memref<1x640x64xf32, #tpu.memory_space<hbm>>
      %dma_wait3A_111 = tpu.memref_squeeze %dma_wait3A_110 : memref<1x640x64xf32, #tpu.memory_space<hbm>> -> memref<640x64xf32, #tpu.memory_space<hbm>>
      %dma_wait3A_112 = arith.constant 0 : i32
      %dma_wait3A_113 = tpu.memref_slice %arg19[%mul3A_2, %dma_wait3A_112] : memref<10240x64xf32, #tpu.memory_space<vmem_shared>> -> memref<640x64xf32, #tpu.memory_space<vmem_shared>>
      tpu.wait_dma2 semaphore(%run_scoped3A : memref<!tpu.dma_semaphore, #tpu.memory_space<semaphore_mem>>) src(%dma_wait3A_113 : memref<640x64xf32, #tpu.memory_space<vmem_shared>>) dst(%dma_wait3A_111 : memref<640x64xf32, #tpu.memory_space<hbm>>)
      tpu.yield
    }) : () -> ()
    return
  }
}

#map = affine_map<(d0, d1) -> (0)>
#map1 = affine_map<(d0, d1) -> (0, 0)>
#map2 = affine_map<(d0, d1) -> (0, 0, 0)>
module attributes {stable_mosaic.version = 14 : i64} {
  func.func @body(%arg0: i32, %arg1: i32, %arg2: memref<327680xi32, #tpu.memory_space<hbm>>, %arg3: memref<327680xi32, #tpu.memory_space<hbm>>, %arg4: memref<10240x32xf32, #tpu.memory_space<hbm>>, %arg5: memref<10240x32xf32, #tpu.memory_space<hbm>>, %arg6: memref<2x10240x32xf32, #tpu.memory_space<hbm>>, %arg7: memref<512xi32, #tpu.memory_space<vmem>>, %arg8: memref<512xi32, #tpu.memory_space<vmem>>, %arg9: memref<512xi32, #tpu.memory_space<vmem>>, %arg10: memref<512xi32, #tpu.memory_space<vmem>>, %arg11: memref<512xi32, #tpu.memory_space<vmem>>, %arg12: memref<512xi32, #tpu.memory_space<vmem>>, %arg13: memref<512xi32, #tpu.memory_space<vmem>>, %arg14: memref<512xi32, #tpu.memory_space<vmem>>, %arg15: memref<512x32xf32, #tpu.memory_space<vmem>>, %arg16: memref<512x32xf32, #tpu.memory_space<vmem>>, %arg17: memref<512x32xf32, #tpu.memory_space<vmem>>, %arg18: memref<512x32xf32, #tpu.memory_space<vmem>>, %arg19: memref<10240x32xf32, #tpu.memory_space<vmem_shared>>, %arg20: memref<!tpu.dma_semaphore, #tpu.memory_space<semaphore_mem>>, %arg21: memref<!tpu.dma_semaphore, #tpu.memory_space<semaphore_mem>>, %arg22: memref<!tpu.dma_semaphore, #tpu.memory_space<semaphore_mem>>, %arg23: memref<!tpu.dma_semaphore, #tpu.memory_space<semaphore_mem>>, %arg24: memref<!tpu.dma_semaphore, #tpu.memory_space<semaphore_mem>>, %arg25: memref<!tpu.dma_semaphore, #tpu.memory_space<semaphore_mem>>, %arg26: memref<!tpu.dma_semaphore, #tpu.memory_space<semaphore_mem>>, %arg27: memref<!tpu.dma_semaphore, #tpu.memory_space<semaphore_mem>>, %arg28: memref<!tpu.dma_semaphore, #tpu.memory_space<semaphore_mem>>, %arg29: memref<!tpu.dma_semaphore, #tpu.memory_space<semaphore_mem>>, %arg30: memref<!tpu.dma_semaphore, #tpu.memory_space<semaphore_mem>>, %arg31: memref<!tpu.dma_semaphore, #tpu.memory_space<semaphore_mem>>) attributes {dimension_semantics = [#tpu.dimension_semantics<core_parallel>, #tpu.dimension_semantics<subcore_parallel>], iteration_bounds = array<i64: 2, 16>, scalar_prefetch = 0 : i64, scratch_operands = 25 : i64, tpu.core_type = #tpu.core_type<sc_vector_subcore>, window_params = [{transform_indices = #map}, {transform_indices = #map}, {transform_indices = #map1}, {transform_indices = #map1}, {transform_indices = #map2}]} {
    %mul3A = arith.constant 2 : i32
    %mul3A_0 = arith.muli %arg1, %mul3A : i32
    %add3A = arith.addi %mul3A_0, %arg0 : i32
    %mul3A_1 = arith.constant 640 : i32
    %mul3A_2 = arith.muli %arg1, %mul3A_1 : i32
    %mul3A_3 = arith.constant 10240 : i32
    %mul3A_4 = arith.muli %add3A, %mul3A_3 : i32
    "tpu.region"() ({
      %run_scoped3A = tpu.sem_alloc : memref<!tpu.dma_semaphore, #tpu.memory_space<semaphore_mem>>
      %dma_start3A_104 = arith.constant 0 : i32
      %dma_start3A_105 = tpu.memref_slice %arg19[%mul3A_2, %dma_start3A_104] : memref<10240x32xf32, #tpu.memory_space<vmem_shared>> -> memref<640x32xf32, #tpu.memory_space<vmem_shared>>
      %dma_start3A_106 = arith.constant 0 : i32
      %dma_start3A_107 = tpu.memref_slice %arg5[%mul3A_2, %dma_start3A_106] : memref<10240x32xf32, #tpu.memory_space<hbm>> -> memref<640x32xf32, #tpu.memory_space<hbm>>
      tpu.enqueue_dma source(%dma_start3A_107 : memref<640x32xf32, #tpu.memory_space<hbm>>) target(%dma_start3A_105 : memref<640x32xf32, #tpu.memory_space<vmem_shared>>) target_semaphore(%run_scoped3A : memref<!tpu.dma_semaphore, #tpu.memory_space<semaphore_mem>>)
      %dma_wait3A_108 = arith.constant 0 : i32
      %dma_wait3A_109 = tpu.memref_slice %arg19[%mul3A_2, %dma_wait3A_108] : memref<10240x32xf32, #tpu.memory_space<vmem_shared>> -> memref<640x32xf32, #tpu.memory_space<vmem_shared>>
      %dma_wait3A_110 = arith.constant 0 : i32
      %dma_wait3A_111 = tpu.memref_slice %arg5[%mul3A_2, %dma_wait3A_110] : memref<10240x32xf32, #tpu.memory_space<hbm>> -> memref<640x32xf32, #tpu.memory_space<hbm>>
      tpu.wait_dma2 semaphore(%run_scoped3A : memref<!tpu.dma_semaphore, #tpu.memory_space<semaphore_mem>>) src(%dma_wait3A_111 : memref<640x32xf32, #tpu.memory_space<hbm>>) dst(%dma_wait3A_109 : memref<640x32xf32, #tpu.memory_space<vmem_shared>>)
      tpu.yield
    }) : () -> ()
    %barrier3A = arith.constant 0 : index
    tpu.barrier barrier_id(%barrier3A)
    %add3A_5 = arith.constant 0 : i32
    %add3A_6 = arith.addi %mul3A_4, %add3A_5 : i32
    %dma_start3A = tpu.memref_slice %arg2[%add3A_6] : memref<327680xi32, #tpu.memory_space<hbm>> -> memref<512xi32, #tpu.memory_space<hbm>>
    %dma_start3A_7 = tpu.memref_slice %arg2[%add3A_6] : memref<327680xi32, #tpu.memory_space<hbm>> -> memref<512xi32, #tpu.memory_space<hbm>>
    tpu.enqueue_dma source(%dma_start3A_7 : memref<512xi32, #tpu.memory_space<hbm>>) target(%arg7 : memref<512xi32, #tpu.memory_space<vmem>>) target_semaphore(%arg28 : memref<!tpu.dma_semaphore, #tpu.memory_space<semaphore_mem>>)
    %add3A_8 = arith.constant 0 : i32
    %add3A_9 = arith.addi %mul3A_4, %add3A_8 : i32
    %dma_start3A_10 = tpu.memref_slice %arg3[%add3A_9] : memref<327680xi32, #tpu.memory_space<hbm>> -> memref<512xi32, #tpu.memory_space<hbm>>
    %dma_start3A_11 = tpu.memref_slice %arg3[%add3A_9] : memref<327680xi32, #tpu.memory_space<hbm>> -> memref<512xi32, #tpu.memory_space<hbm>>
    tpu.enqueue_dma source(%dma_start3A_11 : memref<512xi32, #tpu.memory_space<hbm>>) target(%arg11 : memref<512xi32, #tpu.memory_space<vmem>>) target_semaphore(%arg28 : memref<!tpu.dma_semaphore, #tpu.memory_space<semaphore_mem>>)
    %add3A_12 = arith.constant 512 : i32
    %add3A_13 = arith.addi %mul3A_4, %add3A_12 : i32
    %dma_start3A_14 = tpu.memref_slice %arg2[%add3A_13] : memref<327680xi32, #tpu.memory_space<hbm>> -> memref<512xi32, #tpu.memory_space<hbm>>
    %dma_start3A_15 = tpu.memref_slice %arg2[%add3A_13] : memref<327680xi32, #tpu.memory_space<hbm>> -> memref<512xi32, #tpu.memory_space<hbm>>
    tpu.enqueue_dma source(%dma_start3A_15 : memref<512xi32, #tpu.memory_space<hbm>>) target(%arg8 : memref<512xi32, #tpu.memory_space<vmem>>) target_semaphore(%arg29 : memref<!tpu.dma_semaphore, #tpu.memory_space<semaphore_mem>>)
    %add3A_16 = arith.constant 512 : i32
    %add3A_17 = arith.addi %mul3A_4, %add3A_16 : i32
    %dma_start3A_18 = tpu.memref_slice %arg3[%add3A_17] : memref<327680xi32, #tpu.memory_space<hbm>> -> memref<512xi32, #tpu.memory_space<hbm>>
    %dma_start3A_19 = tpu.memref_slice %arg3[%add3A_17] : memref<327680xi32, #tpu.memory_space<hbm>> -> memref<512xi32, #tpu.memory_space<hbm>>
    tpu.enqueue_dma source(%dma_start3A_19 : memref<512xi32, #tpu.memory_space<hbm>>) target(%arg12 : memref<512xi32, #tpu.memory_space<vmem>>) target_semaphore(%arg29 : memref<!tpu.dma_semaphore, #tpu.memory_space<semaphore_mem>>)
    %add3A_20 = arith.constant 1024 : i32
    %add3A_21 = arith.addi %mul3A_4, %add3A_20 : i32
    %dma_start3A_22 = tpu.memref_slice %arg2[%add3A_21] : memref<327680xi32, #tpu.memory_space<hbm>> -> memref<512xi32, #tpu.memory_space<hbm>>
    %dma_start3A_23 = tpu.memref_slice %arg2[%add3A_21] : memref<327680xi32, #tpu.memory_space<hbm>> -> memref<512xi32, #tpu.memory_space<hbm>>
    tpu.enqueue_dma source(%dma_start3A_23 : memref<512xi32, #tpu.memory_space<hbm>>) target(%arg9 : memref<512xi32, #tpu.memory_space<vmem>>) target_semaphore(%arg30 : memref<!tpu.dma_semaphore, #tpu.memory_space<semaphore_mem>>)
    %add3A_24 = arith.constant 1024 : i32
    %add3A_25 = arith.addi %mul3A_4, %add3A_24 : i32
    %dma_start3A_26 = tpu.memref_slice %arg3[%add3A_25] : memref<327680xi32, #tpu.memory_space<hbm>> -> memref<512xi32, #tpu.memory_space<hbm>>
    %dma_start3A_27 = tpu.memref_slice %arg3[%add3A_25] : memref<327680xi32, #tpu.memory_space<hbm>> -> memref<512xi32, #tpu.memory_space<hbm>>
    tpu.enqueue_dma source(%dma_start3A_27 : memref<512xi32, #tpu.memory_space<hbm>>) target(%arg13 : memref<512xi32, #tpu.memory_space<vmem>>) target_semaphore(%arg30 : memref<!tpu.dma_semaphore, #tpu.memory_space<semaphore_mem>>)
    %add3A_28 = arith.constant 1536 : i32
    %add3A_29 = arith.addi %mul3A_4, %add3A_28 : i32
    %dma_start3A_30 = tpu.memref_slice %arg2[%add3A_29] : memref<327680xi32, #tpu.memory_space<hbm>> -> memref<512xi32, #tpu.memory_space<hbm>>
    %dma_start3A_31 = tpu.memref_slice %arg2[%add3A_29] : memref<327680xi32, #tpu.memory_space<hbm>> -> memref<512xi32, #tpu.memory_space<hbm>>
    tpu.enqueue_dma source(%dma_start3A_31 : memref<512xi32, #tpu.memory_space<hbm>>) target(%arg10 : memref<512xi32, #tpu.memory_space<vmem>>) target_semaphore(%arg31 : memref<!tpu.dma_semaphore, #tpu.memory_space<semaphore_mem>>)
    %add3A_32 = arith.constant 1536 : i32
    %add3A_33 = arith.addi %mul3A_4, %add3A_32 : i32
    %dma_start3A_34 = tpu.memref_slice %arg3[%add3A_33] : memref<327680xi32, #tpu.memory_space<hbm>> -> memref<512xi32, #tpu.memory_space<hbm>>
    %dma_start3A_35 = tpu.memref_slice %arg3[%add3A_33] : memref<327680xi32, #tpu.memory_space<hbm>> -> memref<512xi32, #tpu.memory_space<hbm>>
    tpu.enqueue_dma source(%dma_start3A_35 : memref<512xi32, #tpu.memory_space<hbm>>) target(%arg14 : memref<512xi32, #tpu.memory_space<vmem>>) target_semaphore(%arg31 : memref<!tpu.dma_semaphore, #tpu.memory_space<semaphore_mem>>)
    %dma_wait3A = tpu.memref_slice %arg2[%mul3A_4] : memref<327680xi32, #tpu.memory_space<hbm>> -> memref<512xi32, #tpu.memory_space<hbm>>
    %dma_wait3A_36 = tpu.memref_slice %arg2[%mul3A_4] : memref<327680xi32, #tpu.memory_space<hbm>> -> memref<512xi32, #tpu.memory_space<hbm>>
    tpu.wait_dma2 semaphore(%arg28 : memref<!tpu.dma_semaphore, #tpu.memory_space<semaphore_mem>>) src(%dma_wait3A_36 : memref<512xi32, #tpu.memory_space<hbm>>) dst(%arg7 : memref<512xi32, #tpu.memory_space<vmem>>)
    %dma_wait3A_37 = tpu.memref_slice %arg3[%mul3A_4] : memref<327680xi32, #tpu.memory_space<hbm>> -> memref<512xi32, #tpu.memory_space<hbm>>
    %dma_wait3A_38 = tpu.memref_slice %arg3[%mul3A_4] : memref<327680xi32, #tpu.memory_space<hbm>> -> memref<512xi32, #tpu.memory_space<hbm>>
    tpu.wait_dma2 semaphore(%arg28 : memref<!tpu.dma_semaphore, #tpu.memory_space<semaphore_mem>>) src(%dma_wait3A_38 : memref<512xi32, #tpu.memory_space<hbm>>) dst(%arg11 : memref<512xi32, #tpu.memory_space<vmem>>)
    %dma_start3A_39 = arith.constant 0 : i32
    %dma_start3A_40 = arith.constant 0 : i32
    %dma_start3A_41 = tpu.memref_slice %arg4[%dma_start3A_39, %dma_start3A_40] : memref<10240x32xf32, #tpu.memory_space<hbm>> -> memref<10240x32xf32, #tpu.memory_space<hbm>>
    tpu.enqueue_indirect_dma source(%dma_start3A_41 : memref<10240x32xf32, #tpu.memory_space<hbm>>) target(%arg15 : memref<512x32xf32, #tpu.memory_space<vmem>>) offsets(%arg7 : memref<512xi32, #tpu.memory_space<vmem>>) semaphore(%arg20 : memref<!tpu.dma_semaphore, #tpu.memory_space<semaphore_mem>>)
    %dma_wait3A_42 = tpu.memref_slice %arg2[%mul3A_4] : memref<327680xi32, #tpu.memory_space<hbm>> -> memref<512xi32, #tpu.memory_space<hbm>>
    %dma_wait3A_43 = tpu.memref_slice %arg2[%mul3A_4] : memref<327680xi32, #tpu.memory_space<hbm>> -> memref<512xi32, #tpu.memory_space<hbm>>
    tpu.wait_dma2 semaphore(%arg29 : memref<!tpu.dma_semaphore, #tpu.memory_space<semaphore_mem>>) src(%dma_wait3A_43 : memref<512xi32, #tpu.memory_space<hbm>>) dst(%arg8 : memref<512xi32, #tpu.memory_space<vmem>>)
    %dma_wait3A_44 = tpu.memref_slice %arg3[%mul3A_4] : memref<327680xi32, #tpu.memory_space<hbm>> -> memref<512xi32, #tpu.memory_space<hbm>>
    %dma_wait3A_45 = tpu.memref_slice %arg3[%mul3A_4] : memref<327680xi32, #tpu.memory_space<hbm>> -> memref<512xi32, #tpu.memory_space<hbm>>
    tpu.wait_dma2 semaphore(%arg29 : memref<!tpu.dma_semaphore, #tpu.memory_space<semaphore_mem>>) src(%dma_wait3A_45 : memref<512xi32, #tpu.memory_space<hbm>>) dst(%arg12 : memref<512xi32, #tpu.memory_space<vmem>>)
    %dma_start3A_46 = arith.constant 0 : i32
    %dma_start3A_47 = arith.constant 0 : i32
    %dma_start3A_48 = tpu.memref_slice %arg4[%dma_start3A_46, %dma_start3A_47] : memref<10240x32xf32, #tpu.memory_space<hbm>> -> memref<10240x32xf32, #tpu.memory_space<hbm>>
    tpu.enqueue_indirect_dma source(%dma_start3A_48 : memref<10240x32xf32, #tpu.memory_space<hbm>>) target(%arg16 : memref<512x32xf32, #tpu.memory_space<vmem>>) offsets(%arg8 : memref<512xi32, #tpu.memory_space<vmem>>) semaphore(%arg21 : memref<!tpu.dma_semaphore, #tpu.memory_space<semaphore_mem>>)
    %dma_wait3A_49 = arith.constant 0 : i32
    %dma_wait3A_50 = arith.constant 0 : i32
    %dma_wait3A_51 = tpu.memref_slice %arg4[%dma_wait3A_49, %dma_wait3A_50] : memref<10240x32xf32, #tpu.memory_space<hbm>> -> memref<10240x32xf32, #tpu.memory_space<hbm>>
    tpu.wait_indirect_dma semaphore(%arg20 : memref<!tpu.dma_semaphore, #tpu.memory_space<semaphore_mem>>) src(%dma_wait3A_51 : memref<10240x32xf32, #tpu.memory_space<hbm>>) dst(%arg15 : memref<512x32xf32, #tpu.memory_space<vmem>>)
    %dma_start3A_52 = arith.constant 0 : i32
    %dma_start3A_53 = arith.constant 0 : i32
    %dma_start3A_54 = tpu.memref_slice %arg19[%dma_start3A_52, %dma_start3A_53] : memref<10240x32xf32, #tpu.memory_space<vmem_shared>> -> memref<10240x32xf32, #tpu.memory_space<vmem_shared>>
    tpu.enqueue_indirect_dma source(%arg15 : memref<512x32xf32, #tpu.memory_space<vmem>>) target(%dma_start3A_54 : memref<10240x32xf32, #tpu.memory_space<vmem_shared>>) offsets(%arg11 : memref<512xi32, #tpu.memory_space<vmem>>) semaphore(%arg24 : memref<!tpu.dma_semaphore, #tpu.memory_space<semaphore_mem>>) {add = true}
    %dma_wait3A_55 = tpu.memref_slice %arg2[%mul3A_4] : memref<327680xi32, #tpu.memory_space<hbm>> -> memref<512xi32, #tpu.memory_space<hbm>>
    %dma_wait3A_56 = tpu.memref_slice %arg2[%mul3A_4] : memref<327680xi32, #tpu.memory_space<hbm>> -> memref<512xi32, #tpu.memory_space<hbm>>
    tpu.wait_dma2 semaphore(%arg30 : memref<!tpu.dma_semaphore, #tpu.memory_space<semaphore_mem>>) src(%dma_wait3A_56 : memref<512xi32, #tpu.memory_space<hbm>>) dst(%arg9 : memref<512xi32, #tpu.memory_space<vmem>>)
    %dma_wait3A_57 = tpu.memref_slice %arg3[%mul3A_4] : memref<327680xi32, #tpu.memory_space<hbm>> -> memref<512xi32, #tpu.memory_space<hbm>>
    %dma_wait3A_58 = tpu.memref_slice %arg3[%mul3A_4] : memref<327680xi32, #tpu.memory_space<hbm>> -> memref<512xi32, #tpu.memory_space<hbm>>
    tpu.wait_dma2 semaphore(%arg30 : memref<!tpu.dma_semaphore, #tpu.memory_space<semaphore_mem>>) src(%dma_wait3A_58 : memref<512xi32, #tpu.memory_space<hbm>>) dst(%arg13 : memref<512xi32, #tpu.memory_space<vmem>>)
    %dma_start3A_59 = arith.constant 0 : i32
    %dma_start3A_60 = arith.constant 0 : i32
    %dma_start3A_61 = tpu.memref_slice %arg4[%dma_start3A_59, %dma_start3A_60] : memref<10240x32xf32, #tpu.memory_space<hbm>> -> memref<10240x32xf32, #tpu.memory_space<hbm>>
    tpu.enqueue_indirect_dma source(%dma_start3A_61 : memref<10240x32xf32, #tpu.memory_space<hbm>>) target(%arg17 : memref<512x32xf32, #tpu.memory_space<vmem>>) offsets(%arg9 : memref<512xi32, #tpu.memory_space<vmem>>) semaphore(%arg22 : memref<!tpu.dma_semaphore, #tpu.memory_space<semaphore_mem>>)
    %dma_wait3A_62 = arith.constant 0 : i32
    %dma_wait3A_63 = arith.constant 0 : i32
    %dma_wait3A_64 = tpu.memref_slice %arg4[%dma_wait3A_62, %dma_wait3A_63] : memref<10240x32xf32, #tpu.memory_space<hbm>> -> memref<10240x32xf32, #tpu.memory_space<hbm>>
    tpu.wait_indirect_dma semaphore(%arg21 : memref<!tpu.dma_semaphore, #tpu.memory_space<semaphore_mem>>) src(%dma_wait3A_64 : memref<10240x32xf32, #tpu.memory_space<hbm>>) dst(%arg16 : memref<512x32xf32, #tpu.memory_space<vmem>>)
    %dma_start3A_65 = arith.constant 0 : i32
    %dma_start3A_66 = arith.constant 0 : i32
    %dma_start3A_67 = tpu.memref_slice %arg19[%dma_start3A_65, %dma_start3A_66] : memref<10240x32xf32, #tpu.memory_space<vmem_shared>> -> memref<10240x32xf32, #tpu.memory_space<vmem_shared>>
    tpu.enqueue_indirect_dma source(%arg16 : memref<512x32xf32, #tpu.memory_space<vmem>>) target(%dma_start3A_67 : memref<10240x32xf32, #tpu.memory_space<vmem_shared>>) offsets(%arg12 : memref<512xi32, #tpu.memory_space<vmem>>) semaphore(%arg25 : memref<!tpu.dma_semaphore, #tpu.memory_space<semaphore_mem>>) {add = true}
    %dma_wait3A_68 = tpu.memref_slice %arg2[%mul3A_4] : memref<327680xi32, #tpu.memory_space<hbm>> -> memref<512xi32, #tpu.memory_space<hbm>>
    %dma_wait3A_69 = tpu.memref_slice %arg2[%mul3A_4] : memref<327680xi32, #tpu.memory_space<hbm>> -> memref<512xi32, #tpu.memory_space<hbm>>
    tpu.wait_dma2 semaphore(%arg31 : memref<!tpu.dma_semaphore, #tpu.memory_space<semaphore_mem>>) src(%dma_wait3A_69 : memref<512xi32, #tpu.memory_space<hbm>>) dst(%arg10 : memref<512xi32, #tpu.memory_space<vmem>>)
    %dma_wait3A_70 = tpu.memref_slice %arg3[%mul3A_4] : memref<327680xi32, #tpu.memory_space<hbm>> -> memref<512xi32, #tpu.memory_space<hbm>>
    %dma_wait3A_71 = tpu.memref_slice %arg3[%mul3A_4] : memref<327680xi32, #tpu.memory_space<hbm>> -> memref<512xi32, #tpu.memory_space<hbm>>
    tpu.wait_dma2 semaphore(%arg31 : memref<!tpu.dma_semaphore, #tpu.memory_space<semaphore_mem>>) src(%dma_wait3A_71 : memref<512xi32, #tpu.memory_space<hbm>>) dst(%arg14 : memref<512xi32, #tpu.memory_space<vmem>>)
    %dma_start3A_72 = arith.constant 0 : i32
    %dma_start3A_73 = arith.constant 0 : i32
    %dma_start3A_74 = tpu.memref_slice %arg4[%dma_start3A_72, %dma_start3A_73] : memref<10240x32xf32, #tpu.memory_space<hbm>> -> memref<10240x32xf32, #tpu.memory_space<hbm>>
    tpu.enqueue_indirect_dma source(%dma_start3A_74 : memref<10240x32xf32, #tpu.memory_space<hbm>>) target(%arg18 : memref<512x32xf32, #tpu.memory_space<vmem>>) offsets(%arg10 : memref<512xi32, #tpu.memory_space<vmem>>) semaphore(%arg23 : memref<!tpu.dma_semaphore, #tpu.memory_space<semaphore_mem>>)
    %scan3A = arith.constant 0 : i32
    %scan3A_75 = arith.constant 4 : i32
    %scan3A_76 = arith.addi %scan3A, %scan3A_75 : i32
    %scan3A_77 = arith.constant 1 : i32
    scf.for %scan3A_104 = %scan3A to %scan3A_76 step %scan3A_77  : i32 {
      %mul3A_105 = arith.constant 1 : i32
      %mul3A_106 = arith.muli %scan3A_104, %mul3A_105 : i32
      %add3A_107 = arith.constant 0 : i32
      %add3A_108 = arith.addi %add3A_107, %mul3A_106 : i32
      %mul3A_109 = arith.constant 4 : i32
      %mul3A_110 = arith.muli %mul3A_109, %add3A_108 : i32
      %add3A_111 = arith.constant 2 : i32
      %add3A_112 = arith.addi %add3A_111, %mul3A_110 : i32
      %add3A_113 = arith.constant 0 : i32
      %add3A_114 = arith.addi %add3A_112, %add3A_113 : i32
      %dma_wait3A_115 = arith.constant 0 : i32
      %dma_wait3A_116 = arith.constant 0 : i32
      %dma_wait3A_117 = tpu.memref_slice %arg4[%dma_wait3A_115, %dma_wait3A_116] : memref<10240x32xf32, #tpu.memory_space<hbm>> -> memref<10240x32xf32, #tpu.memory_space<hbm>>
      tpu.wait_indirect_dma semaphore(%arg22 : memref<!tpu.dma_semaphore, #tpu.memory_space<semaphore_mem>>) src(%dma_wait3A_117 : memref<10240x32xf32, #tpu.memory_space<hbm>>) dst(%arg17 : memref<512x32xf32, #tpu.memory_space<vmem>>)
      %dma_start3A_118 = arith.constant 0 : i32
      %dma_start3A_119 = arith.constant 0 : i32
      %dma_start3A_120 = tpu.memref_slice %arg19[%dma_start3A_118, %dma_start3A_119] : memref<10240x32xf32, #tpu.memory_space<vmem_shared>> -> memref<10240x32xf32, #tpu.memory_space<vmem_shared>>
      tpu.enqueue_indirect_dma source(%arg17 : memref<512x32xf32, #tpu.memory_space<vmem>>) target(%dma_start3A_120 : memref<10240x32xf32, #tpu.memory_space<vmem_shared>>) offsets(%arg13 : memref<512xi32, #tpu.memory_space<vmem>>) semaphore(%arg26 : memref<!tpu.dma_semaphore, #tpu.memory_space<semaphore_mem>>) {add = true}
      %dma_wait3A_121 = arith.constant 0 : i32
      %dma_wait3A_122 = arith.constant 0 : i32
      %dma_wait3A_123 = tpu.memref_slice %arg19[%dma_wait3A_121, %dma_wait3A_122] : memref<10240x32xf32, #tpu.memory_space<vmem_shared>> -> memref<10240x32xf32, #tpu.memory_space<vmem_shared>>
      tpu.wait_indirect_dma semaphore(%arg24 : memref<!tpu.dma_semaphore, #tpu.memory_space<semaphore_mem>>) src(%arg15 : memref<512x32xf32, #tpu.memory_space<vmem>>) dst(%dma_wait3A_123 : memref<10240x32xf32, #tpu.memory_space<vmem_shared>>)
      %add3A_124 = arith.constant 2 : i32
      %add3A_125 = arith.addi %add3A_114, %add3A_124 : i32
      %mul3A_126 = arith.constant 512 : i32
      %mul3A_127 = arith.muli %add3A_125, %mul3A_126 : i32
      %add3A_128 = arith.addi %mul3A_4, %mul3A_127 : i32
      %dma_start3A_129 = tpu.memref_slice %arg2[%add3A_128] : memref<327680xi32, #tpu.memory_space<hbm>> -> memref<512xi32, #tpu.memory_space<hbm>>
      %dma_start3A_130 = tpu.memref_slice %arg2[%add3A_128] : memref<327680xi32, #tpu.memory_space<hbm>> -> memref<512xi32, #tpu.memory_space<hbm>>
      tpu.enqueue_dma source(%dma_start3A_130 : memref<512xi32, #tpu.memory_space<hbm>>) target(%arg7 : memref<512xi32, #tpu.memory_space<vmem>>) target_semaphore(%arg28 : memref<!tpu.dma_semaphore, #tpu.memory_space<semaphore_mem>>)
      %mul3A_131 = arith.constant 512 : i32
      %mul3A_132 = arith.muli %add3A_125, %mul3A_131 : i32
      %add3A_133 = arith.addi %mul3A_4, %mul3A_132 : i32
      %dma_start3A_134 = tpu.memref_slice %arg3[%add3A_133] : memref<327680xi32, #tpu.memory_space<hbm>> -> memref<512xi32, #tpu.memory_space<hbm>>
      %dma_start3A_135 = tpu.memref_slice %arg3[%add3A_133] : memref<327680xi32, #tpu.memory_space<hbm>> -> memref<512xi32, #tpu.memory_space<hbm>>
      tpu.enqueue_dma source(%dma_start3A_135 : memref<512xi32, #tpu.memory_space<hbm>>) target(%arg11 : memref<512xi32, #tpu.memory_space<vmem>>) target_semaphore(%arg28 : memref<!tpu.dma_semaphore, #tpu.memory_space<semaphore_mem>>)
      %dma_wait3A_136 = tpu.memref_slice %arg2[%mul3A_4] : memref<327680xi32, #tpu.memory_space<hbm>> -> memref<512xi32, #tpu.memory_space<hbm>>
      %dma_wait3A_137 = tpu.memref_slice %arg2[%mul3A_4] : memref<327680xi32, #tpu.memory_space<hbm>> -> memref<512xi32, #tpu.memory_space<hbm>>
      tpu.wait_dma2 semaphore(%arg28 : memref<!tpu.dma_semaphore, #tpu.memory_space<semaphore_mem>>) src(%dma_wait3A_137 : memref<512xi32, #tpu.memory_space<hbm>>) dst(%arg7 : memref<512xi32, #tpu.memory_space<vmem>>)
      %dma_wait3A_138 = tpu.memref_slice %arg3[%mul3A_4] : memref<327680xi32, #tpu.memory_space<hbm>> -> memref<512xi32, #tpu.memory_space<hbm>>
      %dma_wait3A_139 = tpu.memref_slice %arg3[%mul3A_4] : memref<327680xi32, #tpu.memory_space<hbm>> -> memref<512xi32, #tpu.memory_space<hbm>>
      tpu.wait_dma2 semaphore(%arg28 : memref<!tpu.dma_semaphore, #tpu.memory_space<semaphore_mem>>) src(%dma_wait3A_139 : memref<512xi32, #tpu.memory_space<hbm>>) dst(%arg11 : memref<512xi32, #tpu.memory_space<vmem>>)
      %dma_start3A_140 = arith.constant 0 : i32
      %dma_start3A_141 = arith.constant 0 : i32
      %dma_start3A_142 = tpu.memref_slice %arg4[%dma_start3A_140, %dma_start3A_141] : memref<10240x32xf32, #tpu.memory_space<hbm>> -> memref<10240x32xf32, #tpu.memory_space<hbm>>
      tpu.enqueue_indirect_dma source(%dma_start3A_142 : memref<10240x32xf32, #tpu.memory_space<hbm>>) target(%arg15 : memref<512x32xf32, #tpu.memory_space<vmem>>) offsets(%arg7 : memref<512xi32, #tpu.memory_space<vmem>>) semaphore(%arg20 : memref<!tpu.dma_semaphore, #tpu.memory_space<semaphore_mem>>)
      %mul3A_143 = arith.constant 4 : i32
      %mul3A_144 = arith.muli %mul3A_143, %add3A_108 : i32
      %add3A_145 = arith.constant 2 : i32
      %add3A_146 = arith.addi %add3A_145, %mul3A_144 : i32
      %add3A_147 = arith.constant 1 : i32
      %add3A_148 = arith.addi %add3A_146, %add3A_147 : i32
      %dma_wait3A_149 = arith.constant 0 : i32
      %dma_wait3A_150 = arith.constant 0 : i32
      %dma_wait3A_151 = tpu.memref_slice %arg4[%dma_wait3A_149, %dma_wait3A_150] : memref<10240x32xf32, #tpu.memory_space<hbm>> -> memref<10240x32xf32, #tpu.memory_space<hbm>>
      tpu.wait_indirect_dma semaphore(%arg23 : memref<!tpu.dma_semaphore, #tpu.memory_space<semaphore_mem>>) src(%dma_wait3A_151 : memref<10240x32xf32, #tpu.memory_space<hbm>>) dst(%arg18 : memref<512x32xf32, #tpu.memory_space<vmem>>)
      %dma_start3A_152 = arith.constant 0 : i32
      %dma_start3A_153 = arith.constant 0 : i32
      %dma_start3A_154 = tpu.memref_slice %arg19[%dma_start3A_152, %dma_start3A_153] : memref<10240x32xf32, #tpu.memory_space<vmem_shared>> -> memref<10240x32xf32, #tpu.memory_space<vmem_shared>>
      tpu.enqueue_indirect_dma source(%arg18 : memref<512x32xf32, #tpu.memory_space<vmem>>) target(%dma_start3A_154 : memref<10240x32xf32, #tpu.memory_space<vmem_shared>>) offsets(%arg14 : memref<512xi32, #tpu.memory_space<vmem>>) semaphore(%arg27 : memref<!tpu.dma_semaphore, #tpu.memory_space<semaphore_mem>>) {add = true}
      %dma_wait3A_155 = arith.constant 0 : i32
      %dma_wait3A_156 = arith.constant 0 : i32
      %dma_wait3A_157 = tpu.memref_slice %arg19[%dma_wait3A_155, %dma_wait3A_156] : memref<10240x32xf32, #tpu.memory_space<vmem_shared>> -> memref<10240x32xf32, #tpu.memory_space<vmem_shared>>
      tpu.wait_indirect_dma semaphore(%arg25 : memref<!tpu.dma_semaphore, #tpu.memory_space<semaphore_mem>>) src(%arg16 : memref<512x32xf32, #tpu.memory_space<vmem>>) dst(%dma_wait3A_157 : memref<10240x32xf32, #tpu.memory_space<vmem_shared>>)
      %add3A_158 = arith.constant 2 : i32
      %add3A_159 = arith.addi %add3A_148, %add3A_158 : i32
      %mul3A_160 = arith.constant 512 : i32
      %mul3A_161 = arith.muli %add3A_159, %mul3A_160 : i32
      %add3A_162 = arith.addi %mul3A_4, %mul3A_161 : i32
      %dma_start3A_163 = tpu.memref_slice %arg2[%add3A_162] : memref<327680xi32, #tpu.memory_space<hbm>> -> memref<512xi32, #tpu.memory_space<hbm>>
      %dma_start3A_164 = tpu.memref_slice %arg2[%add3A_162] : memref<327680xi32, #tpu.memory_space<hbm>> -> memref<512xi32, #tpu.memory_space<hbm>>
      tpu.enqueue_dma source(%dma_start3A_164 : memref<512xi32, #tpu.memory_space<hbm>>) target(%arg8 : memref<512xi32, #tpu.memory_space<vmem>>) target_semaphore(%arg29 : memref<!tpu.dma_semaphore, #tpu.memory_space<semaphore_mem>>)
      %mul3A_165 = arith.constant 512 : i32
      %mul3A_166 = arith.muli %add3A_159, %mul3A_165 : i32
      %add3A_167 = arith.addi %mul3A_4, %mul3A_166 : i32
      %dma_start3A_168 = tpu.memref_slice %arg3[%add3A_167] : memref<327680xi32, #tpu.memory_space<hbm>> -> memref<512xi32, #tpu.memory_space<hbm>>
      %dma_start3A_169 = tpu.memref_slice %arg3[%add3A_167] : memref<327680xi32, #tpu.memory_space<hbm>> -> memref<512xi32, #tpu.memory_space<hbm>>
      tpu.enqueue_dma source(%dma_start3A_169 : memref<512xi32, #tpu.memory_space<hbm>>) target(%arg12 : memref<512xi32, #tpu.memory_space<vmem>>) target_semaphore(%arg29 : memref<!tpu.dma_semaphore, #tpu.memory_space<semaphore_mem>>)
      %dma_wait3A_170 = tpu.memref_slice %arg2[%mul3A_4] : memref<327680xi32, #tpu.memory_space<hbm>> -> memref<512xi32, #tpu.memory_space<hbm>>
      %dma_wait3A_171 = tpu.memref_slice %arg2[%mul3A_4] : memref<327680xi32, #tpu.memory_space<hbm>> -> memref<512xi32, #tpu.memory_space<hbm>>
      tpu.wait_dma2 semaphore(%arg29 : memref<!tpu.dma_semaphore, #tpu.memory_space<semaphore_mem>>) src(%dma_wait3A_171 : memref<512xi32, #tpu.memory_space<hbm>>) dst(%arg8 : memref<512xi32, #tpu.memory_space<vmem>>)
      %dma_wait3A_172 = tpu.memref_slice %arg3[%mul3A_4] : memref<327680xi32, #tpu.memory_space<hbm>> -> memref<512xi32, #tpu.memory_space<hbm>>
      %dma_wait3A_173 = tpu.memref_slice %arg3[%mul3A_4] : memref<327680xi32, #tpu.memory_space<hbm>> -> memref<512xi32, #tpu.memory_space<hbm>>
      tpu.wait_dma2 semaphore(%arg29 : memref<!tpu.dma_semaphore, #tpu.memory_space<semaphore_mem>>) src(%dma_wait3A_173 : memref<512xi32, #tpu.memory_space<hbm>>) dst(%arg12 : memref<512xi32, #tpu.memory_space<vmem>>)
      %dma_start3A_174 = arith.constant 0 : i32
      %dma_start3A_175 = arith.constant 0 : i32
      %dma_start3A_176 = tpu.memref_slice %arg4[%dma_start3A_174, %dma_start3A_175] : memref<10240x32xf32, #tpu.memory_space<hbm>> -> memref<10240x32xf32, #tpu.memory_space<hbm>>
      tpu.enqueue_indirect_dma source(%dma_start3A_176 : memref<10240x32xf32, #tpu.memory_space<hbm>>) target(%arg16 : memref<512x32xf32, #tpu.memory_space<vmem>>) offsets(%arg8 : memref<512xi32, #tpu.memory_space<vmem>>) semaphore(%arg21 : memref<!tpu.dma_semaphore, #tpu.memory_space<semaphore_mem>>)
      %mul3A_177 = arith.constant 4 : i32
      %mul3A_178 = arith.muli %mul3A_177, %add3A_108 : i32
      %add3A_179 = arith.constant 2 : i32
      %add3A_180 = arith.addi %add3A_179, %mul3A_178 : i32
      %add3A_181 = arith.constant 2 : i32
      %add3A_182 = arith.addi %add3A_180, %add3A_181 : i32
      %dma_wait3A_183 = arith.constant 0 : i32
      %dma_wait3A_184 = arith.constant 0 : i32
      %dma_wait3A_185 = tpu.memref_slice %arg4[%dma_wait3A_183, %dma_wait3A_184] : memref<10240x32xf32, #tpu.memory_space<hbm>> -> memref<10240x32xf32, #tpu.memory_space<hbm>>
      tpu.wait_indirect_dma semaphore(%arg20 : memref<!tpu.dma_semaphore, #tpu.memory_space<semaphore_mem>>) src(%dma_wait3A_185 : memref<10240x32xf32, #tpu.memory_space<hbm>>) dst(%arg15 : memref<512x32xf32, #tpu.memory_space<vmem>>)
      %dma_start3A_186 = arith.constant 0 : i32
      %dma_start3A_187 = arith.constant 0 : i32
      %dma_start3A_188 = tpu.memref_slice %arg19[%dma_start3A_186, %dma_start3A_187] : memref<10240x32xf32, #tpu.memory_space<vmem_shared>> -> memref<10240x32xf32, #tpu.memory_space<vmem_shared>>
      tpu.enqueue_indirect_dma source(%arg15 : memref<512x32xf32, #tpu.memory_space<vmem>>) target(%dma_start3A_188 : memref<10240x32xf32, #tpu.memory_space<vmem_shared>>) offsets(%arg11 : memref<512xi32, #tpu.memory_space<vmem>>) semaphore(%arg24 : memref<!tpu.dma_semaphore, #tpu.memory_space<semaphore_mem>>) {add = true}
      %dma_wait3A_189 = arith.constant 0 : i32
      %dma_wait3A_190 = arith.constant 0 : i32
      %dma_wait3A_191 = tpu.memref_slice %arg19[%dma_wait3A_189, %dma_wait3A_190] : memref<10240x32xf32, #tpu.memory_space<vmem_shared>> -> memref<10240x32xf32, #tpu.memory_space<vmem_shared>>
      tpu.wait_indirect_dma semaphore(%arg26 : memref<!tpu.dma_semaphore, #tpu.memory_space<semaphore_mem>>) src(%arg17 : memref<512x32xf32, #tpu.memory_space<vmem>>) dst(%dma_wait3A_191 : memref<10240x32xf32, #tpu.memory_space<vmem_shared>>)
      %add3A_192 = arith.constant 2 : i32
      %add3A_193 = arith.addi %add3A_182, %add3A_192 : i32
      %mul3A_194 = arith.constant 512 : i32
      %mul3A_195 = arith.muli %add3A_193, %mul3A_194 : i32
      %add3A_196 = arith.addi %mul3A_4, %mul3A_195 : i32
      %dma_start3A_197 = tpu.memref_slice %arg2[%add3A_196] : memref<327680xi32, #tpu.memory_space<hbm>> -> memref<512xi32, #tpu.memory_space<hbm>>
      %dma_start3A_198 = tpu.memref_slice %arg2[%add3A_196] : memref<327680xi32, #tpu.memory_space<hbm>> -> memref<512xi32, #tpu.memory_space<hbm>>
      tpu.enqueue_dma source(%dma_start3A_198 : memref<512xi32, #tpu.memory_space<hbm>>) target(%arg9 : memref<512xi32, #tpu.memory_space<vmem>>) target_semaphore(%arg30 : memref<!tpu.dma_semaphore, #tpu.memory_space<semaphore_mem>>)
      %mul3A_199 = arith.constant 512 : i32
      %mul3A_200 = arith.muli %add3A_193, %mul3A_199 : i32
      %add3A_201 = arith.addi %mul3A_4, %mul3A_200 : i32
      %dma_start3A_202 = tpu.memref_slice %arg3[%add3A_201] : memref<327680xi32, #tpu.memory_space<hbm>> -> memref<512xi32, #tpu.memory_space<hbm>>
      %dma_start3A_203 = tpu.memref_slice %arg3[%add3A_201] : memref<327680xi32, #tpu.memory_space<hbm>> -> memref<512xi32, #tpu.memory_space<hbm>>
      tpu.enqueue_dma source(%dma_start3A_203 : memref<512xi32, #tpu.memory_space<hbm>>) target(%arg13 : memref<512xi32, #tpu.memory_space<vmem>>) target_semaphore(%arg30 : memref<!tpu.dma_semaphore, #tpu.memory_space<semaphore_mem>>)
      %dma_wait3A_204 = tpu.memref_slice %arg2[%mul3A_4] : memref<327680xi32, #tpu.memory_space<hbm>> -> memref<512xi32, #tpu.memory_space<hbm>>
      %dma_wait3A_205 = tpu.memref_slice %arg2[%mul3A_4] : memref<327680xi32, #tpu.memory_space<hbm>> -> memref<512xi32, #tpu.memory_space<hbm>>
      tpu.wait_dma2 semaphore(%arg30 : memref<!tpu.dma_semaphore, #tpu.memory_space<semaphore_mem>>) src(%dma_wait3A_205 : memref<512xi32, #tpu.memory_space<hbm>>) dst(%arg9 : memref<512xi32, #tpu.memory_space<vmem>>)
      %dma_wait3A_206 = tpu.memref_slice %arg3[%mul3A_4] : memref<327680xi32, #tpu.memory_space<hbm>> -> memref<512xi32, #tpu.memory_space<hbm>>
      %dma_wait3A_207 = tpu.memref_slice %arg3[%mul3A_4] : memref<327680xi32, #tpu.memory_space<hbm>> -> memref<512xi32, #tpu.memory_space<hbm>>
      tpu.wait_dma2 semaphore(%arg30 : memref<!tpu.dma_semaphore, #tpu.memory_space<semaphore_mem>>) src(%dma_wait3A_207 : memref<512xi32, #tpu.memory_space<hbm>>) dst(%arg13 : memref<512xi32, #tpu.memory_space<vmem>>)
      %dma_start3A_208 = arith.constant 0 : i32
      %dma_start3A_209 = arith.constant 0 : i32
      %dma_start3A_210 = tpu.memref_slice %arg4[%dma_start3A_208, %dma_start3A_209] : memref<10240x32xf32, #tpu.memory_space<hbm>> -> memref<10240x32xf32, #tpu.memory_space<hbm>>
      tpu.enqueue_indirect_dma source(%dma_start3A_210 : memref<10240x32xf32, #tpu.memory_space<hbm>>) target(%arg17 : memref<512x32xf32, #tpu.memory_space<vmem>>) offsets(%arg9 : memref<512xi32, #tpu.memory_space<vmem>>) semaphore(%arg22 : memref<!tpu.dma_semaphore, #tpu.memory_space<semaphore_mem>>)
      %mul3A_211 = arith.constant 4 : i32
      %mul3A_212 = arith.muli %mul3A_211, %add3A_108 : i32
      %add3A_213 = arith.constant 2 : i32
      %add3A_214 = arith.addi %add3A_213, %mul3A_212 : i32
      %add3A_215 = arith.constant 3 : i32
      %add3A_216 = arith.addi %add3A_214, %add3A_215 : i32
      %dma_wait3A_217 = arith.constant 0 : i32
      %dma_wait3A_218 = arith.constant 0 : i32
      %dma_wait3A_219 = tpu.memref_slice %arg4[%dma_wait3A_217, %dma_wait3A_218] : memref<10240x32xf32, #tpu.memory_space<hbm>> -> memref<10240x32xf32, #tpu.memory_space<hbm>>
      tpu.wait_indirect_dma semaphore(%arg21 : memref<!tpu.dma_semaphore, #tpu.memory_space<semaphore_mem>>) src(%dma_wait3A_219 : memref<10240x32xf32, #tpu.memory_space<hbm>>) dst(%arg16 : memref<512x32xf32, #tpu.memory_space<vmem>>)
      %dma_start3A_220 = arith.constant 0 : i32
      %dma_start3A_221 = arith.constant 0 : i32
      %dma_start3A_222 = tpu.memref_slice %arg19[%dma_start3A_220, %dma_start3A_221] : memref<10240x32xf32, #tpu.memory_space<vmem_shared>> -> memref<10240x32xf32, #tpu.memory_space<vmem_shared>>
      tpu.enqueue_indirect_dma source(%arg16 : memref<512x32xf32, #tpu.memory_space<vmem>>) target(%dma_start3A_222 : memref<10240x32xf32, #tpu.memory_space<vmem_shared>>) offsets(%arg12 : memref<512xi32, #tpu.memory_space<vmem>>) semaphore(%arg25 : memref<!tpu.dma_semaphore, #tpu.memory_space<semaphore_mem>>) {add = true}
      %dma_wait3A_223 = arith.constant 0 : i32
      %dma_wait3A_224 = arith.constant 0 : i32
      %dma_wait3A_225 = tpu.memref_slice %arg19[%dma_wait3A_223, %dma_wait3A_224] : memref<10240x32xf32, #tpu.memory_space<vmem_shared>> -> memref<10240x32xf32, #tpu.memory_space<vmem_shared>>
      tpu.wait_indirect_dma semaphore(%arg27 : memref<!tpu.dma_semaphore, #tpu.memory_space<semaphore_mem>>) src(%arg18 : memref<512x32xf32, #tpu.memory_space<vmem>>) dst(%dma_wait3A_225 : memref<10240x32xf32, #tpu.memory_space<vmem_shared>>)
      %add3A_226 = arith.constant 2 : i32
      %add3A_227 = arith.addi %add3A_216, %add3A_226 : i32
      %mul3A_228 = arith.constant 512 : i32
      %mul3A_229 = arith.muli %add3A_227, %mul3A_228 : i32
      %add3A_230 = arith.addi %mul3A_4, %mul3A_229 : i32
      %dma_start3A_231 = tpu.memref_slice %arg2[%add3A_230] : memref<327680xi32, #tpu.memory_space<hbm>> -> memref<512xi32, #tpu.memory_space<hbm>>
      %dma_start3A_232 = tpu.memref_slice %arg2[%add3A_230] : memref<327680xi32, #tpu.memory_space<hbm>> -> memref<512xi32, #tpu.memory_space<hbm>>
      tpu.enqueue_dma source(%dma_start3A_232 : memref<512xi32, #tpu.memory_space<hbm>>) target(%arg10 : memref<512xi32, #tpu.memory_space<vmem>>) target_semaphore(%arg31 : memref<!tpu.dma_semaphore, #tpu.memory_space<semaphore_mem>>)
      %mul3A_233 = arith.constant 512 : i32
      %mul3A_234 = arith.muli %add3A_227, %mul3A_233 : i32
      %add3A_235 = arith.addi %mul3A_4, %mul3A_234 : i32
      %dma_start3A_236 = tpu.memref_slice %arg3[%add3A_235] : memref<327680xi32, #tpu.memory_space<hbm>> -> memref<512xi32, #tpu.memory_space<hbm>>
      %dma_start3A_237 = tpu.memref_slice %arg3[%add3A_235] : memref<327680xi32, #tpu.memory_space<hbm>> -> memref<512xi32, #tpu.memory_space<hbm>>
      tpu.enqueue_dma source(%dma_start3A_237 : memref<512xi32, #tpu.memory_space<hbm>>) target(%arg14 : memref<512xi32, #tpu.memory_space<vmem>>) target_semaphore(%arg31 : memref<!tpu.dma_semaphore, #tpu.memory_space<semaphore_mem>>)
      %dma_wait3A_238 = tpu.memref_slice %arg2[%mul3A_4] : memref<327680xi32, #tpu.memory_space<hbm>> -> memref<512xi32, #tpu.memory_space<hbm>>
      %dma_wait3A_239 = tpu.memref_slice %arg2[%mul3A_4] : memref<327680xi32, #tpu.memory_space<hbm>> -> memref<512xi32, #tpu.memory_space<hbm>>
      tpu.wait_dma2 semaphore(%arg31 : memref<!tpu.dma_semaphore, #tpu.memory_space<semaphore_mem>>) src(%dma_wait3A_239 : memref<512xi32, #tpu.memory_space<hbm>>) dst(%arg10 : memref<512xi32, #tpu.memory_space<vmem>>)
      %dma_wait3A_240 = tpu.memref_slice %arg3[%mul3A_4] : memref<327680xi32, #tpu.memory_space<hbm>> -> memref<512xi32, #tpu.memory_space<hbm>>
      %dma_wait3A_241 = tpu.memref_slice %arg3[%mul3A_4] : memref<327680xi32, #tpu.memory_space<hbm>> -> memref<512xi32, #tpu.memory_space<hbm>>
      tpu.wait_dma2 semaphore(%arg31 : memref<!tpu.dma_semaphore, #tpu.memory_space<semaphore_mem>>) src(%dma_wait3A_241 : memref<512xi32, #tpu.memory_space<hbm>>) dst(%arg14 : memref<512xi32, #tpu.memory_space<vmem>>)
      %dma_start3A_242 = arith.constant 0 : i32
      %dma_start3A_243 = arith.constant 0 : i32
      %dma_start3A_244 = tpu.memref_slice %arg4[%dma_start3A_242, %dma_start3A_243] : memref<10240x32xf32, #tpu.memory_space<hbm>> -> memref<10240x32xf32, #tpu.memory_space<hbm>>
      tpu.enqueue_indirect_dma source(%dma_start3A_244 : memref<10240x32xf32, #tpu.memory_space<hbm>>) target(%arg18 : memref<512x32xf32, #tpu.memory_space<vmem>>) offsets(%arg10 : memref<512xi32, #tpu.memory_space<vmem>>) semaphore(%arg23 : memref<!tpu.dma_semaphore, #tpu.memory_space<semaphore_mem>>)
    }
    %scan3A_78 = arith.constant 4 : i32
    %dma_wait3A_79 = arith.constant 0 : i32
    %dma_wait3A_80 = arith.constant 0 : i32
    %dma_wait3A_81 = tpu.memref_slice %arg4[%dma_wait3A_79, %dma_wait3A_80] : memref<10240x32xf32, #tpu.memory_space<hbm>> -> memref<10240x32xf32, #tpu.memory_space<hbm>>
    tpu.wait_indirect_dma semaphore(%arg22 : memref<!tpu.dma_semaphore, #tpu.memory_space<semaphore_mem>>) src(%dma_wait3A_81 : memref<10240x32xf32, #tpu.memory_space<hbm>>) dst(%arg17 : memref<512x32xf32, #tpu.memory_space<vmem>>)
    %dma_start3A_82 = arith.constant 0 : i32
    %dma_start3A_83 = arith.constant 0 : i32
    %dma_start3A_84 = tpu.memref_slice %arg19[%dma_start3A_82, %dma_start3A_83] : memref<10240x32xf32, #tpu.memory_space<vmem_shared>> -> memref<10240x32xf32, #tpu.memory_space<vmem_shared>>
    tpu.enqueue_indirect_dma source(%arg17 : memref<512x32xf32, #tpu.memory_space<vmem>>) target(%dma_start3A_84 : memref<10240x32xf32, #tpu.memory_space<vmem_shared>>) offsets(%arg13 : memref<512xi32, #tpu.memory_space<vmem>>) semaphore(%arg26 : memref<!tpu.dma_semaphore, #tpu.memory_space<semaphore_mem>>) {add = true}
    %dma_wait3A_85 = arith.constant 0 : i32
    %dma_wait3A_86 = arith.constant 0 : i32
    %dma_wait3A_87 = tpu.memref_slice %arg4[%dma_wait3A_85, %dma_wait3A_86] : memref<10240x32xf32, #tpu.memory_space<hbm>> -> memref<10240x32xf32, #tpu.memory_space<hbm>>
    tpu.wait_indirect_dma semaphore(%arg23 : memref<!tpu.dma_semaphore, #tpu.memory_space<semaphore_mem>>) src(%dma_wait3A_87 : memref<10240x32xf32, #tpu.memory_space<hbm>>) dst(%arg18 : memref<512x32xf32, #tpu.memory_space<vmem>>)
    %dma_start3A_88 = arith.constant 0 : i32
    %dma_start3A_89 = arith.constant 0 : i32
    %dma_start3A_90 = tpu.memref_slice %arg19[%dma_start3A_88, %dma_start3A_89] : memref<10240x32xf32, #tpu.memory_space<vmem_shared>> -> memref<10240x32xf32, #tpu.memory_space<vmem_shared>>
    tpu.enqueue_indirect_dma source(%arg18 : memref<512x32xf32, #tpu.memory_space<vmem>>) target(%dma_start3A_90 : memref<10240x32xf32, #tpu.memory_space<vmem_shared>>) offsets(%arg14 : memref<512xi32, #tpu.memory_space<vmem>>) semaphore(%arg27 : memref<!tpu.dma_semaphore, #tpu.memory_space<semaphore_mem>>) {add = true}
    %dma_wait3A_91 = arith.constant 0 : i32
    %dma_wait3A_92 = arith.constant 0 : i32
    %dma_wait3A_93 = tpu.memref_slice %arg19[%dma_wait3A_91, %dma_wait3A_92] : memref<10240x32xf32, #tpu.memory_space<vmem_shared>> -> memref<10240x32xf32, #tpu.memory_space<vmem_shared>>
    tpu.wait_indirect_dma semaphore(%arg24 : memref<!tpu.dma_semaphore, #tpu.memory_space<semaphore_mem>>) src(%arg15 : memref<512x32xf32, #tpu.memory_space<vmem>>) dst(%dma_wait3A_93 : memref<10240x32xf32, #tpu.memory_space<vmem_shared>>)
    %dma_wait3A_94 = arith.constant 0 : i32
    %dma_wait3A_95 = arith.constant 0 : i32
    %dma_wait3A_96 = tpu.memref_slice %arg19[%dma_wait3A_94, %dma_wait3A_95] : memref<10240x32xf32, #tpu.memory_space<vmem_shared>> -> memref<10240x32xf32, #tpu.memory_space<vmem_shared>>
    tpu.wait_indirect_dma semaphore(%arg25 : memref<!tpu.dma_semaphore, #tpu.memory_space<semaphore_mem>>) src(%arg16 : memref<512x32xf32, #tpu.memory_space<vmem>>) dst(%dma_wait3A_96 : memref<10240x32xf32, #tpu.memory_space<vmem_shared>>)
    %dma_wait3A_97 = arith.constant 0 : i32
    %dma_wait3A_98 = arith.constant 0 : i32
    %dma_wait3A_99 = tpu.memref_slice %arg19[%dma_wait3A_97, %dma_wait3A_98] : memref<10240x32xf32, #tpu.memory_space<vmem_shared>> -> memref<10240x32xf32, #tpu.memory_space<vmem_shared>>
    tpu.wait_indirect_dma semaphore(%arg26 : memref<!tpu.dma_semaphore, #tpu.memory_space<semaphore_mem>>) src(%arg17 : memref<512x32xf32, #tpu.memory_space<vmem>>) dst(%dma_wait3A_99 : memref<10240x32xf32, #tpu.memory_space<vmem_shared>>)
    %dma_wait3A_100 = arith.constant 0 : i32
    %dma_wait3A_101 = arith.constant 0 : i32
    %dma_wait3A_102 = tpu.memref_slice %arg19[%dma_wait3A_100, %dma_wait3A_101] : memref<10240x32xf32, #tpu.memory_space<vmem_shared>> -> memref<10240x32xf32, #tpu.memory_space<vmem_shared>>
    tpu.wait_indirect_dma semaphore(%arg27 : memref<!tpu.dma_semaphore, #tpu.memory_space<semaphore_mem>>) src(%arg18 : memref<512x32xf32, #tpu.memory_space<vmem>>) dst(%dma_wait3A_102 : memref<10240x32xf32, #tpu.memory_space<vmem_shared>>)
    %barrier3A_103 = arith.constant 0 : index
    tpu.barrier barrier_id(%barrier3A_103)
    "tpu.region"() ({
      %run_scoped3A = tpu.sem_alloc : memref<!tpu.dma_semaphore, #tpu.memory_space<semaphore_mem>>
      %dma_start3A_104 = arith.constant 0 : i32
      %dma_start3A_105 = tpu.memref_slice %arg6[%arg0, %mul3A_2, %dma_start3A_104] : memref<2x10240x32xf32, #tpu.memory_space<hbm>> -> memref<1x640x32xf32, #tpu.memory_space<hbm>>
      %dma_start3A_106 = tpu.memref_squeeze %dma_start3A_105 : memref<1x640x32xf32, #tpu.memory_space<hbm>> -> memref<640x32xf32, #tpu.memory_space<hbm>>
      %dma_start3A_107 = arith.constant 0 : i32
      %dma_start3A_108 = tpu.memref_slice %arg19[%mul3A_2, %dma_start3A_107] : memref<10240x32xf32, #tpu.memory_space<vmem_shared>> -> memref<640x32xf32, #tpu.memory_space<vmem_shared>>
      tpu.enqueue_dma source(%dma_start3A_108 : memref<640x32xf32, #tpu.memory_space<vmem_shared>>) target(%dma_start3A_106 : memref<640x32xf32, #tpu.memory_space<hbm>>) target_semaphore(%run_scoped3A : memref<!tpu.dma_semaphore, #tpu.memory_space<semaphore_mem>>)
      %dma_wait3A_109 = arith.constant 0 : i32
      %dma_wait3A_110 = tpu.memref_slice %arg6[%arg0, %mul3A_2, %dma_wait3A_109] : memref<2x10240x32xf32, #tpu.memory_space<hbm>> -> memref<1x640x32xf32, #tpu.memory_space<hbm>>
      %dma_wait3A_111 = tpu.memref_squeeze %dma_wait3A_110 : memref<1x640x32xf32, #tpu.memory_space<hbm>> -> memref<640x32xf32, #tpu.memory_space<hbm>>
      %dma_wait3A_112 = arith.constant 0 : i32
      %dma_wait3A_113 = tpu.memref_slice %arg19[%mul3A_2, %dma_wait3A_112] : memref<10240x32xf32, #tpu.memory_space<vmem_shared>> -> memref<640x32xf32, #tpu.memory_space<vmem_shared>>
      tpu.wait_dma2 semaphore(%run_scoped3A : memref<!tpu.dma_semaphore, #tpu.memory_space<semaphore_mem>>) src(%dma_wait3A_113 : memref<640x32xf32, #tpu.memory_space<vmem_shared>>) dst(%dma_wait3A_111 : memref<640x32xf32, #tpu.memory_space<hbm>>)
      tpu.yield
    }) : () -> ()
    return
  }
}

module attributes {stable_mosaic.version = 14 : i64} {
  func.func @body(%arg0: memref<10000x128xf32, #tpu.memory_space<vmem>>, %arg1: memref<128x64xf32, #tpu.memory_space<vmem>>, %arg2: memref<10240x64xf32, #tpu.memory_space<vmem>>) attributes {dimension_semantics = [], scalar_prefetch = 0 : i64, scratch_operands = 0 : i64, tpu.core_type = #tpu.core_type<tc>} {
    %get3A = arith.constant 0 : index
    %get3A_0 = arith.constant 0 : index
    %get3A_1 = vector.load %arg0[%get3A, %get3A_0] : memref<10000x128xf32, #tpu.memory_space<vmem>>, vector<10000x128xf32>
    %get3A_2 = arith.constant 0 : index
    %get3A_3 = arith.constant 0 : index
    %get3A_4 = vector.load %arg1[%get3A_2, %get3A_3] : memref<128x64xf32, #tpu.memory_space<vmem>>, vector<128x64xf32>
    %dot_general3A = arith.constant dense<0.000000e+00> : vector<10000x64xf32>
    %dot_general3A_5 = tpu.matmul %get3A_1, %get3A_4, %dot_general3A {dimension_numbers = #tpu.dot_dimension_numbers<[1], [0], [0], [1], [0, 0, 1, 1], [], []>, transpose_lhs_hint = false} : vector<10000x128xf32>, vector<128x64xf32>, vector<10000x64xf32> -> vector<10000x64xf32>
    %swap3A = arith.constant 0 : index
    %swap3A_6 = arith.constant 0 : index
    %swap3A_7 = vector.load %arg2[%swap3A, %swap3A_6] : memref<10240x64xf32, #tpu.memory_space<vmem>>, vector<10000x64xf32>
    tpu.vector_store %arg2[%swap3A, %swap3A_6], %dot_general3A_5 {strides = array<i32>} : memref<10240x64xf32, #tpu.memory_space<vmem>>, vector<10000x64xf32>,
    %broadcast_in_dim3A = arith.constant 0.000000e+00 : f32
    %broadcast_in_dim3A_8 = vector.broadcast %broadcast_in_dim3A : f32 to vector<240x64xf32>
    %swap3A_9 = arith.constant 10000 : index
    %swap3A_10 = arith.constant 0 : index
    %swap3A_11 = vector.load %arg2[%swap3A_9, %swap3A_10] : memref<10240x64xf32, #tpu.memory_space<vmem>>, vector<240x64xf32>
    tpu.vector_store %arg2[%swap3A_9, %swap3A_10], %broadcast_in_dim3A_8 {strides = array<i32>} : memref<10240x64xf32, #tpu.memory_space<vmem>>, vector<240x64xf32>,
    return
  }
}

module attributes {stable_mosaic.version = 14 : i64} {
  func.func @body(%arg0: memref<10240x64xf32, #tpu.memory_space<vmem>>, %arg1: memref<2x10240x8xf32, #tpu.memory_space<vmem>>, %arg2: memref<10240x64xf32, #tpu.memory_space<vmem>>) attributes {dimension_semantics = [], scalar_prefetch = 0 : i64, scratch_operands = 0 : i64, tpu.core_type = #tpu.core_type<tc>} {
    %get3A = arith.constant 0 : index
    %get3A_0 = arith.constant 0 : index
    %get3A_1 = arith.constant 0 : index
    %get3A_2 = vector.load %arg1[%get3A, %get3A_0, %get3A_1] : memref<2x10240x8xf32, #tpu.memory_space<vmem>>, vector<2x10240x8xf32>
    %slice3A = vector.extract_strided_slice %get3A_2 {offsets = [0, 0, 0], sizes = [1, 10240, 1], strides = [1, 1, 1]} : vector<2x10240x8xf32> to vector<1x10240x1xf32>
    %squeeze3A = vector.shape_cast %slice3A : vector<1x10240x1xf32> to vector<10240x1xf32>
    %slice3A_3 = vector.extract_strided_slice %get3A_2 {offsets = [1, 0, 0], sizes = [1, 10240, 1], strides = [1, 1, 1]} : vector<2x10240x8xf32> to vector<1x10240x1xf32>
    %squeeze3A_4 = vector.shape_cast %slice3A_3 : vector<1x10240x1xf32> to vector<10240x1xf32>
    %add3A = arith.addf %squeeze3A, %squeeze3A_4 : vector<10240x1xf32>
    %add3A_5 = arith.constant 1.000000e+00 : f32
    %add3A_6 = vector.broadcast %add3A_5 : f32 to vector<10240x1xf32>
    %add3A_7 = arith.addf %add3A, %add3A_6 : vector<10240x1xf32>
    %iota3A = tpu.iota {dimensions = array<i32: 0>} : vector<10240x1xi32>
    %lt3A = arith.constant 10000 : i32
    %lt3A_8 = vector.broadcast %lt3A : i32 to vector<10240x1xi32>
    %lt3A_9 = arith.cmpi slt, %iota3A, %lt3A_8 : vector<10240x1xi32>
    %rsqrt3A = math.rsqrt %add3A_7 : vector<10240x1xf32>
    %jit3A = arith.constant 0.000000e+00 : f32
    %broadcast_in_dim3A = vector.broadcast %jit3A : f32 to vector<10240x1xf32>
    %select_n3A = arith.select %lt3A_9, %rsqrt3A, %broadcast_in_dim3A : vector<10240x1xi1>, vector<10240x1xf32>
    %get3A_10 = arith.constant 0 : index
    %get3A_11 = arith.constant 0 : index
    %get3A_12 = vector.load %arg0[%get3A_10, %get3A_11] : memref<10240x64xf32, #tpu.memory_space<vmem>>, vector<10240x64xf32>
    %mul3A = vector.broadcast %select_n3A : vector<10240x1xf32> to vector<10240x64xf32>
    %mul3A_13 = arith.mulf %mul3A, %get3A_12 : vector<10240x64xf32>
    %swap3A = arith.constant 0 : index
    %swap3A_14 = arith.constant 0 : index
    %swap3A_15 = vector.load %arg2[%swap3A, %swap3A_14] : memref<10240x64xf32, #tpu.memory_space<vmem>>, vector<10240x64xf32>
    tpu.vector_store %arg2[%swap3A, %swap3A_14], %mul3A_13 {strides = array<i32>} : memref<10240x64xf32, #tpu.memory_space<vmem>>, vector<10240x64xf32>,
    return
  }
}

module attributes {stable_mosaic.version = 14 : i64} {
  func.func @body(%arg0: memref<2x10240x64xf32, #tpu.memory_space<vmem>>, %arg1: memref<10240x64xf32, #tpu.memory_space<vmem>>, %arg2: memref<2x10240x8xf32, #tpu.memory_space<vmem>>, %arg3: memref<1x64xf32, #tpu.memory_space<vmem>>, %arg4: memref<64x32xf32, #tpu.memory_space<vmem>>, %arg5: memref<10240x32xf32, #tpu.memory_space<vmem>>) attributes {dimension_semantics = [], scalar_prefetch = 0 : i64, scratch_operands = 0 : i64, tpu.core_type = #tpu.core_type<tc>} {
    %get3A = arith.constant 0 : index
    %get3A_0 = arith.constant 0 : index
    %get3A_1 = arith.constant 0 : index
    %get3A_2 = vector.load %arg0[%get3A, %get3A_0, %get3A_1] : memref<2x10240x64xf32, #tpu.memory_space<vmem>>, vector<2x10240x64xf32>
    %slice3A = vector.extract_strided_slice %get3A_2 {offsets = [0, 0, 0], sizes = [1, 10240, 64], strides = [1, 1, 1]} : vector<2x10240x64xf32> to vector<1x10240x64xf32>
    %squeeze3A = vector.shape_cast %slice3A : vector<1x10240x64xf32> to vector<10240x64xf32>
    %slice3A_3 = vector.extract_strided_slice %get3A_2 {offsets = [1, 0, 0], sizes = [1, 10240, 64], strides = [1, 1, 1]} : vector<2x10240x64xf32> to vector<1x10240x64xf32>
    %squeeze3A_4 = vector.shape_cast %slice3A_3 : vector<1x10240x64xf32> to vector<10240x64xf32>
    %add3A = arith.addf %squeeze3A, %squeeze3A_4 : vector<10240x64xf32>
    %get3A_5 = arith.constant 0 : index
    %get3A_6 = arith.constant 0 : index
    %get3A_7 = vector.load %arg1[%get3A_5, %get3A_6] : memref<10240x64xf32, #tpu.memory_space<vmem>>, vector<10240x64xf32>
    %add3A_8 = arith.addf %add3A, %get3A_7 : vector<10240x64xf32>
    %get3A_9 = arith.constant 0 : index
    %get3A_10 = arith.constant 0 : index
    %get3A_11 = arith.constant 0 : index
    %get3A_12 = vector.load %arg2[%get3A_9, %get3A_10, %get3A_11] : memref<2x10240x8xf32, #tpu.memory_space<vmem>>, vector<2x10240x8xf32>
    %slice3A_13 = vector.extract_strided_slice %get3A_12 {offsets = [0, 0, 0], sizes = [1, 10240, 1], strides = [1, 1, 1]} : vector<2x10240x8xf32> to vector<1x10240x1xf32>
    %squeeze3A_14 = vector.shape_cast %slice3A_13 : vector<1x10240x1xf32> to vector<10240x1xf32>
    %slice3A_15 = vector.extract_strided_slice %get3A_12 {offsets = [1, 0, 0], sizes = [1, 10240, 1], strides = [1, 1, 1]} : vector<2x10240x8xf32> to vector<1x10240x1xf32>
    %squeeze3A_16 = vector.shape_cast %slice3A_15 : vector<1x10240x1xf32> to vector<10240x1xf32>
    %add3A_17 = arith.addf %squeeze3A_14, %squeeze3A_16 : vector<10240x1xf32>
    %add3A_18 = arith.constant 1.000000e+00 : f32
    %add3A_19 = vector.broadcast %add3A_18 : f32 to vector<10240x1xf32>
    %add3A_20 = arith.addf %add3A_17, %add3A_19 : vector<10240x1xf32>
    %iota3A = tpu.iota {dimensions = array<i32: 0>} : vector<10240x1xi32>
    %lt3A = arith.constant 10000 : i32
    %lt3A_21 = vector.broadcast %lt3A : i32 to vector<10240x1xi32>
    %lt3A_22 = arith.cmpi slt, %iota3A, %lt3A_21 : vector<10240x1xi32>
    %rsqrt3A = math.rsqrt %add3A_20 : vector<10240x1xf32>
    %jit3A = arith.constant 0.000000e+00 : f32
    %broadcast_in_dim3A = vector.broadcast %jit3A : f32 to vector<10240x1xf32>
    %select_n3A = arith.select %lt3A_22, %rsqrt3A, %broadcast_in_dim3A : vector<10240x1xi1>, vector<10240x1xf32>
    %mul3A = vector.broadcast %select_n3A : vector<10240x1xf32> to vector<10240x64xf32>
    %mul3A_23 = arith.mulf %mul3A, %add3A_8 : vector<10240x64xf32>
    %get3A_24 = arith.constant 0 : index
    %get3A_25 = arith.constant 0 : index
    %get3A_26 = vector.load %arg3[%get3A_24, %get3A_25] : memref<1x64xf32, #tpu.memory_space<vmem>>, vector<1x64xf32>
    %add3A_27 = vector.broadcast %get3A_26 : vector<1x64xf32> to vector<10240x64xf32>
    %add3A_28 = arith.addf %mul3A_23, %add3A_27 : vector<10240x64xf32>
    %max3A = arith.constant 0.000000e+00 : f32
    %max3A_29 = vector.broadcast %max3A : f32 to vector<10240x64xf32>
    %max3A_30 = arith.maximumf %add3A_28, %max3A_29 : vector<10240x64xf32>
    %get3A_31 = arith.constant 0 : index
    %get3A_32 = arith.constant 0 : index
    %get3A_33 = vector.load %arg4[%get3A_31, %get3A_32] : memref<64x32xf32, #tpu.memory_space<vmem>>, vector<64x32xf32>
    %dot_general3A = arith.constant dense<0.000000e+00> : vector<10240x32xf32>
    %dot_general3A_34 = tpu.matmul %max3A_30, %get3A_33, %dot_general3A {dimension_numbers = #tpu.dot_dimension_numbers<[1], [0], [0], [1], [0, 0, 1, 1], [], []>, transpose_lhs_hint = false} : vector<10240x64xf32>, vector<64x32xf32>, vector<10240x32xf32> -> vector<10240x32xf32>
    %mul3A_35 = vector.broadcast %select_n3A : vector<10240x1xf32> to vector<10240x32xf32>
    %mul3A_36 = arith.mulf %mul3A_35, %dot_general3A_34 : vector<10240x32xf32>
    %swap3A = arith.constant 0 : index
    %swap3A_37 = arith.constant 0 : index
    %swap3A_38 = vector.load %arg5[%swap3A, %swap3A_37] : memref<10240x32xf32, #tpu.memory_space<vmem>>, vector<10240x32xf32>
    tpu.vector_store %arg5[%swap3A, %swap3A_37], %mul3A_36 {strides = array<i32>} : memref<10240x32xf32, #tpu.memory_space<vmem>>, vector<10240x32xf32>,
    return
  }
}

module attributes {stable_mosaic.version = 14 : i64} {
  func.func @body(%arg0: memref<2x10240x32xf32, #tpu.memory_space<vmem>>, %arg1: memref<10240x32xf32, #tpu.memory_space<vmem>>, %arg2: memref<2x10240x8xf32, #tpu.memory_space<vmem>>, %arg3: memref<1x32xf32, #tpu.memory_space<vmem>>, %arg4: memref<32x1xf32, #tpu.memory_space<vmem>>, %arg5: memref<1x1xf32, #tpu.memory_space<vmem>>, %arg6: memref<10240x1xf32, #tpu.memory_space<vmem>>) attributes {dimension_semantics = [], scalar_prefetch = 0 : i64, scratch_operands = 0 : i64, tpu.core_type = #tpu.core_type<tc>} {
    %get3A = arith.constant 0 : index
    %get3A_0 = arith.constant 0 : index
    %get3A_1 = arith.constant 0 : index
    %get3A_2 = vector.load %arg0[%get3A, %get3A_0, %get3A_1] : memref<2x10240x32xf32, #tpu.memory_space<vmem>>, vector<2x10240x32xf32>
    %slice3A = vector.extract_strided_slice %get3A_2 {offsets = [0, 0, 0], sizes = [1, 10240, 32], strides = [1, 1, 1]} : vector<2x10240x32xf32> to vector<1x10240x32xf32>
    %squeeze3A = vector.shape_cast %slice3A : vector<1x10240x32xf32> to vector<10240x32xf32>
    %slice3A_3 = vector.extract_strided_slice %get3A_2 {offsets = [1, 0, 0], sizes = [1, 10240, 32], strides = [1, 1, 1]} : vector<2x10240x32xf32> to vector<1x10240x32xf32>
    %squeeze3A_4 = vector.shape_cast %slice3A_3 : vector<1x10240x32xf32> to vector<10240x32xf32>
    %add3A = arith.addf %squeeze3A, %squeeze3A_4 : vector<10240x32xf32>
    %get3A_5 = arith.constant 0 : index
    %get3A_6 = arith.constant 0 : index
    %get3A_7 = vector.load %arg1[%get3A_5, %get3A_6] : memref<10240x32xf32, #tpu.memory_space<vmem>>, vector<10240x32xf32>
    %add3A_8 = arith.addf %add3A, %get3A_7 : vector<10240x32xf32>
    %get3A_9 = arith.constant 0 : index
    %get3A_10 = arith.constant 0 : index
    %get3A_11 = arith.constant 0 : index
    %get3A_12 = vector.load %arg2[%get3A_9, %get3A_10, %get3A_11] : memref<2x10240x8xf32, #tpu.memory_space<vmem>>, vector<2x10240x8xf32>
    %slice3A_13 = vector.extract_strided_slice %get3A_12 {offsets = [0, 0, 0], sizes = [1, 10240, 1], strides = [1, 1, 1]} : vector<2x10240x8xf32> to vector<1x10240x1xf32>
    %squeeze3A_14 = vector.shape_cast %slice3A_13 : vector<1x10240x1xf32> to vector<10240x1xf32>
    %slice3A_15 = vector.extract_strided_slice %get3A_12 {offsets = [1, 0, 0], sizes = [1, 10240, 1], strides = [1, 1, 1]} : vector<2x10240x8xf32> to vector<1x10240x1xf32>
    %squeeze3A_16 = vector.shape_cast %slice3A_15 : vector<1x10240x1xf32> to vector<10240x1xf32>
    %add3A_17 = arith.addf %squeeze3A_14, %squeeze3A_16 : vector<10240x1xf32>
    %add3A_18 = arith.constant 1.000000e+00 : f32
    %add3A_19 = vector.broadcast %add3A_18 : f32 to vector<10240x1xf32>
    %add3A_20 = arith.addf %add3A_17, %add3A_19 : vector<10240x1xf32>
    %iota3A = tpu.iota {dimensions = array<i32: 0>} : vector<10240x1xi32>
    %lt3A = arith.constant 10000 : i32
    %lt3A_21 = vector.broadcast %lt3A : i32 to vector<10240x1xi32>
    %lt3A_22 = arith.cmpi slt, %iota3A, %lt3A_21 : vector<10240x1xi32>
    %rsqrt3A = math.rsqrt %add3A_20 : vector<10240x1xf32>
    %jit3A = arith.constant 0.000000e+00 : f32
    %broadcast_in_dim3A = vector.broadcast %jit3A : f32 to vector<10240x1xf32>
    %select_n3A = arith.select %lt3A_22, %rsqrt3A, %broadcast_in_dim3A : vector<10240x1xi1>, vector<10240x1xf32>
    %mul3A = vector.broadcast %select_n3A : vector<10240x1xf32> to vector<10240x32xf32>
    %mul3A_23 = arith.mulf %mul3A, %add3A_8 : vector<10240x32xf32>
    %get3A_24 = arith.constant 0 : index
    %get3A_25 = arith.constant 0 : index
    %get3A_26 = vector.load %arg3[%get3A_24, %get3A_25] : memref<1x32xf32, #tpu.memory_space<vmem>>, vector<1x32xf32>
    %add3A_27 = vector.broadcast %get3A_26 : vector<1x32xf32> to vector<10240x32xf32>
    %add3A_28 = arith.addf %mul3A_23, %add3A_27 : vector<10240x32xf32>
    %max3A = arith.constant 0.000000e+00 : f32
    %max3A_29 = vector.broadcast %max3A : f32 to vector<10240x32xf32>
    %max3A_30 = arith.maximumf %add3A_28, %max3A_29 : vector<10240x32xf32>
    %get3A_31 = arith.constant 0 : index
    %get3A_32 = arith.constant 0 : index
    %get3A_33 = vector.load %arg4[%get3A_31, %get3A_32] : memref<32x1xf32, #tpu.memory_space<vmem>>, vector<32x1xf32>
    %dot_general3A = arith.constant dense<0.000000e+00> : vector<10240x1xf32>
    %dot_general3A_34 = tpu.matmul %max3A_30, %get3A_33, %dot_general3A {dimension_numbers = #tpu.dot_dimension_numbers<[1], [0], [0], [1], [0, 0, 1, 1], [], []>, transpose_lhs_hint = false} : vector<10240x32xf32>, vector<32x1xf32>, vector<10240x1xf32> -> vector<10240x1xf32>
    %get3A_35 = arith.constant 0 : index
    %get3A_36 = arith.constant 0 : index
    %get3A_37 = vector.load %arg5[%get3A_35, %get3A_36] : memref<1x1xf32, #tpu.memory_space<vmem>>, vector<1x1xf32>
    %add3A_38 = vector.broadcast %get3A_37 : vector<1x1xf32> to vector<10240x1xf32>
    %add3A_39 = arith.addf %dot_general3A_34, %add3A_38 : vector<10240x1xf32>
    %swap3A = arith.constant 0 : index
    %swap3A_40 = arith.constant 0 : index
    %swap3A_41 = vector.load %arg6[%swap3A, %swap3A_40] : memref<10240x1xf32, #tpu.memory_space<vmem>>, vector<10240x1xf32>
    tpu.vector_store %arg6[%swap3A, %swap3A_40], %add3A_39 {strides = array<i32>} : memref<10240x1xf32, #tpu.memory_space<vmem>>, vector<10240x1xf32>,
    return
  }
}

</mosaic_0001>

<sc_bundles>
// kernel: kernel.12.cloned.1.call-start
scs
__scs_entry_jumppad:
0x0: {  	(pc) =	sbr.rel $0x88, $3  }
0x1: {  	(tag) =	ssettag $0x0;
	lr =	simm.s32 $0x1  }
0x2: {  	[smem:$0x3F99] =	sst lr;
	_ =	strace $0xD0000000  }
0x3: {  	_ = 	snop  }
0x4: {  	_ = 	snop  }
0x5: {  	_ = 	snop  }
0x6: {  	_ = 	snop  }
0x7: {  	_ = 	snop  }
__scs_overlays_trampoline_lowered:
0x8: {  	[smem:$0x3FA8] =	sst s0  }
0x9: {  	[smem:$0x3FA9] =	sst s1  }
0xa: {  	[smem:$0x3FAA] =	sst s2  }
0xb: {  	[smem:$0x3FAB] =	sst s3  }
0xc: {  	[smem:$0x3FAC] =	sst s4  }
0xd: {  	[smem:$0x3FAD] =	sst s5  }
0xe: {  	[smem:$0x3FAE] =	sst s6  }
0xf: {  	[smem:$0x3FAF] =	sst s7  }
0x10: {  	[smem:$0x3FB0] =	sst s8  }
0x11: {  	[smem:$0x3FB1] =	sst s9;
	s0 =	simm.s32 @!p0 $0x0  }
0x12: {  	s1 =	sld [smem:$0x3F97];
	s0 =	simm.s32 @p0 $0x1  }
0x13: {  	[smem:$0x3FB2] =	sst s0;
	s0 =	simm.s32 @!p1 $0x0  }
0x14: {  	s2 =	sld [smem:$0x3F96];
	s0 =	simm.s32 @p1 $0x1  }
0x15: {  	[smem:$0x3FB3] =	sst s0;
	s0 =	simm.s32 @!p2 $0x0  }
0x16: {  	s3 =	sld [smem:$0x3FDB];
	s0 =	simm.s32 @p2 $0x1  }
0x17: {  	s4 =	simm.s32 $0x1BF5;
	[smem:$0x3FB5] =	sst s0  }
0x18: {  	s0 =	sld [smem:$0x3F98];
	_ =	swait.ge [sflag:s4], $0x0  }
0x19: {  	s7 =	sld [smem:$0x3F99]  }
0x1a: {  	s8 =	sadd.s32 $0xFFFFE003, lr  }
0x1b: {  	s9 =	sadd.s32 $0xFFFFFEF7, lr;
	s5 =	simm.s32 $0xFFFFFFFF;
	p2 =	slt.u32 s8, $0xFFFFF086  }
0x1c: {  	p1 =	slt.u32 s9, $0xF7A;
	s5 =	simm.s32 @!p2 $0x0  }
0x1d: {  	s5 =	simm.s32 @p1 $0x1;
	p0 =	seq.s32 s7, s2  }
0x1e: {  	s7 =	smul.u32 @!p0 $0xF7A, s2;
	p2 =	seq.s32 @!p0 s5, $0x0  }
0x1f: {  	s9 =	smul.u32 $0xF7A, s1;
	s8 =	simm.s32 @!p0 $0x1BF5;
	p2 =	por !p2, p0  }
0x20: {  	[sflag:s8] =	ssyncset.s32 @!p0 $0xFFFFF086;
	s6 =	sadd.s32 @!p0 s3, s7;
	s7 =	simm.s32 @!p0 $0x108  }
0x21: {  	s3 =	sadd.s32 s3, s9;
	s6 =	sadd.s32 @!p0 $0x88, s6;
	s7 =	simm.s32 @p2 $0x1082  }
0x22: {  	[simem:s7], [sflag:s8] =	dma.local @!p0 [hbm:s6], $0xF7A  }
0x23: {  	s9 =	sor.u32 $0xD0000000, s2;
	s6 =	simm.s32 $0x108;
	_ =	swait.ge @!p0 [sflag:s8], $0x0  }
0x24: {  	s3 =	sadd.s32 $0x88, s3;
	s6 =	simm.s32 @!p1 $0x1082;
	[sflag:s4] =	ssyncset.s32 $0xFFFFF086  }
0x25: {  	[simem:s6], [sflag:s4] =	dma.local [hbm:s3], $0xF7A  }
0x26: {  	[smem:$0x3F99] =	sst s1;
	(tag) =	ssettag s2;
	_ =	strace s9  }
0x27: {  	s1 =	sld [smem:$0x3FA9]  }
0x28: {  	s2 =	sld [smem:$0x3FAA]  }
0x29: {  	s4 =	sld [smem:$0x3FAC]  }
0x2a: {  	p0 =	seq.s32 s5, $0x0;
	s5 =	sld [smem:$0x3FAD]  }
0x2b: {  	s6 =	sld [smem:$0x3FAE]  }
0x2c: {  	s7 =	sld [smem:$0x3FAF]  }
0x2d: {  	s3 =	simm.s32 $0x108;
	s8 =	sld [smem:$0x3FB0]  }
0x2e: {  	s3 =	simm.s32 @!p0 $0x1082;
	s9 =	sld [smem:$0x3FB1]  }
0x2f: {  	lr =	sadd.s32 s0, s3;
	s0 =	sld [smem:$0x3FA8]  }
0x30: {  	s3 =	sld [smem:$0x3FAB]  }
0x31: {  	[smem:$0x3FB4] =	sst s10  }
0x32: {  	s10 =	sld [smem:$0x3FB2];
	_ =	sdelay $0x3  }
0x33: {  	p0 =	seq.s32 s10, $0x1;
	s10 =	sld [smem:$0x3FB4];
	_ =	sdelay $0x3  }
0x34: {  	[smem:$0x3FB4] =	sst s10  }
0x35: {  	s10 =	sld [smem:$0x3FB3];
	_ =	sdelay $0x3  }
0x36: {  	p1 =	seq.s32 s10, $0x1;
	s10 =	sld [smem:$0x3FB4];
	_ =	sdelay $0x3  }
0x37: {  	[smem:$0x3FB4] =	sst s10  }
0x38: {  	s10 =	sld [smem:$0x3FB5]  }
0x39: {  	_ = 	snop;
	(pc) =	sbr.ind lr, $3  }
0x3a: {  	_ = 	snop  }
0x3b: {  	_ = 	snop  }
0x3c: {  	p2 =	seq.s32 s10, $0x1;
	s10 =	sld [smem:$0x3FB4]  }
0x3d: {  	_ =	shalt  }
0x3e: {  	_ =	shalt  }
0x3f: {  	_ =	shalt  }
0x40: {  	_ =	shalt  }
0x41: {  	_ =	shalt  }
0x42: {  	_ =	shalt  }
0x43: {  	_ =	shalt  }
0x44: {  	_ =	shalt  }
0x45: {  	_ =	shalt  }
0x46: {  	_ =	shalt  }
0x47: {  	_ =	shalt  }
0x48: {  	_ =	shalt  }
0x49: {  	_ =	shalt  }
0x4a: {  	_ =	shalt  }
0x4b: {  	_ =	shalt  }
0x4c: {  	_ =	shalt  }
0x4d: {  	_ =	shalt  }
0x4e: {  	_ =	shalt  }
0x4f: {  	_ =	shalt  }
0x50: {  	_ =	shalt  }
0x51: {  	_ =	shalt  }
0x52: {  	_ =	shalt  }
0x53: {  	_ =	shalt  }
0x54: {  	_ =	shalt  }
0x55: {  	_ =	shalt  }
0x56: {  	_ =	shalt  }
0x57: {  	_ =	shalt  }
0x58: {  	_ =	shalt  }
0x59: {  	_ =	shalt  }
0x5a: {  	_ =	shalt  }
0x5b: {  	_ =	shalt  }
0x5c: {  	_ =	shalt  }
0x5d: {  	_ =	shalt  }
0x5e: {  	_ =	shalt  }
0x5f: {  	_ =	shalt  }
0x60: {  	_ =	shalt  }
0x61: {  	_ =	shalt  }
0x62: {  	_ =	shalt  }
0x63: {  	_ =	shalt  }
0x64: {  	_ =	shalt  }
0x65: {  	_ =	shalt  }
0x66: {  	_ =	shalt  }
0x67: {  	_ =	shalt  }
0x68: {  	_ =	shalt  }
0x69: {  	_ =	shalt  }
0x6a: {  	_ =	shalt  }
0x6b: {  	_ =	shalt  }
0x6c: {  	_ =	shalt  }
0x6d: {  	_ =	shalt  }
0x6e: {  	_ =	shalt  }
0x6f: {  	_ =	shalt  }
0x70: {  	_ =	shalt  }
0x71: {  	_ =	shalt  }
0x72: {  	_ =	shalt  }
0x73: {  	_ =	shalt  }
0x74: {  	_ =	shalt  }
0x75: {  	_ =	shalt  }
0x76: {  	_ =	shalt  }
0x77: {  	_ =	shalt  }
0x78: {  	_ =	shalt  }
0x79: {  	_ =	shalt  }
0x7a: {  	_ =	shalt  }
0x7b: {  	_ =	shalt  }
0x7c: {  	_ =	shalt  }
0x7d: {  	_ =	shalt  }
0x7e: {  	_ =	shalt  }
0x7f: {  	_ =	shalt  }
0x80: {  	_ =	shalt  }
0x81: {  	_ =	shalt  }
0x82: {  	_ =	shalt  }
0x83: {  	_ =	shalt  }
0x84: {  	_ =	shalt  }
0x85: {  	_ =	shalt  }
0x86: {  	_ =	shalt  }
0x87: {  	_ =	shalt  }
.Lfunc_end0:
.L_simem_size_0:
called_computation.1_lowered:
.L_overlay_start_0:
0x88: {  	s2 =	sld [smem:$0x3FD9]  }
0x89: {  	s3 =	sld [smem:$0x3FFE];
	_ =	sdelay $0x1  }
0x8a: {  	s1 =	srdreg.scid  }
0x8b: {  	s0 =	sand.u32 $0x1, s1  }
0x8c: {  	s16 =	sshll.u32 s0, $0xA;
	s2 =	sadd.s32 s3, s2  }
0x8d: {  	s2 =	sadd.s32 s2, s16  }
0x8e: {  	[smem:$0x3FC0] =	sst s2  }
0x8f: {  	_ = 	snop  }
0x90: {  	(tm) =	ssettm $0x1  }
0x91: {  	s17 =	sld [smem:$0x3FFB];
	_ =	sdelay $0x3  }
0x92: {  	_ =	strace s17  }
0x93: {  	s2 =	sld [smem:$0x3FFC];
	_ =	sdelay $0x3  }
0x94: {  	_ =	strace s2  }
0x95: {  	s2 =	sld [smem:$0x3FFD];
	_ =	sdelay $0x3  }
0x96: {  	_ =	strace s2  }
0x97: {  	_ =	strace $0x8FFFFFFF  }
0x98: {  	s18 =	sld [smem:$0x3FDB];
	_ =	sdelay $0x1  }
0x99: {  	s19 =	simm.s32 $_scs_section_size  }
0x9a: {  	s4 =	simm.s32 $_size__tile_overlayer_lowered;
	s5 =	simm.s32 $_tile_overlayer_lowered  }
0x9b: {  	s22 =	simm.s32 $0x1BFF;
	s21 =	sshll.u32 s5, $0x1;
	s2 =	sadd.s32 s19, s18  }
0x9c: {  	s6 =	simm.s32 $0x0;
	s20 =	sshll.u32 s4, $0x1;
	s4 =	sadd.s32 s21, s2  }
0x9d: {  	[timem:s6], [sflag:s22] =	dma.local [hbm:s4], s20  }
0x9e: {  	_ =	swait.ge [sflag:s22], s20  }
0x9f: {  	s3 =	ssub.s32 $0x0, s20;
	[sflag:s22] =	ssyncset.done $0x0  }
0xa0: {  	[sflag:s22] =	ssyncadd.s32 s3;
	_ =	sdelay $0x1  }
0xa1: {  	s23 =	simm.s32 $0x1B8B  }
0xa2: {  	_ =	swait.ge [sflag:s23], $0x1  }
0xa3: {  	[sflag:s23] =	ssyncset.done $0x0  }
0xa4: {  	s25 =	simm.s32 $0x1B8E;
	s24 =	sld [smem:$0x3FFE];
	[sflag:s23] =	ssyncadd.s32 $0xFFFFFFFF  }
0xa5: {  	s26 =	simm.s32 $execute0_lowered;
	[smem:$0x3FD2] =	sst s25  }
0xa6: {  	s4 =	sshll.u32 s26, $0x1;
	_ =	strace $0x80000049;
	[dreg:$0x1] =	wrdreg $0xFFFFFFFF  }
0xa7: {  	s28 =	simm.s32 $_size_execute0_lowered;
	s2 =	sadd.s32 s2, s4;
	[dreg:$0x0] =	wrdreg $0x0  }
0xa8: {  	s4 =	sshll.u32 s28, $0x1;
	[dreg:$0x2] =	wrdreg s2  }
0xa9: {  	[dreg:$0x3] =	wrdreg s4  }
0xaa: {  	[dreg:$0x4] =	wrdreg $0xC0  }
0xab: {  	_ =	task [dreg:s6], $0x5FFFF  }
0xac: {  	[dreg:$0x1] =	wrdreg $0xFFFFFFFF  }
0xad: {  	[dreg:$0x0] =	wrdreg $0x60  }
0xae: {  	[dreg:$0x2] =	wrdreg s24  }
0xaf: {  	[dreg:$0x3] =	wrdreg $0x108000  }
0xb0: {  	[dreg:$0x4] =	wrdreg $0x9  }
0xb1: {  	_ =	task.clear_ibuf [dreg:s6], $0x5FFFF;
	_ =	strace $0x90000049  }
0xb2: {  	s29 =	simm.s32 $0x9;
	_ =	strace $0x8000004B  }
0xb3: {  	_ =	swait.ge [sflag:s29], $0x1  }
0xb4: {  	[sflag:s29] =	ssyncadd.s32 $0xFFFFFFFF  }
0xb5: {  	_ =	strace $0x9000004B  }
0xb6: {  	_ =	sfence  }
0xb7: {  	s30 =	sld [smem:$0x0];
	_ =	sdelay $0x2  }
0xb8: {  	s31 =	sshll.u32 s1, $0xD;
	s1 =	sshrl.u32 s1, $0x2  }
0xb9: {  	s3 =	sand.u32 $0x4000, s31;
	s1 =	sadd.s32 s1, s30  }
0xba: {  	s0 =	sor.u32 s3, s0;
	s1 =	sshll.u32 s1, $0x11  }
0xbb: {  	s0 =	sor.u32 s1, s0  }
0xbc: {  	s0 =	sadd.s32 $0x8F2B, s0  }
0xbd: {  	[sflag:s0] =	ssyncadd.remote.s32 $0x1  }
0xbe: {  	_ =	sfence.sel $0xFFFF  }
0xbf: {  	[dreg:$0x0] =	wrdreg $0xFFFFFFFF;
	(pc) =	sbr.abs _section_cstart, $3  }
0xc0: {  	[dreg:$0x1] =	wrdreg $0xFFFFFFFF  }
0xc1: {  	_ =	task.clear_ibuf [dreg:s6], $0x2FFFF;
	_ =	strace $0x9FFFFFFF  }
0xc2: {  	(tm) =	ssettm $0x7FFFFFFF  }
0xc3: {  	_ =	shalt  }
tec
execute0_lowered:
.L_overlay_start_1:
0x0: {  	(tag) =	ssettag $0x1  }
0x1: {  	s0 =	rddreg [dreg:$0x0]  }
0x2: {  	s2 =	rddreg [dreg:$0x1]  }
0x3: {  	s3 =	simm.s32 $0x0;
	s12 =	stileid.u32;
	s1 =	srdreg.scid  }
0x4: {  	s28 =	simm.s32 $0x800;
	s29 =	simm.s32 $0xA;
	s30 =	simm.s32 $0x4800  }
0x5: {  	s31 =	simm.s32 $0x1;
	[smem:$0x7FF] =	sst s3;
	s5 =	smul.u32 $0xA000, s12  }
0x6: {  	s1 =	sand.u32 $0x1, s1;
	s7 =	sadd.s32 $0xC400, s0;
	s8 =	sadd.s32 $0x2400, s0  }
0x7: {  	s4 =	sadd.s32 $0x8E400, s0;
	s11 =	sshll.u32 s12, $0x1;
	s18 =	smul.u32 $0x5000, s12  }
0x8: {  	s17 =	sshll.u32 s12, $0x6;
	_ =	strace $0x8000004A;
	s6 =	smul.u32 $0xA0000, s1  }
0x9: {  	s10 =	ssub.s32 $0x2, s1;
	s11 =	sor.u32 s1, s11;
	s1 =	smul.u32 $0x2800, s1  }
0xa: {  	s9 =	sshrl.u32 s5, $0x3;
	s14 =	sshrl.u32 s10, $0x1;
	s15 =	smul.u32 $0x2800, s11  }
0xb: {  	s11 =	simm.s32 $0x4;
	s9 =	sadd.s32 s9, s0;
	s6 =	sadd.s32 s5, s6  }
0xc: {  	s5 =	sadd.s32 s5, s2;
	s1 =	sadd.s32 s1, s18;
	s6 =	sshrl.u32 s6, $0x3  }
0xd: {  	[dreg:$0xb] =	wrdreg s5;
	s16 =	sadd.s32 $0xA2400, s9;
	s19 =	sshrl.u32 s15, $0x3  }
0xe: {  	s26 =	sor.u32 $0x700, s1;
	s15 =	sor.u32 $0x600, s1;
	s0 =	sadd.s32 s6, s0  }
0xf: {  	s6 =	ssub.s32 s10, s14;
	[dreg:$0xc] =	wrdreg s16;
	s16 =	sor.u32 $0x1C0D, s17  }
0x10: {  	s10 =	sadd.s32 s7, s19;
	s20 =	sadd.s32 s8, s19;
	s21 =	sor.u32 $0x20, s19  }
0x11: {  	s23 =	sor.u32 $0x40, s19;
	s5 =	sor.u32 $0x60, s19;
	[dreg:$0xe] =	wrdreg s10  }
0x12: {  	s9 =	sshrl.u32 s26, $0x3;
	s17 =	sshrl.u32 s15, $0x3;
	[dreg:$0xf] =	wrdreg s20  }
0x13: {  	s19 =	sor.u32 $0x500, s1;
	s22 =	sadd.s32 s7, s21;
	[dreg:$0xd] =	wrdreg s16  }
0x14: {  	s1 =	sor.u32 $0x400, s1;
	s24 =	sadd.s32 s8, s21;
	[dreg:$0x10] =	wrdreg s22  }
0x15: {  	s15 =	simm.s32 $0x0;
	s25 =	sadd.s32 s7, s23;
	[dreg:$0x11] =	wrdreg s24  }
0x16: {  	s12 =	sadd.s32 s8, s23;
	s13 =	sadd.s32 s7, s5;
	[dreg:$0x12] =	wrdreg s25  }
0x17: {  	s14 =	sadd.s32 s9, s8;
	s9 =	sadd.s32 s9, s7;
	[dreg:$0x13] =	wrdreg s12  }
0x18: {  	s18 =	sadd.s32 s17, s8;
	s20 =	sadd.s32 s17, s7;
	[dreg:$0x14] =	wrdreg s13  }
0x19: {  	s21 =	sshrl.u32 s19, $0x3;
	s1 =	sshrl.u32 s1, $0x3;
	[dreg:$0x3] =	wrdreg s14  }
0x1a: {  	s5 =	sadd.s32 s8, s5;
	s0 =	sadd.s32 $0xB6400, s0;
	[dreg:$0x4] =	wrdreg s9  }
0x1b: {  	s26 =	smax.u32 s6, $0x1;
	s17 =	simm.s32 $0xD;
	[dreg:$0x5] =	wrdreg s18  }
0x1c: {  	s19 =	simm.s32 $0x400;
	s6 =	simm.s32 $0xC;
	[dreg:$0x6] =	wrdreg s20  }
0x1d: {  	s10 =	simm.s32 $0x5;
	s22 =	sadd.s32 s21, s8;
	[dreg:$0x15] =	wrdreg s5  }
0x1e: {  	s23 =	sadd.s32 s21, s7;
	s24 =	sadd.s32 s1, s8;
	[dreg:$0x16] =	wrdreg s0  }
0x1f: {  	s25 =	sadd.s32 s1, s7;
	[dreg:$0x17] =	wrdreg s26;
	s20 =	simm.s32 $0x100  }
0x20: {  	s21 =	simm.s32 $0x500;
	s26 =	simm.s32 $0x9;
	s0 =	simm.s32 $0xB  }
0x21: {  	s1 =	simm.s32 $0x8800;
	s5 =	simm.s32 $0x2;
	[dreg:$0x7] =	wrdreg s22  }
0x22: {  	s8 =	simm.s32 $0xC800;
	s9 =	simm.s32 $0x3;
	[dreg:$0x8] =	wrdreg s23  }
0x23: {  	s12 =	simm.s32 $0x6;
	s13 =	simm.s32 $0x7;
	[dreg:$0x9] =	wrdreg s24  }
0x24: {  	s14 =	simm.s32 $0x8;
	[dreg:$0xa] =	wrdreg s25;
	s22 =	simm.s32 $0x200  }
0x25: {  	s23 =	simm.s32 $0x600;
	s24 =	simm.s32 $0x300;
	s25 =	simm.s32 $0x700  }
.LBB2_1:
0x26: {  	s7 =	rddreg [dreg:$0xb]  }
0x27: {  	s18 =	sshrl.u32 s7, $0x3;
	s7 =	rddreg [dreg:$0xc]  }
0x28: {  	[dreg:$0x18] =	wrdreg s18  }
0x29: {  	[spmem:s18], [sflag:s16] =	dma.local [hbm:s7], $0x1400  }
0x2a: {  	_ =	swait.ge [sflag:s17], $0x1400  }
0x2b: {  	[sflag:s17] =	ssyncset.done $0x0  }
0x2c: {  	[sflag:s17] =	ssyncadd.s32 $0xFFFFEC00  }
0x2d: {  	[bflag:$0x0] =	sbarrier.arrive $0xFFFF  }
0x2e: {  	s16 =	rddreg [dreg:$0xe]  }
0x2f: {  	[tilespmem:s3], [sflag:$0x9] =	stream.linear.gather [hbm4b:s16+s3], $0x100, $0x38;
	[tilespmem:$0x1A800] =	vst v63  }
0x30: {  	s17 =	rddreg [dreg:$0xf]  }
0x31: {  	[tilespmem:s19], [sflag:$0x9] =	stream.linear.gather [hbm4b:s17+s3], $0x100, $0x38;
	[tilespmem:$0x1A800] =	vst v63  }
0x32: {  	s18 =	rddreg [dreg:$0x10]  }
0x33: {  	[tilespmem:s20], [sflag:$0xA] =	stream.linear.gather [hbm4b:s18+s3], $0x100, $0x38;
	[tilespmem:$0x1A800] =	vst v63  }
0x34: {  	s16 =	rddreg [dreg:$0x11]  }
0x35: {  	[tilespmem:s21], [sflag:$0xA] =	stream.linear.gather [hbm4b:s16+s3], $0x100, $0x38;
	[tilespmem:$0x1A800] =	vst v63  }
0x36: {  	s17 =	rddreg [dreg:$0x12]  }
0x37: {  	[tilespmem:s22], [sflag:$0xB] =	stream.linear.gather [hbm4b:s17+s3], $0x100, $0x38;
	[tilespmem:$0x1A800] =	vst v63  }
0x38: {  	s18 =	rddreg [dreg:$0x13]  }
0x39: {  	[tilespmem:s23], [sflag:$0xB] =	stream.linear.gather [hbm4b:s18+s3], $0x100, $0x38;
	[tilespmem:$0x1A800] =	vst v63  }
0x3a: {  	s16 =	rddreg [dreg:$0x14]  }
0x3b: {  	[tilespmem:s24], [sflag:$0xC] =	stream.linear.gather [hbm4b:s16+s3], $0x100, $0x38;
	[tilespmem:$0x1A800] =	vst v63  }
0x3c: {  	s17 =	rddreg [dreg:$0x15]  }
0x3d: {  	[tilespmem:s25], [sflag:$0xC] =	stream.linear.gather [hbm4b:s17+s3], $0x100, $0x38;
	[tilespmem:$0x1A800] =	vst v63  }
0x3e: {  	_ =	swait.ge [sflag:s26], $0x100  }
0x3f: {  	[sflag:s26] =	ssyncset.done $0x0  }
0x40: {  	[sflag:s26] =	ssyncadd.s32 $0xFFFFFF00  }
0x41: {  	_ =	swait.ge [sflag:s26], $0x100  }
0x42: {  	[sflag:s26] =	ssyncset.done $0x0  }
0x43: {  	[sflag:s26] =	ssyncadd.s32 $0xFFFFFF00  }
0x44: {  	[tilespmem:s28], [sflag:$0x1] =	stream.indirect.gather [hbm4b:s4+s20], $0x40, s3, s20, $0xb8;
	[tilespmem:$0x1A800] =	vst v63  }
0x45: {  	_ =	swait.ge [sflag:s29], $0x100  }
0x46: {  	[sflag:s29] =	ssyncset.done $0x0  }
0x47: {  	[sflag:s29] =	ssyncadd.s32 $0xFFFFFF00  }
0x48: {  	_ =	swait.ge [sflag:s29], $0x100  }
0x49: {  	[sflag:s29] =	ssyncset.done $0x0  }
0x4a: {  	[sflag:s29] =	ssyncadd.s32 $0xFFFFFF00  }
0x4b: {  	[tilespmem:s30], [sflag:$0x2] =	stream.indirect.gather [hbm4b:s4+s20], $0x40, s20, s20, $0xb8;
	[tilespmem:$0x1A800] =	vst v63  }
0x4c: {  	_ =	swait.ge [sflag:s31], $0x4000  }
0x4d: {  	[sflag:s31] =	ssyncset.done $0x0  }
0x4e: {  	[sflag:s31] =	ssyncadd.s32 $0xFFFFC000  }
0x4f: {  	[spmem:s2] =	stream.indirect.scatter.add.f32 [tilespmem:s28], [sflag:$0x5], $0x40, s19, s20, $0xb8;
	[tilespmem:$0x1A800] =	vst v63  }
0x50: {  	_ =	swait.ge [sflag:s0], $0x100  }
0x51: {  	[sflag:s0] =	ssyncset.done $0x0  }
0x52: {  	[sflag:s0] =	ssyncadd.s32 $0xFFFFFF00  }
0x53: {  	_ =	swait.ge [sflag:s0], $0x100  }
0x54: {  	[sflag:s0] =	ssyncset.done $0x0  }
0x55: {  	[sflag:s0] =	ssyncadd.s32 $0xFFFFFF00  }
0x56: {  	[tilespmem:s1], [sflag:$0x3] =	stream.indirect.gather [hbm4b:s4+s20], $0x40, s22, s20, $0xb8;
	[tilespmem:$0x1A800] =	vst v63  }
0x57: {  	_ =	swait.ge [sflag:s5], $0x4000  }
0x58: {  	[sflag:s5] =	ssyncset.done $0x0  }
0x59: {  	[sflag:s5] =	ssyncadd.s32 $0xFFFFC000  }
0x5a: {  	[spmem:s2] =	stream.indirect.scatter.add.f32 [tilespmem:s30], [sflag:$0x6], $0x40, s21, s20, $0xb8;
	[tilespmem:$0x1A800] =	vst v63  }
0x5b: {  	_ =	swait.ge [sflag:s6], $0x100  }
0x5c: {  	[sflag:s6] =	ssyncset.done $0x0  }
0x5d: {  	[sflag:s6] =	ssyncadd.s32 $0xFFFFFF00  }
0x5e: {  	_ =	swait.ge [sflag:s6], $0x100  }
0x5f: {  	[sflag:s6] =	ssyncset.done $0x0  }
0x60: {  	[sflag:s6] =	ssyncadd.s32 $0xFFFFFF00  }
0x61: {  	[tilespmem:s8], [sflag:$0x4] =	stream.indirect.gather [hbm4b:s4+s20], $0x40, s24, s20, $0xb8;
	[tilespmem:$0x1A800] =	vst v63  }
0x62: {  	_ =	swait.ge [sflag:s9], $0x4000  }
0x63: {  	[sflag:s9] =	ssyncset.done $0x0  }
0x64: {  	[sflag:s9] =	ssyncadd.s32 $0xFFFFC000  }
0x65: {  	[spmem:s2] =	stream.indirect.scatter.add.f32 [tilespmem:s1], [sflag:$0x7], $0x40, s23, s20, $0xb8;
	[tilespmem:$0x1A800] =	vst v63  }
0x66: {  	_ =	swait.ge [sflag:s10], $0x4000  }
0x67: {  	s18 =	rddreg [dreg:$0xa];
	[sflag:s10] =	ssyncset.done $0x0  }
0x68: {  	s16 =	rddreg [dreg:$0x9];
	[sflag:s10] =	ssyncadd.s32 $0xFFFFC000;
	s7 =	sadd.s32 $0x0, s18  }
0x69: {  	[tilespmem:s3], [sflag:$0x9] =	stream.linear.gather [hbm4b:s7+s3], $0x100, $0x38;
	[tilespmem:$0x1A800] =	vst v63  }
0x6a: {  	s17 =	sadd.s32 $0x0, s16  }
0x6b: {  	[tilespmem:s19], [sflag:$0x9] =	stream.linear.gather [hbm4b:s17+s3], $0x100, $0x38;
	[tilespmem:$0x1A800] =	vst v63  }
0x6c: {  	_ =	swait.ge [sflag:s26], $0x100  }
0x6d: {  	[sflag:s26] =	ssyncset.done $0x0  }
0x6e: {  	[sflag:s26] =	ssyncadd.s32 $0xFFFFFF00  }
0x6f: {  	_ =	swait.ge [sflag:s26], $0x100  }
0x70: {  	[sflag:s26] =	ssyncset.done $0x0  }
0x71: {  	[sflag:s26] =	ssyncadd.s32 $0xFFFFFF00  }
0x72: {  	[tilespmem:s28], [sflag:$0x1] =	stream.indirect.gather [hbm4b:s4+s20], $0x40, s3, s20, $0xb8;
	[tilespmem:$0x1A800] =	vst v63  }
0x73: {  	_ =	swait.ge [sflag:s11], $0x4000  }
0x74: {  	[sflag:s11] =	ssyncset.done $0x0  }
0x75: {  	[sflag:s11] =	ssyncadd.s32 $0xFFFFC000  }
0x76: {  	[spmem:s2] =	stream.indirect.scatter.add.f32 [tilespmem:s8], [sflag:$0x8], $0x40, s25, s20, $0xb8;
	[tilespmem:$0x1A800] =	vst v63  }
0x77: {  	_ =	swait.ge [sflag:s12], $0x4000  }
0x78: {  	s18 =	rddreg [dreg:$0x8];
	[sflag:s12] =	ssyncset.done $0x0  }
0x79: {  	s16 =	rddreg [dreg:$0x7];
	[sflag:s12] =	ssyncadd.s32 $0xFFFFC000;
	s7 =	sadd.s32 $0x0, s18  }
0x7a: {  	[tilespmem:s20], [sflag:$0xA] =	stream.linear.gather [hbm4b:s7+s3], $0x100, $0x38;
	[tilespmem:$0x1A800] =	vst v63  }
0x7b: {  	s17 =	sadd.s32 $0x0, s16  }
0x7c: {  	[tilespmem:s21], [sflag:$0xA] =	stream.linear.gather [hbm4b:s17+s3], $0x100, $0x38;
	[tilespmem:$0x1A800] =	vst v63  }
0x7d: {  	_ =	swait.ge [sflag:s29], $0x100  }
0x7e: {  	[sflag:s29] =	ssyncset.done $0x0  }
0x7f: {  	[sflag:s29] =	ssyncadd.s32 $0xFFFFFF00  }
0x80: {  	_ =	swait.ge [sflag:s29], $0x100  }
0x81: {  	[sflag:s29] =	ssyncset.done $0x0  }
0x82: {  	[sflag:s29] =	ssyncadd.s32 $0xFFFFFF00  }
0x83: {  	[tilespmem:s30], [sflag:$0x2] =	stream.indirect.gather [hbm4b:s4+s20], $0x40, s20, s20, $0xb8;
	[tilespmem:$0x1A800] =	vst v63  }
0x84: {  	_ =	swait.ge [sflag:s31], $0x4000  }
0x85: {  	[sflag:s31] =	ssyncset.done $0x0  }
0x86: {  	[sflag:s31] =	ssyncadd.s32 $0xFFFFC000  }
0x87: {  	[spmem:s2] =	stream.indirect.scatter.add.f32 [tilespmem:s28], [sflag:$0x5], $0x40, s19, s20, $0xb8;
	[tilespmem:$0x1A800] =	vst v63  }
0x88: {  	_ =	swait.ge [sflag:s13], $0x4000  }
0x89: {  	s18 =	rddreg [dreg:$0x6];
	[sflag:s13] =	ssyncset.done $0x0  }
0x8a: {  	s16 =	rddreg [dreg:$0x5];
	[sflag:s13] =	ssyncadd.s32 $0xFFFFC000;
	s7 =	sadd.s32 $0x0, s18  }
0x8b: {  	[tilespmem:s22], [sflag:$0xB] =	stream.linear.gather [hbm4b:s7+s3], $0x100, $0x38;
	[tilespmem:$0x1A800] =	vst v63  }
0x8c: {  	s17 =	sadd.s32 $0x0, s16  }
0x8d: {  	[tilespmem:s23], [sflag:$0xB] =	stream.linear.gather [hbm4b:s17+s3], $0x100, $0x38;
	[tilespmem:$0x1A800] =	vst v63  }
0x8e: {  	_ =	swait.ge [sflag:s0], $0x100  }
0x8f: {  	[sflag:s0] =	ssyncset.done $0x0  }
0x90: {  	[sflag:s0] =	ssyncadd.s32 $0xFFFFFF00  }
0x91: {  	_ =	swait.ge [sflag:s0], $0x100  }
0x92: {  	[sflag:s0] =	ssyncset.done $0x0  }
0x93: {  	[sflag:s0] =	ssyncadd.s32 $0xFFFFFF00  }
0x94: {  	[tilespmem:s1], [sflag:$0x3] =	stream.indirect.gather [hbm4b:s4+s20], $0x40, s22, s20, $0xb8;
	[tilespmem:$0x1A800] =	vst v63  }
0x95: {  	_ =	swait.ge [sflag:s5], $0x4000  }
0x96: {  	[sflag:s5] =	ssyncset.done $0x0  }
0x97: {  	[sflag:s5] =	ssyncadd.s32 $0xFFFFC000  }
0x98: {  	[spmem:s2] =	stream.indirect.scatter.add.f32 [tilespmem:s30], [sflag:$0x6], $0x40, s21, s20, $0xb8;
	[tilespmem:$0x1A800] =	vst v63  }
0x99: {  	_ =	swait.ge [sflag:s14], $0x4000  }
0x9a: {  	s18 =	rddreg [dreg:$0x4];
	[sflag:s14] =	ssyncset.done $0x0  }
0x9b: {  	s16 =	rddreg [dreg:$0x3];
	[sflag:s14] =	ssyncadd.s32 $0xFFFFC000;
	s7 =	sadd.s32 $0x0, s18  }
0x9c: {  	[tilespmem:s24], [sflag:$0xC] =	stream.linear.gather [hbm4b:s7+s3], $0x100, $0x38;
	[tilespmem:$0x1A800] =	vst v63  }
0x9d: {  	s18 =	sadd.s32 $0x0, s16  }
0x9e: {  	[tilespmem:s25], [sflag:$0xC] =	stream.linear.gather [hbm4b:s18+s3], $0x100, $0x38;
	[tilespmem:$0x1A800] =	vst v63  }
0x9f: {  	_ =	swait.ge [sflag:s6], $0x100  }
0xa0: {  	[sflag:s6] =	ssyncset.done $0x0  }
0xa1: {  	[sflag:s6] =	ssyncadd.s32 $0xFFFFFF00  }
0xa2: {  	_ =	swait.ge [sflag:s6], $0x100  }
0xa3: {  	[sflag:s6] =	ssyncset.done $0x0  }
0xa4: {  	s17 =	simm.s32 $0x80;
	[sflag:s6] =	ssyncadd.s32 $0xFFFFFF00  }
.LBB2_2:
0xa5: {  	[tilespmem:s8], [sflag:$0x4] =	stream.indirect.gather [hbm4b:s4+s20], $0x40, s24, s20, $0xb8;
	[tilespmem:$0x1A800] =	vst v63  }
0xa6: {  	_ =	swait.ge [sflag:s9], $0x4000  }
0xa7: {  	[sflag:s9] =	ssyncset.done $0x0  }
0xa8: {  	[sflag:s9] =	ssyncadd.s32 $0xFFFFC000  }
0xa9: {  	[spmem:s2] =	stream.indirect.scatter.add.f32 [tilespmem:s1], [sflag:$0x7], $0x40, s23, s20, $0xb8;
	[tilespmem:$0x1A800] =	vst v63  }
0xaa: {  	_ =	swait.ge [sflag:s10], $0x4000  }
0xab: {  	s7 =	smov.u32 s17;
	s18 =	rddreg [dreg:$0xa];
	[sflag:s10] =	ssyncset.done $0x0  }
0xac: {  	s16 =	rddreg [dreg:$0x9];
	[sflag:s10] =	ssyncadd.s32 $0xFFFFC000;
	s18 =	sadd.s32 s7, s18  }
0xad: {  	[tilespmem:s3], [sflag:$0x9] =	stream.linear.gather [hbm4b:s18+s3], $0x100, $0x38;
	[tilespmem:$0x1A800] =	vst v63  }
0xae: {  	s16 =	sadd.s32 s7, s16  }
0xaf: {  	[tilespmem:s19], [sflag:$0x9] =	stream.linear.gather [hbm4b:s16+s3], $0x100, $0x38;
	[tilespmem:$0x1A800] =	vst v63  }
0xb0: {  	_ =	swait.ge [sflag:s26], $0x100  }
0xb1: {  	[sflag:s26] =	ssyncset.done $0x0  }
0xb2: {  	[sflag:s26] =	ssyncadd.s32 $0xFFFFFF00  }
0xb3: {  	_ =	swait.ge [sflag:s26], $0x100  }
0xb4: {  	[sflag:s26] =	ssyncset.done $0x0  }
0xb5: {  	[sflag:s26] =	ssyncadd.s32 $0xFFFFFF00  }
0xb6: {  	[tilespmem:s28], [sflag:$0x1] =	stream.indirect.gather [hbm4b:s4+s20], $0x40, s3, s20, $0xb8;
	[tilespmem:$0x1A800] =	vst v63  }
0xb7: {  	_ =	swait.ge [sflag:s11], $0x4000  }
0xb8: {  	[sflag:s11] =	ssyncset.done $0x0  }
0xb9: {  	[sflag:s11] =	ssyncadd.s32 $0xFFFFC000  }
0xba: {  	[spmem:s2] =	stream.indirect.scatter.add.f32 [tilespmem:s8], [sflag:$0x8], $0x40, s25, s20, $0xb8;
	[tilespmem:$0x1A800] =	vst v63  }
0xbb: {  	_ =	swait.ge [sflag:s12], $0x4000  }
0xbc: {  	s16 =	rddreg [dreg:$0x8];
	[sflag:s12] =	ssyncset.done $0x0  }
0xbd: {  	s18 =	rddreg [dreg:$0x7];
	[sflag:s12] =	ssyncadd.s32 $0xFFFFC000;
	s16 =	sadd.s32 s7, s16  }
0xbe: {  	[tilespmem:s20], [sflag:$0xA] =	stream.linear.gather [hbm4b:s16+s3], $0x100, $0x38;
	[tilespmem:$0x1A800] =	vst v63  }
0xbf: {  	s18 =	sadd.s32 s7, s18  }
0xc0: {  	[tilespmem:s21], [sflag:$0xA] =	stream.linear.gather [hbm4b:s18+s3], $0x100, $0x38;
	[tilespmem:$0x1A800] =	vst v63  }
0xc1: {  	_ =	swait.ge [sflag:s29], $0x100  }
0xc2: {  	[sflag:s29] =	ssyncset.done $0x0  }
0xc3: {  	[sflag:s29] =	ssyncadd.s32 $0xFFFFFF00  }
0xc4: {  	_ =	swait.ge [sflag:s29], $0x100  }
0xc5: {  	[sflag:s29] =	ssyncset.done $0x0  }
0xc6: {  	[sflag:s29] =	ssyncadd.s32 $0xFFFFFF00  }
0xc7: {  	[tilespmem:s30], [sflag:$0x2] =	stream.indirect.gather [hbm4b:s4+s20], $0x40, s20, s20, $0xb8;
	[tilespmem:$0x1A800] =	vst v63  }
0xc8: {  	_ =	swait.ge [sflag:s31], $0x4000  }
0xc9: {  	[sflag:s31] =	ssyncset.done $0x0  }
0xca: {  	[sflag:s31] =	ssyncadd.s32 $0xFFFFC000  }
0xcb: {  	[spmem:s2] =	stream.indirect.scatter.add.f32 [tilespmem:s28], [sflag:$0x5], $0x40, s19, s20, $0xb8;
	[tilespmem:$0x1A800] =	vst v63  }
0xcc: {  	_ =	swait.ge [sflag:s13], $0x4000  }
0xcd: {  	s16 =	rddreg [dreg:$0x6];
	[sflag:s13] =	ssyncset.done $0x0  }
0xce: {  	s18 =	rddreg [dreg:$0x5];
	[sflag:s13] =	ssyncadd.s32 $0xFFFFC000;
	s16 =	sadd.s32 s7, s16  }
0xcf: {  	[tilespmem:s22], [sflag:$0xB] =	stream.linear.gather [hbm4b:s16+s3], $0x100, $0x38;
	[tilespmem:$0x1A800] =	vst v63  }
0xd0: {  	s18 =	sadd.s32 s7, s18  }
0xd1: {  	[tilespmem:s23], [sflag:$0xB] =	stream.linear.gather [hbm4b:s18+s3], $0x100, $0x38;
	[tilespmem:$0x1A800] =	vst v63  }
0xd2: {  	_ =	swait.ge [sflag:s0], $0x100  }
0xd3: {  	[sflag:s0] =	ssyncset.done $0x0  }
0xd4: {  	[sflag:s0] =	ssyncadd.s32 $0xFFFFFF00  }
0xd5: {  	_ =	swait.ge [sflag:s0], $0x100  }
0xd6: {  	[sflag:s0] =	ssyncset.done $0x0  }
0xd7: {  	[sflag:s0] =	ssyncadd.s32 $0xFFFFFF00  }
0xd8: {  	[tilespmem:s1], [sflag:$0x3] =	stream.indirect.gather [hbm4b:s4+s20], $0x40, s22, s20, $0xb8;
	[tilespmem:$0x1A800] =	vst v63  }
0xd9: {  	_ =	swait.ge [sflag:s5], $0x4000  }
0xda: {  	[sflag:s5] =	ssyncset.done $0x0  }
0xdb: {  	[sflag:s5] =	ssyncadd.s32 $0xFFFFC000  }
0xdc: {  	[spmem:s2] =	stream.indirect.scatter.add.f32 [tilespmem:s30], [sflag:$0x6], $0x40, s21, s20, $0xb8;
	[tilespmem:$0x1A800] =	vst v63  }
0xdd: {  	_ =	swait.ge [sflag:s14], $0x4000  }
0xde: {  	s16 =	rddreg [dreg:$0x4];
	[sflag:s14] =	ssyncset.done $0x0  }
0xdf: {  	s18 =	rddreg [dreg:$0x3];
	[sflag:s14] =	ssyncadd.s32 $0xFFFFC000;
	s16 =	sadd.s32 s7, s16  }
0xe0: {  	[tilespmem:s24], [sflag:$0xC] =	stream.linear.gather [hbm4b:s16+s3], $0x100, $0x38;
	[tilespmem:$0x1A800] =	vst v63  }
0xe1: {  	s7 =	sadd.s32 s7, s18  }
0xe2: {  	[tilespmem:s25], [sflag:$0xC] =	stream.linear.gather [hbm4b:s7+s3], $0x100, $0x38;
	[tilespmem:$0x1A800] =	vst v63  }
0xe3: {  	p0 =	sne.s32 s17, $0x400;
	_ =	swait.ge [sflag:s6], $0x100  }
.Ltmp0:
0xe4: {  	[sflag:s6] =	ssyncset.done $0x0;
	(pc) =	sbr.rel @p0 .LBB2_2-.Ltmp0, $4  }
0xe5: {  	[sflag:s6] =	ssyncadd.s32 $0xFFFFFF00  }
0xe6: {  	_ =	swait.ge [sflag:s6], $0x100  }
0xe7: {  	[sflag:s6] =	ssyncset.done $0x0  }
0xe8: {  	s17 =	sadd.s32 $0x80, s17;
	[sflag:s6] =	ssyncadd.s32 $0xFFFFFF00  }
0xe9: {  	[tilespmem:s8], [sflag:$0x4] =	stream.indirect.gather [hbm4b:s4+s20], $0x40, s24, s20, $0xb8;
	[tilespmem:$0x1A800] =	vst v63  }
0xea: {  	_ =	swait.ge [sflag:s9], $0x4000  }
0xeb: {  	[sflag:s9] =	ssyncset.done $0x0  }
0xec: {  	[sflag:s9] =	ssyncadd.s32 $0xFFFFC000  }
0xed: {  	[spmem:s2] =	stream.indirect.scatter.add.f32 [tilespmem:s1], [sflag:$0x7], $0x40, s23, s20, $0xb8;
	[tilespmem:$0x1A800] =	vst v63  }
0xee: {  	_ =	swait.ge [sflag:s11], $0x4000  }
0xef: {  	[sflag:s11] =	ssyncset.done $0x0  }
0xf0: {  	[sflag:s11] =	ssyncadd.s32 $0xFFFFC000  }
0xf1: {  	[spmem:s2] =	stream.indirect.scatter.add.f32 [tilespmem:s8], [sflag:$0x8], $0x40, s25, s20, $0xb8;
	[tilespmem:$0x1A800] =	vst v63  }
0xf2: {  	_ =	swait.ge [sflag:s10], $0x4000  }
0xf3: {  	[sflag:s10] =	ssyncset.done $0x0  }
0xf4: {  	[sflag:s10] =	ssyncadd.s32 $0xFFFFC000  }
0xf5: {  	_ =	swait.ge [sflag:s12], $0x4000  }
0xf6: {  	[sflag:s12] =	ssyncset.done $0x0  }
0xf7: {  	[sflag:s12] =	ssyncadd.s32 $0xFFFFC000  }
0xf8: {  	_ =	swait.ge [sflag:s13], $0x4000  }
0xf9: {  	[sflag:s13] =	ssyncset.done $0x0  }
0xfa: {  	[sflag:s13] =	ssyncadd.s32 $0xFFFFC000  }
0xfb: {  	_ =	swait.ge [sflag:s14], $0x4000  }
0xfc: {  	[sflag:s14] =	ssyncset.done $0x0  }
0xfd: {  	[sflag:s14] =	ssyncadd.s32 $0xFFFFC000  }
0xfe: {  	[bflag:$0x0] =	sbarrier.arrive $0xFFFF  }
0xff: {  	s16 =	rddreg [dreg:$0xd]  }
0x100: {  	s7 =	rddreg [dreg:$0x16]  }
0x101: {  	s17 =	rddreg [dreg:$0x18]  }
0x102: {  	[hbm:s7], [sflag:s16] =	dma.local [spmem:s17], $0x1400  }
0x103: {  	s17 =	simm.s32 $0xD  }
0x104: {  	_ =	swait.ge [sflag:s17], $0x1400  }
0x105: {  	s15 =	sadd.s32 $0x1, s15;
	s18 =	rddreg [dreg:$0x17]  }
0x106: {  	p0 =	sne.s32 s15, s18  }
.Ltmp1:
0x107: {  	_ = 	snop;
	(pc) =	sbr.rel @p0 .LBB2_1-.Ltmp1, $3  }
0x108: {  	_ =	sdelay $0x1  }
0x109: {  	[sflag:s17] =	ssyncset.done $0x0  }
0x10a: {  	[sflag:s17] =	ssyncadd.s32 $0xFFFFEC00  }
0x10b: {  	_ =	sfence.sel $0x180000  }
0x10c: {  	[bflag:$0x0] =	sbarrier.arrive $0xFFFF  }
0x10d: {  	_ =	strace $0x9000004A  }
0x10e: {  	s0 =	stileid.u32;
	[bflag:$0x2] =	sbarrier.arrive $0xFFFF  }
0x10f: {  	p0 =	sne.s32 s0, $0x0;
	s0 =	rddreg [dreg:$0x2]  }
0x110: {  	s0 =	sadd.s32 @!p0 $0x100000, s0  }
0x111: {  	[sflag:s0] =	ssyncadd.tile.s32 @!p0 $0x1;
	_ =	shalt  }
.Lfunc_end2:
_tile_overlayer_lowered:
.L_overlay_start_2:
0x112: {  	(tag) =	ssettag $0x2  }
0x113: {  	s0 =	rddreg [dreg:$0x0];
	s2 =	stileid.u32  }
0x114: {  	s1 =	rddreg [dreg:$0x1];
	p0 =	sne.s32 s2, $0x0  }
0x115: {  	s3 =	rddreg [dreg:$0x2];
	[bflag:$0x3] =	sbarrier.arrive $0xFFFF;
	s2 =	simm.s32 @!p0 $0x1C0D  }
0x116: {  	[timem:s3], [sflag:s2] =	dma.local @!p0 [hbm:s0], s1  }
0x117: {  	s0 =	simm.s32 @!p0 $0xD  }
0x118: {  	_ =	swait.ge @!p0 [sflag:s0], s1  }
0x119: {  	s1 =	ssub.s32 @!p0 $0x0, s1;
	[sflag:s0] =	ssyncset.done @!p0 $0x0  }
0x11a: {  	[sflag:s0] =	ssyncadd.s32 @!p0 s1  }
0x11b: {  	[bflag:$0x3] =	sbarrier.arrive $0xFFFF  }
0x11c: {  	_ =	shalt  }

// kernel: kernel.15.cloned.1.call-start
scs
__scs_entry_jumppad:
0x0: {  	(pc) =	sbr.rel $0x88, $3  }
0x1: {  	(tag) =	ssettag $0x0;
	lr =	simm.s32 $0x1  }
0x2: {  	[smem:$0x3F99] =	sst lr;
	_ =	strace $0xD0000000  }
0x3: {  	_ = 	snop  }
0x4: {  	_ = 	snop  }
0x5: {  	_ = 	snop  }
0x6: {  	_ = 	snop  }
0x7: {  	_ = 	snop  }
__scs_overlays_trampoline_lowered:
0x8: {  	[smem:$0x3FA8] =	sst s0  }
0x9: {  	[smem:$0x3FA9] =	sst s1  }
0xa: {  	[smem:$0x3FAA] =	sst s2  }
0xb: {  	[smem:$0x3FAB] =	sst s3  }
0xc: {  	[smem:$0x3FAC] =	sst s4  }
0xd: {  	[smem:$0x3FAD] =	sst s5  }
0xe: {  	[smem:$0x3FAE] =	sst s6  }
0xf: {  	[smem:$0x3FAF] =	sst s7  }
0x10: {  	[smem:$0x3FB0] =	sst s8  }
0x11: {  	[smem:$0x3FB1] =	sst s9;
	s0 =	simm.s32 @!p0 $0x0  }
0x12: {  	s1 =	sld [smem:$0x3F97];
	s0 =	simm.s32 @p0 $0x1  }
0x13: {  	[smem:$0x3FB2] =	sst s0;
	s0 =	simm.s32 @!p1 $0x0  }
0x14: {  	s2 =	sld [smem:$0x3F96];
	s0 =	simm.s32 @p1 $0x1  }
0x15: {  	[smem:$0x3FB3] =	sst s0;
	s0 =	simm.s32 @!p2 $0x0  }
0x16: {  	s3 =	sld [smem:$0x3FDB];
	s0 =	simm.s32 @p2 $0x1  }
0x17: {  	s4 =	simm.s32 $0x1BF5;
	[smem:$0x3FB5] =	sst s0  }
0x18: {  	s0 =	sld [smem:$0x3F98];
	_ =	swait.ge [sflag:s4], $0x0  }
0x19: {  	s7 =	sld [smem:$0x3F99]  }
0x1a: {  	s8 =	sadd.s32 $0xFFFFE003, lr  }
0x1b: {  	s9 =	sadd.s32 $0xFFFFFEF7, lr;
	s5 =	simm.s32 $0xFFFFFFFF;
	p2 =	slt.u32 s8, $0xFFFFF086  }
0x1c: {  	p1 =	slt.u32 s9, $0xF7A;
	s5 =	simm.s32 @!p2 $0x0  }
0x1d: {  	s5 =	simm.s32 @p1 $0x1;
	p0 =	seq.s32 s7, s2  }
0x1e: {  	s7 =	smul.u32 @!p0 $0xF7A, s2;
	p2 =	seq.s32 @!p0 s5, $0x0  }
0x1f: {  	s9 =	smul.u32 $0xF7A, s1;
	s8 =	simm.s32 @!p0 $0x1BF5;
	p2 =	por !p2, p0  }
0x20: {  	[sflag:s8] =	ssyncset.s32 @!p0 $0xFFFFF086;
	s6 =	sadd.s32 @!p0 s3, s7;
	s7 =	simm.s32 @!p0 $0x108  }
0x21: {  	s3 =	sadd.s32 s3, s9;
	s6 =	sadd.s32 @!p0 $0x88, s6;
	s7 =	simm.s32 @p2 $0x1082  }
0x22: {  	[simem:s7], [sflag:s8] =	dma.local @!p0 [hbm:s6], $0xF7A  }
0x23: {  	s9 =	sor.u32 $0xD0000000, s2;
	s6 =	simm.s32 $0x108;
	_ =	swait.ge @!p0 [sflag:s8], $0x0  }
0x24: {  	s3 =	sadd.s32 $0x88, s3;
	s6 =	simm.s32 @!p1 $0x1082;
	[sflag:s4] =	ssyncset.s32 $0xFFFFF086  }
0x25: {  	[simem:s6], [sflag:s4] =	dma.local [hbm:s3], $0xF7A  }
0x26: {  	[smem:$0x3F99] =	sst s1;
	(tag) =	ssettag s2;
	_ =	strace s9  }
0x27: {  	s1 =	sld [smem:$0x3FA9]  }
0x28: {  	s2 =	sld [smem:$0x3FAA]  }
0x29: {  	s4 =	sld [smem:$0x3FAC]  }
0x2a: {  	p0 =	seq.s32 s5, $0x0;
	s5 =	sld [smem:$0x3FAD]  }
0x2b: {  	s6 =	sld [smem:$0x3FAE]  }
0x2c: {  	s7 =	sld [smem:$0x3FAF]  }
0x2d: {  	s3 =	simm.s32 $0x108;
	s8 =	sld [smem:$0x3FB0]  }
0x2e: {  	s3 =	simm.s32 @!p0 $0x1082;
	s9 =	sld [smem:$0x3FB1]  }
0x2f: {  	lr =	sadd.s32 s0, s3;
	s0 =	sld [smem:$0x3FA8]  }
0x30: {  	s3 =	sld [smem:$0x3FAB]  }
0x31: {  	[smem:$0x3FB4] =	sst s10  }
0x32: {  	s10 =	sld [smem:$0x3FB2];
	_ =	sdelay $0x3  }
0x33: {  	p0 =	seq.s32 s10, $0x1;
	s10 =	sld [smem:$0x3FB4];
	_ =	sdelay $0x3  }
0x34: {  	[smem:$0x3FB4] =	sst s10  }
0x35: {  	s10 =	sld [smem:$0x3FB3];
	_ =	sdelay $0x3  }
0x36: {  	p1 =	seq.s32 s10, $0x1;
	s10 =	sld [smem:$0x3FB4];
	_ =	sdelay $0x3  }
0x37: {  	[smem:$0x3FB4] =	sst s10  }
0x38: {  	s10 =	sld [smem:$0x3FB5]  }
0x39: {  	_ = 	snop;
	(pc) =	sbr.ind lr, $3  }
0x3a: {  	_ = 	snop  }
0x3b: {  	_ = 	snop  }
0x3c: {  	p2 =	seq.s32 s10, $0x1;
	s10 =	sld [smem:$0x3FB4]  }
0x3d: {  	_ =	shalt  }
0x3e: {  	_ =	shalt  }
0x3f: {  	_ =	shalt  }
0x40: {  	_ =	shalt  }
0x41: {  	_ =	shalt  }
0x42: {  	_ =	shalt  }
0x43: {  	_ =	shalt  }
0x44: {  	_ =	shalt  }
0x45: {  	_ =	shalt  }
0x46: {  	_ =	shalt  }
0x47: {  	_ =	shalt  }
0x48: {  	_ =	shalt  }
0x49: {  	_ =	shalt  }
0x4a: {  	_ =	shalt  }
0x4b: {  	_ =	shalt  }
0x4c: {  	_ =	shalt  }
0x4d: {  	_ =	shalt  }
0x4e: {  	_ =	shalt  }
0x4f: {  	_ =	shalt  }
0x50: {  	_ =	shalt  }
0x51: {  	_ =	shalt  }
0x52: {  	_ =	shalt  }
0x53: {  	_ =	shalt  }
0x54: {  	_ =	shalt  }
0x55: {  	_ =	shalt  }
0x56: {  	_ =	shalt  }
0x57: {  	_ =	shalt  }
0x58: {  	_ =	shalt  }
0x59: {  	_ =	shalt  }
0x5a: {  	_ =	shalt  }
0x5b: {  	_ =	shalt  }
0x5c: {  	_ =	shalt  }
0x5d: {  	_ =	shalt  }
0x5e: {  	_ =	shalt  }
0x5f: {  	_ =	shalt  }
0x60: {  	_ =	shalt  }
0x61: {  	_ =	shalt  }
0x62: {  	_ =	shalt  }
0x63: {  	_ =	shalt  }
0x64: {  	_ =	shalt  }
0x65: {  	_ =	shalt  }
0x66: {  	_ =	shalt  }
0x67: {  	_ =	shalt  }
0x68: {  	_ =	shalt  }
0x69: {  	_ =	shalt  }
0x6a: {  	_ =	shalt  }
0x6b: {  	_ =	shalt  }
0x6c: {  	_ =	shalt  }
0x6d: {  	_ =	shalt  }
0x6e: {  	_ =	shalt  }
0x6f: {  	_ =	shalt  }
0x70: {  	_ =	shalt  }
0x71: {  	_ =	shalt  }
0x72: {  	_ =	shalt  }
0x73: {  	_ =	shalt  }
0x74: {  	_ =	shalt  }
0x75: {  	_ =	shalt  }
0x76: {  	_ =	shalt  }
0x77: {  	_ =	shalt  }
0x78: {  	_ =	shalt  }
0x79: {  	_ =	shalt  }
0x7a: {  	_ =	shalt  }
0x7b: {  	_ =	shalt  }
0x7c: {  	_ =	shalt  }
0x7d: {  	_ =	shalt  }
0x7e: {  	_ =	shalt  }
0x7f: {  	_ =	shalt  }
0x80: {  	_ =	shalt  }
0x81: {  	_ =	shalt  }
0x82: {  	_ =	shalt  }
0x83: {  	_ =	shalt  }
0x84: {  	_ =	shalt  }
0x85: {  	_ =	shalt  }
0x86: {  	_ =	shalt  }
0x87: {  	_ =	shalt  }
.Lfunc_end0:
.L_simem_size_0:
called_computation.2_lowered:
.L_overlay_start_0:
0x88: {  	s2 =	sld [smem:$0x3FD9]  }
0x89: {  	s3 =	sld [smem:$0x3FFE];
	_ =	sdelay $0x1  }
0x8a: {  	s1 =	srdreg.scid  }
0x8b: {  	s0 =	sand.u32 $0x1, s1  }
0x8c: {  	s16 =	sshll.u32 s0, $0xA;
	s2 =	sadd.s32 s3, s2  }
0x8d: {  	s2 =	sadd.s32 s2, s16  }
0x8e: {  	[smem:$0x3FC0] =	sst s2  }
0x8f: {  	_ = 	snop  }
0x90: {  	(tm) =	ssettm $0x1  }
0x91: {  	s17 =	sld [smem:$0x3FFB];
	_ =	sdelay $0x3  }
0x92: {  	_ =	strace s17  }
0x93: {  	s2 =	sld [smem:$0x3FFC];
	_ =	sdelay $0x3  }
0x94: {  	_ =	strace s2  }
0x95: {  	s2 =	sld [smem:$0x3FFD];
	_ =	sdelay $0x3  }
0x96: {  	_ =	strace s2  }
0x97: {  	_ =	strace $0x8FFFFFFF  }
0x98: {  	s18 =	sld [smem:$0x3FDB];
	_ =	sdelay $0x1  }
0x99: {  	s19 =	simm.s32 $_scs_section_size  }
0x9a: {  	s4 =	simm.s32 $_size__tile_overlayer_lowered;
	s5 =	simm.s32 $_tile_overlayer_lowered  }
0x9b: {  	s22 =	simm.s32 $0x1BFF;
	s21 =	sshll.u32 s5, $0x1;
	s2 =	sadd.s32 s19, s18  }
0x9c: {  	s6 =	simm.s32 $0x0;
	s20 =	sshll.u32 s4, $0x1;
	s4 =	sadd.s32 s21, s2  }
0x9d: {  	[timem:s6], [sflag:s22] =	dma.local [hbm:s4], s20  }
0x9e: {  	_ =	swait.ge [sflag:s22], s20  }
0x9f: {  	s3 =	ssub.s32 $0x0, s20;
	[sflag:s22] =	ssyncset.done $0x0  }
0xa0: {  	[sflag:s22] =	ssyncadd.s32 s3;
	_ =	sdelay $0x1  }
0xa1: {  	s23 =	simm.s32 $0x1B8B  }
0xa2: {  	_ =	swait.ge [sflag:s23], $0x1  }
0xa3: {  	[sflag:s23] =	ssyncset.done $0x0  }
0xa4: {  	s25 =	simm.s32 $0x1B8E;
	s24 =	sld [smem:$0x3FFE];
	[sflag:s23] =	ssyncadd.s32 $0xFFFFFFFF  }
0xa5: {  	s26 =	simm.s32 $execute0_lowered;
	[smem:$0x3FD2] =	sst s25  }
0xa6: {  	s4 =	sshll.u32 s26, $0x1;
	_ =	strace $0x8000004C;
	[dreg:$0x1] =	wrdreg $0xFFFFFFFF  }
0xa7: {  	s28 =	simm.s32 $_size_execute0_lowered;
	s2 =	sadd.s32 s2, s4;
	[dreg:$0x0] =	wrdreg $0x0  }
0xa8: {  	s4 =	sshll.u32 s28, $0x1;
	[dreg:$0x2] =	wrdreg s2  }
0xa9: {  	[dreg:$0x3] =	wrdreg s4  }
0xaa: {  	[dreg:$0x4] =	wrdreg $0xC0  }
0xab: {  	_ =	task [dreg:s6], $0x5FFFF  }
0xac: {  	[dreg:$0x1] =	wrdreg $0xFFFFFFFF  }
0xad: {  	[dreg:$0x0] =	wrdreg $0x60  }
0xae: {  	[dreg:$0x2] =	wrdreg s24  }
0xaf: {  	[dreg:$0x3] =	wrdreg $0x110000  }
0xb0: {  	[dreg:$0x4] =	wrdreg $0x9  }
0xb1: {  	_ =	task.clear_ibuf [dreg:s6], $0x5FFFF;
	_ =	strace $0x9000004C  }
0xb2: {  	s29 =	simm.s32 $0x9;
	_ =	strace $0x8000004E  }
0xb3: {  	_ =	swait.ge [sflag:s29], $0x1  }
0xb4: {  	[sflag:s29] =	ssyncadd.s32 $0xFFFFFFFF  }
0xb5: {  	_ =	strace $0x9000004E  }
0xb6: {  	_ =	sfence  }
0xb7: {  	s30 =	sld [smem:$0x0];
	_ =	sdelay $0x2  }
0xb8: {  	s31 =	sshll.u32 s1, $0xD;
	s1 =	sshrl.u32 s1, $0x2  }
0xb9: {  	s3 =	sand.u32 $0x4000, s31;
	s1 =	sadd.s32 s1, s30  }
0xba: {  	s0 =	sor.u32 s3, s0;
	s1 =	sshll.u32 s1, $0x11  }
0xbb: {  	s0 =	sor.u32 s1, s0  }
0xbc: {  	s0 =	sadd.s32 $0x8F2B, s0  }
0xbd: {  	[sflag:s0] =	ssyncadd.remote.s32 $0x1  }
0xbe: {  	_ =	sfence.sel $0xFFFF  }
0xbf: {  	[dreg:$0x0] =	wrdreg $0xFFFFFFFF;
	(pc) =	sbr.abs _section_cstart, $3  }
0xc0: {  	[dreg:$0x1] =	wrdreg $0xFFFFFFFF  }
0xc1: {  	_ =	task.clear_ibuf [dreg:s6], $0x2FFFF;
	_ =	strace $0x9FFFFFFF  }
0xc2: {  	(tm) =	ssettm $0x7FFFFFFF  }
0xc3: {  	_ =	shalt  }
tec
execute0_lowered:
.L_overlay_start_1:
0x0: {  	(tag) =	ssettag $0x1  }
0x1: {  	s0 =	rddreg [dreg:$0x0]  }
0x2: {  	s2 =	rddreg [dreg:$0x1];
	s3 =	simm.s32 $0x0  }
0x3: {  	s4 =	stileid.u32;
	s5 =	srdreg.scid;
	s30 =	simm.s32 $0x9  }
0x4: {  	s31 =	simm.s32 $0xC00;
	[smem:$0x7FF] =	sst s3;
	s1 =	smul.u32 $0x5000, s4  }
0x5: {  	s6 =	sadd.s32 $0xC400, s0;
	s7 =	sand.u32 $0x1, s5;
	s21 =	sadd.s32 $0x2400, s0  }
0x6: {  	s10 =	sshll.u32 s4, $0x1;
	s17 =	sshll.u32 s4, $0x6;
	_ =	strace $0x8000004D  }
0x7: {  	s5 =	smov.u32 s6;
	s9 =	smul.u32 $0x50000, s7;
	s6 =	sadd.s32 $0x66400, s0  }
0x8: {  	s11 =	ssub.s32 $0x2, s7;
	s10 =	sor.u32 s7, s10;
	s20 =	sor.u32 $0x1C0D, s17  }
0x9: {  	s7 =	smul.u32 $0x2800, s7;
	s8 =	sshrl.u32 s1, $0x3;
	s12 =	sshrl.u32 s11, $0x1  }
0xa: {  	s10 =	smul.u32 $0x2800, s10;
	s16 =	sadd.s32 s1, s2;
	[dreg:$0xb] =	wrdreg s20  }
0xb: {  	s8 =	sadd.s32 s8, s0;
	s9 =	sadd.s32 s1, s9;
	[dreg:$0x9] =	wrdreg s16  }
0xc: {  	s1 =	sadd.s32 s7, s1;
	s7 =	simm.s32 $0x5000;
	s9 =	sshrl.u32 s9, $0x3  }
0xd: {  	s8 =	sadd.s32 $0x70400, s8;
	s10 =	sshrl.u32 s10, $0x3;
	s29 =	sadd.s32 $0xE00, s1  }
0xe: {  	s16 =	sadd.s32 $0xC00, s1;
	s0 =	sadd.s32 s9, s0;
	s9 =	ssub.s32 s11, s12  }
0xf: {  	[dreg:$0xa] =	wrdreg s8;
	s18 =	sor.u32 $0x40, s10;
	s19 =	sadd.s32 s5, s10  }
0x10: {  	s22 =	sadd.s32 s21, s10;
	s25 =	sor.u32 $0x80, s10;
	[dreg:$0xc] =	wrdreg s19  }
0x11: {  	s13 =	sshrl.u32 s29, $0x3;
	s29 =	sadd.s32 $0x800, s1;
	[dreg:$0xd] =	wrdreg s22  }
0x12: {  	s28 =	sor.u32 $0xC0, s10;
	s23 =	sadd.s32 s5, s18;
	[dreg:$0x16] =	wrdreg s29  }
0x13: {  	s10 =	simm.s32 $0x1000;
	s24 =	sadd.s32 s21, s18;
	[dreg:$0xe] =	wrdreg s23  }
0x14: {  	s8 =	simm.s32 $0xB;
	s26 =	sadd.s32 s5, s25;
	[dreg:$0xf] =	wrdreg s24  }
0x15: {  	s11 =	sadd.s32 s21, s25;
	s12 =	sadd.s32 s5, s28;
	[dreg:$0x10] =	wrdreg s26  }
0x16: {  	s14 =	sadd.s32 s21, s28;
	s15 =	sadd.s32 s13, s21;
	[dreg:$0x11] =	wrdreg s11  }
0x17: {  	s17 =	sadd.s32 s13, s5;
	s18 =	sshrl.u32 s16, $0x3;
	[dreg:$0x12] =	wrdreg s12  }
0x18: {  	s22 =	sadd.s32 $0xA00, s1;
	s0 =	sadd.s32 $0x7A400, s0;
	[dreg:$0x13] =	wrdreg s14  }
0x19: {  	s13 =	simm.s32 $0x2;
	s1 =	simm.s32 $0x0;
	[dreg:$0x3] =	wrdreg s15  }
0x1a: {  	[dreg:$0x4] =	wrdreg s17;
	s19 =	sadd.s32 s18, s21;
	s23 =	sadd.s32 s18, s5  }
0x1b: {  	s24 =	sshrl.u32 s22, $0x3;
	[dreg:$0x14] =	wrdreg s0;
	s26 =	smax.u32 s9, $0x1  }
0x1c: {  	s9 =	simm.s32 $0xD;
	s22 =	simm.s32 $0x800;
	s0 =	simm.s32 $0xA  }
0x1d: {  	s11 =	simm.s32 $0x1;
	s12 =	simm.s32 $0xC;
	[dreg:$0x5] =	wrdreg s19  }
0x1e: {  	s17 =	simm.s32 $0x6;
	s18 =	simm.s32 $0x7;
	[dreg:$0x6] =	wrdreg s23  }
0x1f: {  	s25 =	sadd.s32 s24, s21;
	[dreg:$0x15] =	wrdreg s26;
	s28 =	sadd.s32 s24, s5  }
0x20: {  	s23 =	simm.s32 $0x200;
	s24 =	simm.s32 $0xA00;
	[dreg:$0x7] =	wrdreg s25  }
0x21: {  	s19 =	simm.s32 $0x8;
	[dreg:$0x8] =	wrdreg s28;
	s25 =	simm.s32 $0x400  }
.LBB2_1:
0x22: {  	[dreg:$0x17] =	wrdreg s1  }
0x23: {  	s4 =	rddreg [dreg:$0x9]  }
0x24: {  	s16 =	rddreg [dreg:$0xa];
	s15 =	sshrl.u32 s4, $0x3  }
0x25: {  	[dreg:$0x18] =	wrdreg s15  }
0x26: {  	[spmem:s15], [sflag:s20] =	dma.local [hbm:s16], $0xA00  }
0x27: {  	_ =	swait.ge [sflag:s9], $0xA00  }
0x28: {  	[sflag:s9] =	ssyncset.done $0x0  }
0x29: {  	[sflag:s9] =	ssyncadd.s32 $0xFFFFF600  }
0x2a: {  	[bflag:$0x0] =	sbarrier.arrive $0xFFFF  }
0x2b: {  	s20 =	rddreg [dreg:$0xc]  }
0x2c: {  	[tilespmem:s3], [sflag:$0x9] =	stream.linear.gather [hbm4b:s20+s3], $0x200, $0x38;
	[tilespmem:$0x16000] =	vst v63  }
0x2d: {  	s26 =	rddreg [dreg:$0xd]  }
0x2e: {  	[tilespmem:s22], [sflag:$0x9] =	stream.linear.gather [hbm4b:s26+s3], $0x200, $0x38;
	[tilespmem:$0x16000] =	vst v63  }
0x2f: {  	s29 =	rddreg [dreg:$0xe]  }
0x30: {  	[tilespmem:s23], [sflag:$0xA] =	stream.linear.gather [hbm4b:s29+s3], $0x200, $0x38;
	[tilespmem:$0x16000] =	vst v63  }
0x31: {  	s1 =	rddreg [dreg:$0xf]  }
0x32: {  	[tilespmem:s24], [sflag:$0xA] =	stream.linear.gather [hbm4b:s1+s3], $0x200, $0x38;
	[tilespmem:$0x16000] =	vst v63  }
0x33: {  	s9 =	rddreg [dreg:$0x10]  }
0x34: {  	[tilespmem:s25], [sflag:$0xB] =	stream.linear.gather [hbm4b:s9+s3], $0x200, $0x38;
	[tilespmem:$0x16000] =	vst v63  }
0x35: {  	s14 =	rddreg [dreg:$0x11];
	s26 =	simm.s32 $0xC00  }
0x36: {  	[tilespmem:s26], [sflag:$0xB] =	stream.linear.gather [hbm4b:s14+s3], $0x200, $0x38;
	[tilespmem:$0x16000] =	vst v63  }
0x37: {  	s15 =	rddreg [dreg:$0x12];
	s1 =	simm.s32 $0x600  }
0x38: {  	[tilespmem:s1], [sflag:$0xC] =	stream.linear.gather [hbm4b:s15+s3], $0x200, $0x38;
	[tilespmem:$0x16000] =	vst v63  }
0x39: {  	s28 =	simm.s32 $0xE00;
	s16 =	rddreg [dreg:$0x13]  }
0x3a: {  	[tilespmem:s28], [sflag:$0xC] =	stream.linear.gather [hbm4b:s16+s3], $0x200, $0x38;
	[tilespmem:$0x16000] =	vst v63  }
0x3b: {  	_ =	swait.ge [sflag:s30], $0x200  }
0x3c: {  	[sflag:s30] =	ssyncset.done $0x0  }
0x3d: {  	[sflag:s30] =	ssyncadd.s32 $0xFFFFFE00  }
0x3e: {  	_ =	swait.ge [sflag:s30], $0x200  }
0x3f: {  	[sflag:s30] =	ssyncset.done $0x0  }
0x40: {  	[sflag:s30] =	ssyncadd.s32 $0xFFFFFE00  }
0x41: {  	[tilespmem:s10], [sflag:$0x1] =	stream.indirect.gather [hbm4b:s6+s23], $0x20, s3, s23, $0xb8;
	[tilespmem:$0x16000] =	vst v63  }
0x42: {  	_ =	swait.ge [sflag:s0], $0x200  }
0x43: {  	[sflag:s0] =	ssyncset.done $0x0  }
0x44: {  	[sflag:s0] =	ssyncadd.s32 $0xFFFFFE00  }
0x45: {  	_ =	swait.ge [sflag:s0], $0x200  }
0x46: {  	[sflag:s0] =	ssyncset.done $0x0  }
0x47: {  	[sflag:s0] =	ssyncadd.s32 $0xFFFFFE00  }
0x48: {  	[tilespmem:s7], [sflag:$0x2] =	stream.indirect.gather [hbm4b:s6+s23], $0x20, s23, s23, $0xb8;
	[tilespmem:$0x16000] =	vst v63  }
0x49: {  	_ =	swait.ge [sflag:s11], $0x4000  }
0x4a: {  	[sflag:s11] =	ssyncset.done $0x0  }
0x4b: {  	[sflag:s11] =	ssyncadd.s32 $0xFFFFC000  }
0x4c: {  	[spmem:s2] =	stream.indirect.scatter.add.f32 [tilespmem:s10], [sflag:$0x5], $0x20, s22, s23, $0xb8;
	[tilespmem:$0x16000] =	vst v63  }
0x4d: {  	_ =	swait.ge [sflag:s8], $0x200  }
0x4e: {  	[sflag:s8] =	ssyncset.done $0x0  }
0x4f: {  	[sflag:s8] =	ssyncadd.s32 $0xFFFFFE00  }
0x50: {  	_ =	swait.ge [sflag:s8], $0x200  }
0x51: {  	[sflag:s8] =	ssyncset.done $0x0  }
0x52: {  	s14 =	simm.s32 $0x9000;
	[sflag:s8] =	ssyncadd.s32 $0xFFFFFE00  }
0x53: {  	[tilespmem:s14], [sflag:$0x3] =	stream.indirect.gather [hbm4b:s6+s23], $0x20, s25, s23, $0xb8;
	[tilespmem:$0x16000] =	vst v63  }
0x54: {  	_ =	swait.ge [sflag:s13], $0x4000  }
0x55: {  	[sflag:s13] =	ssyncset.done $0x0  }
0x56: {  	[sflag:s13] =	ssyncadd.s32 $0xFFFFC000  }
0x57: {  	[spmem:s2] =	stream.indirect.scatter.add.f32 [tilespmem:s7], [sflag:$0x6], $0x20, s24, s23, $0xb8;
	[tilespmem:$0x16000] =	vst v63  }
0x58: {  	_ =	swait.ge [sflag:s12], $0x200  }
0x59: {  	[sflag:s12] =	ssyncset.done $0x0  }
0x5a: {  	[sflag:s12] =	ssyncadd.s32 $0xFFFFFE00  }
0x5b: {  	_ =	swait.ge [sflag:s12], $0x200  }
0x5c: {  	[sflag:s12] =	ssyncset.done $0x0  }
0x5d: {  	s20 =	simm.s32 $0x3;
	s15 =	simm.s32 $0xD000;
	[sflag:s12] =	ssyncadd.s32 $0xFFFFFE00  }
0x5e: {  	[tilespmem:s15], [sflag:$0x4] =	stream.indirect.gather [hbm4b:s6+s23], $0x20, s1, s23, $0xb8;
	[tilespmem:$0x16000] =	vst v63  }
0x5f: {  	_ =	swait.ge [sflag:s20], $0x4000  }
0x60: {  	[sflag:s20] =	ssyncset.done $0x0  }
0x61: {  	s16 =	simm.s32 $0x5;
	[sflag:s20] =	ssyncadd.s32 $0xFFFFC000  }
0x62: {  	[spmem:s2] =	stream.indirect.scatter.add.f32 [tilespmem:s14], [sflag:$0x7], $0x20, s26, s23, $0xb8;
	[tilespmem:$0x16000] =	vst v63  }
0x63: {  	_ =	swait.ge [sflag:s16], $0x4000  }
0x64: {  	s4 =	rddreg [dreg:$0x16]  }
0x65: {  	[sflag:s16] =	ssyncset.done $0x0;
	s29 =	sshrl.u32 s4, $0x3  }
0x66: {  	[sflag:s16] =	ssyncadd.s32 $0xFFFFC000;
	s16 =	sadd.s32 s5, s29  }
0x67: {  	[tilespmem:s3], [sflag:$0x9] =	stream.linear.gather [hbm4b:s16+s3], $0x200, $0x38;
	[tilespmem:$0x16000] =	vst v63  }
0x68: {  	s9 =	sadd.s32 s21, s29  }
0x69: {  	[tilespmem:s22], [sflag:$0x9] =	stream.linear.gather [hbm4b:s9+s3], $0x200, $0x38;
	[tilespmem:$0x16000] =	vst v63  }
0x6a: {  	_ =	swait.ge [sflag:s30], $0x200  }
0x6b: {  	[sflag:s30] =	ssyncset.done $0x0  }
0x6c: {  	[sflag:s30] =	ssyncadd.s32 $0xFFFFFE00  }
0x6d: {  	_ =	swait.ge [sflag:s30], $0x200  }
0x6e: {  	[sflag:s30] =	ssyncset.done $0x0  }
0x6f: {  	s29 =	simm.s32 $0x4;
	[sflag:s30] =	ssyncadd.s32 $0xFFFFFE00  }
0x70: {  	[tilespmem:s10], [sflag:$0x1] =	stream.indirect.gather [hbm4b:s6+s23], $0x20, s3, s23, $0xb8;
	[tilespmem:$0x16000] =	vst v63  }
0x71: {  	_ =	swait.ge [sflag:s29], $0x4000  }
0x72: {  	[sflag:s29] =	ssyncset.done $0x0  }
0x73: {  	[sflag:s29] =	ssyncadd.s32 $0xFFFFC000  }
0x74: {  	[spmem:s2] =	stream.indirect.scatter.add.f32 [tilespmem:s15], [sflag:$0x8], $0x20, s28, s23, $0xb8;
	[tilespmem:$0x16000] =	vst v63  }
0x75: {  	_ =	swait.ge [sflag:s17], $0x4000  }
0x76: {  	s15 =	rddreg [dreg:$0x8];
	[sflag:s17] =	ssyncset.done $0x0  }
0x77: {  	s16 =	rddreg [dreg:$0x7];
	[sflag:s17] =	ssyncadd.s32 $0xFFFFC000;
	s9 =	sadd.s32 $0x0, s15  }
0x78: {  	[tilespmem:s23], [sflag:$0xA] =	stream.linear.gather [hbm4b:s9+s3], $0x200, $0x38;
	[tilespmem:$0x16000] =	vst v63  }
0x79: {  	s29 =	sadd.s32 $0x0, s16  }
0x7a: {  	[tilespmem:s24], [sflag:$0xA] =	stream.linear.gather [hbm4b:s29+s3], $0x200, $0x38;
	[tilespmem:$0x16000] =	vst v63  }
0x7b: {  	_ =	swait.ge [sflag:s0], $0x200  }
0x7c: {  	[sflag:s0] =	ssyncset.done $0x0  }
0x7d: {  	[sflag:s0] =	ssyncadd.s32 $0xFFFFFE00  }
0x7e: {  	_ =	swait.ge [sflag:s0], $0x200  }
0x7f: {  	[sflag:s0] =	ssyncset.done $0x0  }
0x80: {  	[sflag:s0] =	ssyncadd.s32 $0xFFFFFE00  }
0x81: {  	[tilespmem:s7], [sflag:$0x2] =	stream.indirect.gather [hbm4b:s6+s23], $0x20, s23, s23, $0xb8;
	[tilespmem:$0x16000] =	vst v63  }
0x82: {  	_ =	swait.ge [sflag:s11], $0x4000  }
0x83: {  	[sflag:s11] =	ssyncset.done $0x0  }
0x84: {  	[sflag:s11] =	ssyncadd.s32 $0xFFFFC000  }
0x85: {  	[spmem:s2] =	stream.indirect.scatter.add.f32 [tilespmem:s10], [sflag:$0x5], $0x20, s22, s23, $0xb8;
	[tilespmem:$0x16000] =	vst v63  }
0x86: {  	_ =	swait.ge [sflag:s18], $0x4000  }
0x87: {  	s15 =	rddreg [dreg:$0x6];
	[sflag:s18] =	ssyncset.done $0x0  }
0x88: {  	s16 =	rddreg [dreg:$0x5];
	[sflag:s18] =	ssyncadd.s32 $0xFFFFC000;
	s9 =	sadd.s32 $0x0, s15  }
0x89: {  	[tilespmem:s25], [sflag:$0xB] =	stream.linear.gather [hbm4b:s9+s3], $0x200, $0x38;
	[tilespmem:$0x16000] =	vst v63  }
0x8a: {  	s22 =	sadd.s32 $0x0, s16  }
0x8b: {  	[tilespmem:s26], [sflag:$0xB] =	stream.linear.gather [hbm4b:s22+s3], $0x200, $0x38;
	[tilespmem:$0x16000] =	vst v63  }
0x8c: {  	_ =	swait.ge [sflag:s8], $0x200  }
0x8d: {  	[sflag:s8] =	ssyncset.done $0x0  }
0x8e: {  	[sflag:s8] =	ssyncadd.s32 $0xFFFFFE00  }
0x8f: {  	_ =	swait.ge [sflag:s8], $0x200  }
0x90: {  	[sflag:s8] =	ssyncset.done $0x0  }
0x91: {  	[sflag:s8] =	ssyncadd.s32 $0xFFFFFE00  }
0x92: {  	[tilespmem:s14], [sflag:$0x3] =	stream.indirect.gather [hbm4b:s6+s23], $0x20, s25, s23, $0xb8;
	[tilespmem:$0x16000] =	vst v63  }
0x93: {  	_ =	swait.ge [sflag:s13], $0x4000  }
0x94: {  	[sflag:s13] =	ssyncset.done $0x0  }
0x95: {  	[sflag:s13] =	ssyncadd.s32 $0xFFFFC000  }
0x96: {  	[spmem:s2] =	stream.indirect.scatter.add.f32 [tilespmem:s7], [sflag:$0x6], $0x20, s24, s23, $0xb8;
	[tilespmem:$0x16000] =	vst v63  }
0x97: {  	_ =	swait.ge [sflag:s19], $0x4000  }
0x98: {  	s25 =	rddreg [dreg:$0x4];
	[sflag:s19] =	ssyncset.done $0x0  }
0x99: {  	s26 =	rddreg [dreg:$0x3];
	[sflag:s19] =	ssyncadd.s32 $0xFFFFC000;
	s9 =	sadd.s32 $0x0, s25  }
0x9a: {  	[tilespmem:s1], [sflag:$0xC] =	stream.linear.gather [hbm4b:s9+s3], $0x200, $0x38;
	[tilespmem:$0x16000] =	vst v63  }
0x9b: {  	s29 =	sadd.s32 $0x0, s26  }
0x9c: {  	[tilespmem:s28], [sflag:$0xC] =	stream.linear.gather [hbm4b:s29+s3], $0x200, $0x38;
	[tilespmem:$0x16000] =	vst v63  }
0x9d: {  	_ =	swait.ge [sflag:s12], $0x200  }
0x9e: {  	s20 =	sadd.s32 $0x800, s4;
	s11 =	simm.s32 $0x1;
	[sflag:s12] =	ssyncset.done $0x0  }
0x9f: {  	s14 =	simm.s32 $0x2;
	s13 =	simm.s32 $0x1000;
	[sflag:s12] =	ssyncadd.s32 $0xFFFFFE00  }
0xa0: {  	s24 =	smov.u32 s21;
	s21 =	simm.s32 $0x100;
	_ =	swait.ge [sflag:s12], $0x200  }
0xa1: {  	s7 =	simm.s32 $0x5000;
	s26 =	simm.s32 $0xA00;
	[sflag:s12] =	ssyncset.done $0x0  }
0xa2: {  	s25 =	simm.s32 $0x800;
	s28 =	simm.s32 $0x400;
	[sflag:s12] =	ssyncadd.s32 $0xFFFFFE00  }
.LBB2_2:
0xa3: {  	s1 =	simm.s32 $0x600;
	s16 =	simm.s32 $0xD000;
	s4 =	simm.s32 $0x3  }
0xa4: {  	[tilespmem:s16], [sflag:$0x4] =	stream.indirect.gather [hbm4b:s6+s23], $0x20, s1, s23, $0xb8;
	[tilespmem:$0x16000] =	vst v63  }
0xa5: {  	_ =	swait.ge [sflag:s4], $0x4000  }
0xa6: {  	s29 =	simm.s32 $0xC00;
	[sflag:s4] =	ssyncset.done $0x0  }
0xa7: {  	s15 =	simm.s32 $0x9000;
	s10 =	simm.s32 $0x5;
	[sflag:s4] =	ssyncadd.s32 $0xFFFFC000  }
0xa8: {  	[spmem:s2] =	stream.indirect.scatter.add.f32 [tilespmem:s15], [sflag:$0x7], $0x20, s29, s23, $0xb8;
	[tilespmem:$0x16000] =	vst v63  }
0xa9: {  	_ =	swait.ge [sflag:s10], $0x4000  }
0xaa: {  	s4 =	sshrl.u32 s20, $0x3;
	[sflag:s10] =	ssyncset.done $0x0  }
0xab: {  	[sflag:s10] =	ssyncadd.s32 $0xFFFFC000;
	s10 =	sadd.s32 s5, s4  }
0xac: {  	[tilespmem:s3], [sflag:$0x9] =	stream.linear.gather [hbm4b:s10+s3], $0x200, $0x38;
	[tilespmem:$0x16000] =	vst v63  }
0xad: {  	s4 =	sadd.s32 s24, s4  }
0xae: {  	[tilespmem:s25], [sflag:$0x9] =	stream.linear.gather [hbm4b:s4+s3], $0x200, $0x38;
	[tilespmem:$0x16000] =	vst v63  }
0xaf: {  	_ =	swait.ge [sflag:s30], $0x200  }
0xb0: {  	[sflag:s30] =	ssyncset.done $0x0  }
0xb1: {  	[sflag:s30] =	ssyncadd.s32 $0xFFFFFE00  }
0xb2: {  	_ =	swait.ge [sflag:s30], $0x200  }
0xb3: {  	[sflag:s30] =	ssyncset.done $0x0  }
0xb4: {  	s10 =	simm.s32 $0x4;
	[sflag:s30] =	ssyncadd.s32 $0xFFFFFE00  }
0xb5: {  	[tilespmem:s13], [sflag:$0x1] =	stream.indirect.gather [hbm4b:s6+s23], $0x20, s3, s23, $0xb8;
	[tilespmem:$0x16000] =	vst v63  }
0xb6: {  	_ =	swait.ge [sflag:s10], $0x4000  }
0xb7: {  	[sflag:s10] =	ssyncset.done $0x0  }
0xb8: {  	[sflag:s10] =	ssyncadd.s32 $0xFFFFC000;
	s10 =	simm.s32 $0xE00  }
0xb9: {  	[spmem:s2] =	stream.indirect.scatter.add.f32 [tilespmem:s16], [sflag:$0x8], $0x20, s10, s23, $0xb8;
	[tilespmem:$0x16000] =	vst v63  }
0xba: {  	s9 =	smov.u32 s21;
	_ =	swait.ge [sflag:s17], $0x4000  }
0xbb: {  	s22 =	smov.u32 s5;
	s5 =	rddreg [dreg:$0x8];
	[sflag:s17] =	ssyncset.done $0x0  }
0xbc: {  	s16 =	rddreg [dreg:$0x7];
	[sflag:s17] =	ssyncadd.s32 $0xFFFFC000;
	s4 =	sadd.s32 s9, s5  }
0xbd: {  	[tilespmem:s23], [sflag:$0xA] =	stream.linear.gather [hbm4b:s4+s3], $0x200, $0x38;
	[tilespmem:$0x16000] =	vst v63  }
0xbe: {  	s16 =	sadd.s32 s9, s16  }
0xbf: {  	[tilespmem:s26], [sflag:$0xA] =	stream.linear.gather [hbm4b:s16+s3], $0x200, $0x38;
	[tilespmem:$0x16000] =	vst v63  }
0xc0: {  	_ =	swait.ge [sflag:s0], $0x200  }
0xc1: {  	[sflag:s0] =	ssyncset.done $0x0  }
0xc2: {  	[sflag:s0] =	ssyncadd.s32 $0xFFFFFE00  }
0xc3: {  	_ =	swait.ge [sflag:s0], $0x200  }
0xc4: {  	[sflag:s0] =	ssyncset.done $0x0  }
0xc5: {  	[sflag:s0] =	ssyncadd.s32 $0xFFFFFE00  }
0xc6: {  	[tilespmem:s7], [sflag:$0x2] =	stream.indirect.gather [hbm4b:s6+s23], $0x20, s23, s23, $0xb8;
	[tilespmem:$0x16000] =	vst v63  }
0xc7: {  	_ =	swait.ge [sflag:s11], $0x4000  }
0xc8: {  	[sflag:s11] =	ssyncset.done $0x0  }
0xc9: {  	[sflag:s11] =	ssyncadd.s32 $0xFFFFC000  }
0xca: {  	[spmem:s2] =	stream.indirect.scatter.add.f32 [tilespmem:s13], [sflag:$0x5], $0x20, s25, s23, $0xb8;
	[tilespmem:$0x16000] =	vst v63  }
0xcb: {  	_ =	swait.ge [sflag:s18], $0x4000  }
0xcc: {  	s5 =	rddreg [dreg:$0x6];
	[sflag:s18] =	ssyncset.done $0x0  }
0xcd: {  	s16 =	rddreg [dreg:$0x5];
	[sflag:s18] =	ssyncadd.s32 $0xFFFFC000;
	s4 =	sadd.s32 s9, s5  }
0xce: {  	[tilespmem:s28], [sflag:$0xB] =	stream.linear.gather [hbm4b:s4+s3], $0x200, $0x38;
	[tilespmem:$0x16000] =	vst v63  }
0xcf: {  	s16 =	sadd.s32 s9, s16  }
0xd0: {  	[tilespmem:s29], [sflag:$0xB] =	stream.linear.gather [hbm4b:s16+s3], $0x200, $0x38;
	[tilespmem:$0x16000] =	vst v63  }
0xd1: {  	_ =	swait.ge [sflag:s8], $0x200  }
0xd2: {  	[sflag:s8] =	ssyncset.done $0x0  }
0xd3: {  	[sflag:s8] =	ssyncadd.s32 $0xFFFFFE00  }
0xd4: {  	_ =	swait.ge [sflag:s8], $0x200  }
0xd5: {  	[sflag:s8] =	ssyncset.done $0x0  }
0xd6: {  	[sflag:s8] =	ssyncadd.s32 $0xFFFFFE00  }
0xd7: {  	[tilespmem:s15], [sflag:$0x3] =	stream.indirect.gather [hbm4b:s6+s23], $0x20, s28, s23, $0xb8;
	[tilespmem:$0x16000] =	vst v63  }
0xd8: {  	_ =	swait.ge [sflag:s14], $0x4000  }
0xd9: {  	[sflag:s14] =	ssyncset.done $0x0  }
0xda: {  	[sflag:s14] =	ssyncadd.s32 $0xFFFFC000  }
0xdb: {  	[spmem:s2] =	stream.indirect.scatter.add.f32 [tilespmem:s7], [sflag:$0x6], $0x20, s26, s23, $0xb8;
	[tilespmem:$0x16000] =	vst v63  }
0xdc: {  	_ =	swait.ge [sflag:s19], $0x4000  }
0xdd: {  	s5 =	rddreg [dreg:$0x4];
	[sflag:s19] =	ssyncset.done $0x0  }
0xde: {  	s15 =	rddreg [dreg:$0x3];
	[sflag:s19] =	ssyncadd.s32 $0xFFFFC000;
	s4 =	sadd.s32 s9, s5  }
0xdf: {  	[tilespmem:s1], [sflag:$0xC] =	stream.linear.gather [hbm4b:s4+s3], $0x200, $0x38;
	[tilespmem:$0x16000] =	vst v63  }
0xe0: {  	s15 =	sadd.s32 s9, s15  }
0xe1: {  	[tilespmem:s10], [sflag:$0xC] =	stream.linear.gather [hbm4b:s15+s3], $0x200, $0x38;
	[tilespmem:$0x16000] =	vst v63  }
0xe2: {  	p0 =	sne.s32 s21, $0x300;
	_ =	swait.ge [sflag:s12], $0x200  }
.Ltmp0:
0xe3: {  	[sflag:s12] =	ssyncset.done $0x0;
	(pc) =	sbr.rel @p0 .LBB2_2-.Ltmp0, $4  }
0xe4: {  	[sflag:s12] =	ssyncadd.s32 $0xFFFFFE00  }
0xe5: {  	s21 =	sadd.s32 $0x100, s21;
	s20 =	sadd.s32 $0x800, s20;
	_ =	swait.ge [sflag:s12], $0x200  }
0xe6: {  	s16 =	simm.s32 $0x9000;
	s29 =	simm.s32 $0x600;
	[sflag:s12] =	ssyncset.done $0x0  }
0xe7: {  	s5 =	smov.u32 s22;
	s1 =	simm.s32 $0xE00;
	[sflag:s12] =	ssyncadd.s32 $0xFFFFFE00  }
0xe8: {  	s4 =	simm.s32 $0xD000;
	s7 =	simm.s32 $0x3  }
0xe9: {  	[tilespmem:s4], [sflag:$0x4] =	stream.indirect.gather [hbm4b:s6+s23], $0x20, s29, s23, $0xb8;
	[tilespmem:$0x16000] =	vst v63  }
0xea: {  	_ =	swait.ge [sflag:s7], $0x4000  }
0xeb: {  	[sflag:s7] =	ssyncset.done $0x0  }
0xec: {  	s21 =	simm.s32 $0x4;
	[sflag:s7] =	ssyncadd.s32 $0xFFFFC000  }
0xed: {  	[spmem:s2] =	stream.indirect.scatter.add.f32 [tilespmem:s16], [sflag:$0x7], $0x20, s31, s23, $0xb8;
	[tilespmem:$0x16000] =	vst v63  }
0xee: {  	_ =	swait.ge [sflag:s21], $0x4000  }
0xef: {  	[sflag:s21] =	ssyncset.done $0x0  }
0xf0: {  	s22 =	simm.s32 $0x5;
	[sflag:s21] =	ssyncadd.s32 $0xFFFFC000  }
0xf1: {  	[spmem:s2] =	stream.indirect.scatter.add.f32 [tilespmem:s4], [sflag:$0x8], $0x20, s1, s23, $0xb8;
	[tilespmem:$0x16000] =	vst v63  }
0xf2: {  	_ =	swait.ge [sflag:s22], $0x4000  }
0xf3: {  	[sflag:s22] =	ssyncset.done $0x0  }
0xf4: {  	[sflag:s22] =	ssyncadd.s32 $0xFFFFC000  }
0xf5: {  	_ =	swait.ge [sflag:s17], $0x4000  }
0xf6: {  	[sflag:s17] =	ssyncset.done $0x0  }
0xf7: {  	[sflag:s17] =	ssyncadd.s32 $0xFFFFC000  }
0xf8: {  	_ =	swait.ge [sflag:s18], $0x4000  }
0xf9: {  	[sflag:s18] =	ssyncset.done $0x0  }
0xfa: {  	[sflag:s18] =	ssyncadd.s32 $0xFFFFC000  }
0xfb: {  	_ =	swait.ge [sflag:s19], $0x4000  }
0xfc: {  	[sflag:s19] =	ssyncset.done $0x0  }
0xfd: {  	[sflag:s19] =	ssyncadd.s32 $0xFFFFC000  }
0xfe: {  	[bflag:$0x0] =	sbarrier.arrive $0xFFFF  }
0xff: {  	s20 =	rddreg [dreg:$0xb]  }
0x100: {  	s25 =	rddreg [dreg:$0x14]  }
0x101: {  	s9 =	simm.s32 $0xD;
	s26 =	rddreg [dreg:$0x18]  }
0x102: {  	[hbm:s25], [sflag:s20] =	dma.local [spmem:s26], $0xA00  }
0x103: {  	_ =	swait.ge [sflag:s9], $0xA00  }
0x104: {  	s28 =	rddreg [dreg:$0x17]  }
0x105: {  	s29 =	rddreg [dreg:$0x15];
	s1 =	sadd.s32 $0x1, s28  }
0x106: {  	p0 =	sne.s32 s1, s29  }
.Ltmp1:
0x107: {  	_ = 	snop;
	(pc) =	sbr.rel @p0 .LBB2_1-.Ltmp1, $4  }
0x108: {  	s10 =	simm.s32 $0x1000  }
0x109: {  	s11 =	simm.s32 $0x1;
	s13 =	simm.s32 $0x2;
	s7 =	simm.s32 $0x5000  }
0x10a: {  	s21 =	smov.u32 s24;
	s24 =	simm.s32 $0xA00;
	[sflag:s9] =	ssyncset.done $0x0  }
0x10b: {  	s22 =	simm.s32 $0x800;
	s25 =	simm.s32 $0x400;
	[sflag:s9] =	ssyncadd.s32 $0xFFFFF600  }
0x10c: {  	_ =	sfence.sel $0x180000  }
0x10d: {  	[bflag:$0x0] =	sbarrier.arrive $0xFFFF  }
0x10e: {  	_ =	strace $0x9000004D  }
0x10f: {  	s0 =	stileid.u32;
	[bflag:$0x2] =	sbarrier.arrive $0xFFFF  }
0x110: {  	p0 =	sne.s32 s0, $0x0;
	s0 =	rddreg [dreg:$0x2]  }
0x111: {  	s0 =	sadd.s32 @!p0 $0x100000, s0  }
0x112: {  	[sflag:s0] =	ssyncadd.tile.s32 @!p0 $0x1;
	_ =	shalt  }
.Lfunc_end2:
_tile_overlayer_lowered:
.L_overlay_start_2:
0x113: {  	(tag) =	ssettag $0x2  }
0x114: {  	s0 =	rddreg [dreg:$0x0];
	s2 =	stileid.u32  }
0x115: {  	s1 =	rddreg [dreg:$0x1];
	p0 =	sne.s32 s2, $0x0  }
0x116: {  	s3 =	rddreg [dreg:$0x2];
	[bflag:$0x3] =	sbarrier.arrive $0xFFFF;
	s2 =	simm.s32 @!p0 $0x1C0D  }
0x117: {  	[timem:s3], [sflag:s2] =	dma.local @!p0 [hbm:s0], s1  }
0x118: {  	s0 =	simm.s32 @!p0 $0xD  }
0x119: {  	_ =	swait.ge @!p0 [sflag:s0], s1  }
0x11a: {  	s1 =	ssub.s32 @!p0 $0x0, s1;
	[sflag:s0] =	ssyncset.done @!p0 $0x0  }
0x11b: {  	[sflag:s0] =	ssyncadd.s32 @!p0 s1  }
0x11c: {  	[bflag:$0x3] =	sbarrier.arrive $0xFFFF  }
0x11d: {  	_ =	shalt  }

// kernel: kernel.9.cloned.1.call-start
scs
__scs_entry_jumppad:
0x0: {  	(pc) =	sbr.rel $0x88, $3  }
0x1: {  	(tag) =	ssettag $0x0;
	lr =	simm.s32 $0x1  }
0x2: {  	[smem:$0x3F99] =	sst lr;
	_ =	strace $0xD0000000  }
0x3: {  	_ = 	snop  }
0x4: {  	_ = 	snop  }
0x5: {  	_ = 	snop  }
0x6: {  	_ = 	snop  }
0x7: {  	_ = 	snop  }
__scs_overlays_trampoline_lowered:
0x8: {  	[smem:$0x3FA8] =	sst s0  }
0x9: {  	[smem:$0x3FA9] =	sst s1  }
0xa: {  	[smem:$0x3FAA] =	sst s2  }
0xb: {  	[smem:$0x3FAB] =	sst s3  }
0xc: {  	[smem:$0x3FAC] =	sst s4  }
0xd: {  	[smem:$0x3FAD] =	sst s5  }
0xe: {  	[smem:$0x3FAE] =	sst s6  }
0xf: {  	[smem:$0x3FAF] =	sst s7  }
0x10: {  	[smem:$0x3FB0] =	sst s8  }
0x11: {  	[smem:$0x3FB1] =	sst s9;
	s0 =	simm.s32 @!p0 $0x0  }
0x12: {  	s1 =	sld [smem:$0x3F97];
	s0 =	simm.s32 @p0 $0x1  }
0x13: {  	[smem:$0x3FB2] =	sst s0;
	s0 =	simm.s32 @!p1 $0x0  }
0x14: {  	s2 =	sld [smem:$0x3F96];
	s0 =	simm.s32 @p1 $0x1  }
0x15: {  	[smem:$0x3FB3] =	sst s0;
	s0 =	simm.s32 @!p2 $0x0  }
0x16: {  	s3 =	sld [smem:$0x3FDB];
	s0 =	simm.s32 @p2 $0x1  }
0x17: {  	s4 =	simm.s32 $0x1BF5;
	[smem:$0x3FB5] =	sst s0  }
0x18: {  	s0 =	sld [smem:$0x3F98];
	_ =	swait.ge [sflag:s4], $0x0  }
0x19: {  	s7 =	sld [smem:$0x3F99]  }
0x1a: {  	s8 =	sadd.s32 $0xFFFFE003, lr  }
0x1b: {  	s9 =	sadd.s32 $0xFFFFFEF7, lr;
	s5 =	simm.s32 $0xFFFFFFFF;
	p2 =	slt.u32 s8, $0xFFFFF086  }
0x1c: {  	p1 =	slt.u32 s9, $0xF7A;
	s5 =	simm.s32 @!p2 $0x0  }
0x1d: {  	s5 =	simm.s32 @p1 $0x1;
	p0 =	seq.s32 s7, s2  }
0x1e: {  	s7 =	smul.u32 @!p0 $0xF7A, s2;
	p2 =	seq.s32 @!p0 s5, $0x0  }
0x1f: {  	s9 =	smul.u32 $0xF7A, s1;
	s8 =	simm.s32 @!p0 $0x1BF5;
	p2 =	por !p2, p0  }
0x20: {  	[sflag:s8] =	ssyncset.s32 @!p0 $0xFFFFF086;
	s6 =	sadd.s32 @!p0 s3, s7;
	s7 =	simm.s32 @!p0 $0x108  }
0x21: {  	s3 =	sadd.s32 s3, s9;
	s6 =	sadd.s32 @!p0 $0x88, s6;
	s7 =	simm.s32 @p2 $0x1082  }
0x22: {  	[simem:s7], [sflag:s8] =	dma.local @!p0 [hbm:s6], $0xF7A  }
0x23: {  	s9 =	sor.u32 $0xD0000000, s2;
	s6 =	simm.s32 $0x108;
	_ =	swait.ge @!p0 [sflag:s8], $0x0  }
0x24: {  	s3 =	sadd.s32 $0x88, s3;
	s6 =	simm.s32 @!p1 $0x1082;
	[sflag:s4] =	ssyncset.s32 $0xFFFFF086  }
0x25: {  	[simem:s6], [sflag:s4] =	dma.local [hbm:s3], $0xF7A  }
0x26: {  	[smem:$0x3F99] =	sst s1;
	(tag) =	ssettag s2;
	_ =	strace s9  }
0x27: {  	s1 =	sld [smem:$0x3FA9]  }
0x28: {  	s2 =	sld [smem:$0x3FAA]  }
0x29: {  	s4 =	sld [smem:$0x3FAC]  }
0x2a: {  	p0 =	seq.s32 s5, $0x0;
	s5 =	sld [smem:$0x3FAD]  }
0x2b: {  	s6 =	sld [smem:$0x3FAE]  }
0x2c: {  	s7 =	sld [smem:$0x3FAF]  }
0x2d: {  	s3 =	simm.s32 $0x108;
	s8 =	sld [smem:$0x3FB0]  }
0x2e: {  	s3 =	simm.s32 @!p0 $0x1082;
	s9 =	sld [smem:$0x3FB1]  }
0x2f: {  	lr =	sadd.s32 s0, s3;
	s0 =	sld [smem:$0x3FA8]  }
0x30: {  	s3 =	sld [smem:$0x3FAB]  }
0x31: {  	[smem:$0x3FB4] =	sst s10  }
0x32: {  	s10 =	sld [smem:$0x3FB2];
	_ =	sdelay $0x3  }
0x33: {  	p0 =	seq.s32 s10, $0x1;
	s10 =	sld [smem:$0x3FB4];
	_ =	sdelay $0x3  }
0x34: {  	[smem:$0x3FB4] =	sst s10  }
0x35: {  	s10 =	sld [smem:$0x3FB3];
	_ =	sdelay $0x3  }
0x36: {  	p1 =	seq.s32 s10, $0x1;
	s10 =	sld [smem:$0x3FB4];
	_ =	sdelay $0x3  }
0x37: {  	[smem:$0x3FB4] =	sst s10  }
0x38: {  	s10 =	sld [smem:$0x3FB5]  }
0x39: {  	_ = 	snop;
	(pc) =	sbr.ind lr, $3  }
0x3a: {  	_ = 	snop  }
0x3b: {  	_ = 	snop  }
0x3c: {  	p2 =	seq.s32 s10, $0x1;
	s10 =	sld [smem:$0x3FB4]  }
0x3d: {  	_ =	shalt  }
0x3e: {  	_ =	shalt  }
0x3f: {  	_ =	shalt  }
0x40: {  	_ =	shalt  }
0x41: {  	_ =	shalt  }
0x42: {  	_ =	shalt  }
0x43: {  	_ =	shalt  }
0x44: {  	_ =	shalt  }
0x45: {  	_ =	shalt  }
0x46: {  	_ =	shalt  }
0x47: {  	_ =	shalt  }
0x48: {  	_ =	shalt  }
0x49: {  	_ =	shalt  }
0x4a: {  	_ =	shalt  }
0x4b: {  	_ =	shalt  }
0x4c: {  	_ =	shalt  }
0x4d: {  	_ =	shalt  }
0x4e: {  	_ =	shalt  }
0x4f: {  	_ =	shalt  }
0x50: {  	_ =	shalt  }
0x51: {  	_ =	shalt  }
0x52: {  	_ =	shalt  }
0x53: {  	_ =	shalt  }
0x54: {  	_ =	shalt  }
0x55: {  	_ =	shalt  }
0x56: {  	_ =	shalt  }
0x57: {  	_ =	shalt  }
0x58: {  	_ =	shalt  }
0x59: {  	_ =	shalt  }
0x5a: {  	_ =	shalt  }
0x5b: {  	_ =	shalt  }
0x5c: {  	_ =	shalt  }
0x5d: {  	_ =	shalt  }
0x5e: {  	_ =	shalt  }
0x5f: {  	_ =	shalt  }
0x60: {  	_ =	shalt  }
0x61: {  	_ =	shalt  }
0x62: {  	_ =	shalt  }
0x63: {  	_ =	shalt  }
0x64: {  	_ =	shalt  }
0x65: {  	_ =	shalt  }
0x66: {  	_ =	shalt  }
0x67: {  	_ =	shalt  }
0x68: {  	_ =	shalt  }
0x69: {  	_ =	shalt  }
0x6a: {  	_ =	shalt  }
0x6b: {  	_ =	shalt  }
0x6c: {  	_ =	shalt  }
0x6d: {  	_ =	shalt  }
0x6e: {  	_ =	shalt  }
0x6f: {  	_ =	shalt  }
0x70: {  	_ =	shalt  }
0x71: {  	_ =	shalt  }
0x72: {  	_ =	shalt  }
0x73: {  	_ =	shalt  }
0x74: {  	_ =	shalt  }
0x75: {  	_ =	shalt  }
0x76: {  	_ =	shalt  }
0x77: {  	_ =	shalt  }
0x78: {  	_ =	shalt  }
0x79: {  	_ =	shalt  }
0x7a: {  	_ =	shalt  }
0x7b: {  	_ =	shalt  }
0x7c: {  	_ =	shalt  }
0x7d: {  	_ =	shalt  }
0x7e: {  	_ =	shalt  }
0x7f: {  	_ =	shalt  }
0x80: {  	_ =	shalt  }
0x81: {  	_ =	shalt  }
0x82: {  	_ =	shalt  }
0x83: {  	_ =	shalt  }
0x84: {  	_ =	shalt  }
0x85: {  	_ =	shalt  }
0x86: {  	_ =	shalt  }
0x87: {  	_ =	shalt  }
.Lfunc_end0:
.L_simem_size_0:
called_computation_lowered:
.L_overlay_start_0:
0x88: {  	s2 =	sld [smem:$0x3FD9]  }
0x89: {  	s3 =	sld [smem:$0x3FFE];
	_ =	sdelay $0x1  }
0x8a: {  	s1 =	srdreg.scid  }
0x8b: {  	s0 =	sand.u32 $0x1, s1  }
0x8c: {  	s17 =	sshll.u32 s0, $0xA;
	s2 =	sadd.s32 s3, s2  }
0x8d: {  	s2 =	sadd.s32 s2, s17  }
0x8e: {  	[smem:$0x3FC0] =	sst s2  }
0x8f: {  	_ = 	snop  }
0x90: {  	s2 =	sld [smem:$0x3FD0];
	(tm) =	ssettm $0x1  }
0x91: {  	s18 =	sld [smem:$0x3FFB];
	_ =	sdelay $0x3  }
0x92: {  	_ =	strace s18  }
0x93: {  	s3 =	sld [smem:$0x3FFC];
	_ =	sdelay $0x3  }
0x94: {  	_ =	strace s3  }
0x95: {  	s3 =	sld [smem:$0x3FFD];
	_ =	sdelay $0x3  }
0x96: {  	_ =	strace s3  }
0x97: {  	_ =	strace $0x8FFFFFFF  }
0x98: {  	s19 =	sld [smem:$0x3FDB];
	_ =	sdelay $0x1  }
0x99: {  	s4 =	simm.s32 $_scs_section_size  }
0x9a: {  	s5 =	simm.s32 $_size__tile_overlayer_lowered;
	s6 =	simm.s32 $_tile_overlayer_lowered  }
0x9b: {  	s22 =	simm.s32 $0x1BFF;
	s21 =	sshll.u32 s6, $0x1;
	s3 =	sadd.s32 s4, s19  }
0x9c: {  	s7 =	simm.s32 $0x0;
	s20 =	sshll.u32 s5, $0x1;
	s5 =	sadd.s32 s21, s3  }
0x9d: {  	[timem:s7], [sflag:s22] =	dma.local [hbm:s5], s20  }
0x9e: {  	_ =	swait.ge [sflag:s22], s20  }
0x9f: {  	s4 =	ssub.s32 $0x0, s20;
	[sflag:s22] =	ssyncset.done $0x0  }
0xa0: {  	[sflag:s22] =	ssyncadd.s32 s4;
	_ =	sdelay $0x1  }
0xa1: {  	s23 =	simm.s32 $0x1B8B  }
0xa2: {  	_ =	swait.ge [sflag:s23], $0x1  }
0xa3: {  	[sflag:s23] =	ssyncset.done $0x0  }
0xa4: {  	s25 =	simm.s32 $0x1B8E;
	s24 =	sld [smem:$0x3FFE];
	[sflag:s23] =	ssyncadd.s32 $0xFFFFFFFF  }
0xa5: {  	s26 =	simm.s32 $execute0_lowered;
	[smem:$0x3FD2] =	sst s25  }
0xa6: {  	s5 =	sshll.u32 s26, $0x1;
	_ =	strace $0x80000046;
	[dreg:$0x1] =	wrdreg $0xFFFFFFFF  }
0xa7: {  	s28 =	simm.s32 $_size_execute0_lowered;
	s3 =	sadd.s32 s3, s5;
	[dreg:$0x0] =	wrdreg $0x0  }
0xa8: {  	s5 =	sshll.u32 s28, $0x1;
	[dreg:$0x2] =	wrdreg s3  }
0xa9: {  	[dreg:$0x3] =	wrdreg s5  }
0xaa: {  	[dreg:$0x4] =	wrdreg $0xC0  }
0xab: {  	_ =	task [dreg:s7], $0x5FFFF  }
0xac: {  	[dreg:$0x1] =	wrdreg $0xFFFFFFFF  }
0xad: {  	[dreg:$0x0] =	wrdreg $0x60  }
0xae: {  	[dreg:$0x2] =	wrdreg s24  }
0xaf: {  	[dreg:$0x3] =	wrdreg s2  }
0xb0: {  	[dreg:$0x4] =	wrdreg $0x28000  }
0xb1: {  	[dreg:$0x5] =	wrdreg $0x9  }
0xb2: {  	_ =	task.clear_ibuf [dreg:s7], $0x6FFFF;
	_ =	strace $0x90000046  }
0xb3: {  	s29 =	simm.s32 $0x9;
	_ =	strace $0x80000048  }
0xb4: {  	_ =	swait.ge [sflag:s29], $0x1  }
0xb5: {  	[sflag:s29] =	ssyncadd.s32 $0xFFFFFFFF  }
0xb6: {  	_ =	strace $0x90000048  }
0xb7: {  	_ =	sfence  }
0xb8: {  	s30 =	sld [smem:$0x0];
	_ =	sdelay $0x2  }
0xb9: {  	s31 =	sshll.u32 s1, $0xD;
	s1 =	sshrl.u32 s1, $0x2  }
0xba: {  	s3 =	sand.u32 $0x4000, s31;
	s1 =	sadd.s32 s1, s30  }
0xbb: {  	s0 =	sor.u32 s3, s0;
	s1 =	sshll.u32 s1, $0x11  }
0xbc: {  	s0 =	sor.u32 s1, s0  }
0xbd: {  	s0 =	sadd.s32 $0x8F2B, s0  }
0xbe: {  	[sflag:s0] =	ssyncadd.remote.s32 $0x1  }
0xbf: {  	_ =	sfence.sel $0xFFFF  }
0xc0: {  	[dreg:$0x0] =	wrdreg $0xFFFFFFFF;
	(pc) =	sbr.abs _section_cstart, $3  }
0xc1: {  	[dreg:$0x1] =	wrdreg $0xFFFFFFFF  }
0xc2: {  	_ =	task.clear_ibuf [dreg:s7], $0x2FFFF;
	_ =	strace $0x9FFFFFFF  }
0xc3: {  	(tm) =	ssettm $0x7FFFFFFF  }
tec
execute0_lowered:
.L_overlay_start_1:
0x0: {  	(tag) =	ssettag $0x1  }
0x1: {  	s24 =	rddreg [dreg:$0x0]  }
0x2: {  	s2 =	rddreg [dreg:$0x1]  }
0x3: {  	s0 =	stileid.u32;
	s3 =	rddreg [dreg:$0x2]  }
0x4: {  	s1 =	rddreg [dreg:$0x3];
	s4 =	simm.s32 $0x0;
	s25 =	smul.u32 $0x1400, s0  }
0x5: {  	s9 =	srdreg.scid;
	[smem:$0x7FF] =	sst s4  }
0x6: {  	s6 =	sshll.u32 s0, $0x6;
	_ =	strace $0x80000047;
	s5 =	sshrl.u32 s25, $0x3  }
0x7: {  	s6 =	sor.u32 $0x1C04, s6;
	s7 =	sadd.s32 s25, s3;
	s5 =	sadd.s32 s5, s24  }
0x8: {  	s8 =	sshrl.u32 s7, $0x3;
	s7 =	simm.s32 $0x4;
	s5 =	sadd.s32 $0x16400, s5  }
0x9: {  	[spmem:s8], [sflag:s6] =	dma.local [hbm:s5], $0x280  }
0xa: {  	s26 =	sand.u32 $0x1, s9;
	s29 =	sshll.u32 s0, $0x1;
	_ =	swait.ge [sflag:s7], $0x280  }
0xb: {  	s9 =	sor.u32 s26, s29;
	[sflag:s7] =	ssyncset.done $0x0  }
0xc: {  	s10 =	smul.u32 $0x2800, s9;
	s9 =	simm.s32 $0x800;
	[sflag:s7] =	ssyncadd.s32 $0xFFFFFD80  }
0xd: {  	[tilespmem:s9], [sflag:$0x4] =	stream.linear.gather [hbm4b:s2+s4], $0x2000, $0x38;
	[tilespmem:$0x3C00] =	vst v63  }
0xe: {  	_ =	swait.ge [sflag:s7], $0x2000  }
0xf: {  	s10 =	sshrl.u32 s10, $0x3;
	[sflag:s7] =	ssyncset.done $0x0  }
0x10: {  	s23 =	sadd.s32 s10, s24;
	[sflag:s7] =	ssyncadd.s32 $0xFFFFE000  }
0x11: {  	s10 =	sadd.s32 $0x2400, s23;
	[bflag:$0x0] =	sbarrier.arrive $0xFFFF  }
0x12: {  	[tilespmem:s4], [sflag:$0x2] =	stream.linear.gather [hbm4b:s10+s4], $0x400, $0x38;
	[tilespmem:$0x3C00] =	vst v63  }
0x13: {  	s12 =	simm.s32 $0x400;
	s13 =	simm.s32 $0x2;
	s11 =	sadd.s32 $0x2480, s23  }
0x14: {  	[tilespmem:s12], [sflag:$0x3] =	stream.linear.gather [hbm4b:s11+s4], $0x400, $0x38;
	[tilespmem:$0x3C00] =	vst v63  }
0x15: {  	_ =	swait.ge [sflag:s13], $0x400  }
0x16: {  	[sflag:s13] =	ssyncset.done $0x0  }
0x17: {  	s14 =	simm.s32 $0x1;
	[sflag:s13] =	ssyncadd.s32 $0xFFFFFC00  }
0x18: {  	[spmem:s3] =	stream.indirect.scatter.add.f32 [tilespmem:s9], [sflag:$0x1], $0x8, s4, s12, $0xb8;
	[tilespmem:$0x3C00] =	vst v63  }
0x19: {  	_ =	swait.ge [sflag:s14], $0x2000  }
0x1a: {  	[sflag:s14] =	ssyncset.done $0x0  }
0x1b: {  	s16 =	simm.s32 $0x3;
	s15 =	sadd.s32 $0x2500, s23;
	[sflag:s14] =	ssyncadd.s32 $0xFFFFE000  }
0x1c: {  	[tilespmem:s4], [sflag:$0x2] =	stream.linear.gather [hbm4b:s15+s4], $0x400, $0x38;
	[tilespmem:$0x3C00] =	vst v63  }
0x1d: {  	_ =	swait.ge [sflag:s16], $0x400  }
0x1e: {  	[sflag:s16] =	ssyncset.done $0x0  }
0x1f: {  	[sflag:s16] =	ssyncadd.s32 $0xFFFFFC00  }
0x20: {  	[spmem:s3] =	stream.indirect.scatter.add.f32 [tilespmem:s9], [sflag:$0x1], $0x8, s12, s12, $0xb8;
	[tilespmem:$0x3C00] =	vst v63  }
0x21: {  	_ =	swait.ge [sflag:s14], $0x2000  }
0x22: {  	[sflag:s14] =	ssyncset.done $0x0  }
0x23: {  	s17 =	sadd.s32 $0x2580, s23;
	[sflag:s14] =	ssyncadd.s32 $0xFFFFE000  }
0x24: {  	[tilespmem:s12], [sflag:$0x3] =	stream.linear.gather [hbm4b:s17+s4], $0x400, $0x38;
	[tilespmem:$0x3C00] =	vst v63  }
0x25: {  	_ =	swait.ge [sflag:s13], $0x400  }
0x26: {  	[sflag:s13] =	ssyncset.done $0x0  }
0x27: {  	[sflag:s13] =	ssyncadd.s32 $0xFFFFFC00  }
0x28: {  	[spmem:s3] =	stream.indirect.scatter.add.f32 [tilespmem:s9], [sflag:$0x1], $0x8, s4, s12, $0xb8;
	[tilespmem:$0x3C00] =	vst v63  }
0x29: {  	_ =	swait.ge [sflag:s14], $0x2000  }
0x2a: {  	[sflag:s14] =	ssyncset.done $0x0  }
0x2b: {  	s18 =	sadd.s32 $0x2600, s23;
	[sflag:s14] =	ssyncadd.s32 $0xFFFFE000  }
0x2c: {  	[tilespmem:s4], [sflag:$0x2] =	stream.linear.gather [hbm4b:s18+s4], $0x400, $0x38;
	[tilespmem:$0x3C00] =	vst v63  }
0x2d: {  	_ =	swait.ge [sflag:s16], $0x400  }
0x2e: {  	[sflag:s16] =	ssyncset.done $0x0  }
0x2f: {  	[sflag:s16] =	ssyncadd.s32 $0xFFFFFC00  }
0x30: {  	[spmem:s3] =	stream.indirect.scatter.add.f32 [tilespmem:s9], [sflag:$0x1], $0x8, s12, s12, $0xb8;
	[tilespmem:$0x3C00] =	vst v63  }
0x31: {  	_ =	swait.ge [sflag:s14], $0x2000  }
0x32: {  	[sflag:s14] =	ssyncset.done $0x0  }
0x33: {  	s19 =	sadd.s32 $0x2680, s23;
	[sflag:s14] =	ssyncadd.s32 $0xFFFFE000  }
0x34: {  	[tilespmem:s12], [sflag:$0x3] =	stream.linear.gather [hbm4b:s19+s4], $0x400, $0x38;
	[tilespmem:$0x3C00] =	vst v63  }
0x35: {  	_ =	swait.ge [sflag:s13], $0x400  }
0x36: {  	[sflag:s13] =	ssyncset.done $0x0  }
0x37: {  	[sflag:s13] =	ssyncadd.s32 $0xFFFFFC00  }
0x38: {  	[spmem:s3] =	stream.indirect.scatter.add.f32 [tilespmem:s9], [sflag:$0x1], $0x8, s4, s12, $0xb8;
	[tilespmem:$0x3C00] =	vst v63  }
0x39: {  	_ =	swait.ge [sflag:s14], $0x2000  }
0x3a: {  	[sflag:s14] =	ssyncset.done $0x0  }
0x3b: {  	s20 =	sadd.s32 $0x2700, s23;
	[sflag:s14] =	ssyncadd.s32 $0xFFFFE000  }
0x3c: {  	[tilespmem:s4], [sflag:$0x2] =	stream.linear.gather [hbm4b:s20+s4], $0x400, $0x38;
	[tilespmem:$0x3C00] =	vst v63  }
0x3d: {  	_ =	swait.ge [sflag:s16], $0x400  }
0x3e: {  	[sflag:s16] =	ssyncset.done $0x0  }
0x3f: {  	[sflag:s16] =	ssyncadd.s32 $0xFFFFFC00  }
0x40: {  	[spmem:s3] =	stream.indirect.scatter.add.f32 [tilespmem:s9], [sflag:$0x1], $0x8, s12, s12, $0xb8;
	[tilespmem:$0x3C00] =	vst v63  }
0x41: {  	_ =	swait.ge [sflag:s14], $0x2000  }
0x42: {  	[sflag:s14] =	ssyncset.done $0x0  }
0x43: {  	s21 =	sadd.s32 $0x2780, s23;
	[sflag:s14] =	ssyncadd.s32 $0xFFFFE000  }
0x44: {  	[tilespmem:s12], [sflag:$0x3] =	stream.linear.gather [hbm4b:s21+s4], $0x400, $0x38;
	[tilespmem:$0x3C00] =	vst v63  }
0x45: {  	_ =	swait.ge [sflag:s13], $0x400  }
0x46: {  	[sflag:s13] =	ssyncset.done $0x0  }
0x47: {  	[sflag:s13] =	ssyncadd.s32 $0xFFFFFC00  }
0x48: {  	[spmem:s3] =	stream.indirect.scatter.add.f32 [tilespmem:s9], [sflag:$0x1], $0x8, s4, s12, $0xb8;
	[tilespmem:$0x3C00] =	vst v63  }
0x49: {  	_ =	swait.ge [sflag:s14], $0x2000  }
0x4a: {  	[sflag:s14] =	ssyncset.done $0x0  }
0x4b: {  	s22 =	sadd.s32 $0x2800, s23;
	[sflag:s14] =	ssyncadd.s32 $0xFFFFE000  }
0x4c: {  	[tilespmem:s4], [sflag:$0x2] =	stream.linear.gather [hbm4b:s22+s4], $0x400, $0x38;
	[tilespmem:$0x3C00] =	vst v63  }
0x4d: {  	_ =	swait.ge [sflag:s16], $0x400  }
0x4e: {  	[sflag:s16] =	ssyncset.done $0x0  }
0x4f: {  	[sflag:s16] =	ssyncadd.s32 $0xFFFFFC00  }
0x50: {  	[spmem:s3] =	stream.indirect.scatter.add.f32 [tilespmem:s9], [sflag:$0x1], $0x8, s12, s12, $0xb8;
	[tilespmem:$0x3C00] =	vst v63  }
0x51: {  	_ =	swait.ge [sflag:s14], $0x2000  }
0x52: {  	[sflag:s14] =	ssyncset.done $0x0  }
0x53: {  	s23 =	sadd.s32 $0x2880, s23;
	[sflag:s14] =	ssyncadd.s32 $0xFFFFE000  }
0x54: {  	[tilespmem:s12], [sflag:$0x3] =	stream.linear.gather [hbm4b:s23+s4], $0x400, $0x38;
	[tilespmem:$0x3C00] =	vst v63  }
0x55: {  	_ =	swait.ge [sflag:s13], $0x400  }
0x56: {  	[sflag:s13] =	ssyncset.done $0x0  }
0x57: {  	[sflag:s13] =	ssyncadd.s32 $0xFFFFFC00  }
0x58: {  	[spmem:s3] =	stream.indirect.scatter.add.f32 [tilespmem:s9], [sflag:$0x1], $0x8, s4, s12, $0xb8;
	[tilespmem:$0x3C00] =	vst v63  }
0x59: {  	_ =	swait.ge [sflag:s14], $0x2000  }
0x5a: {  	[sflag:s14] =	ssyncset.done $0x0  }
0x5b: {  	s28 =	smul.u32 $0x14000, s26;
	[sflag:s14] =	ssyncadd.s32 $0xFFFFE000  }
0x5c: {  	s26 =	ssub.s32 $0x2, s26;
	_ =	swait.ge [sflag:s16], $0x400  }
0x5d: {  	s30 =	sshrl.u32 s26, $0x1;
	s25 =	sadd.s32 s25, s28;
	[sflag:s16] =	ssyncset.done $0x0  }
0x5e: {  	s31 =	ssub.s32 s26, s30;
	s25 =	sshrl.u32 s25, $0x3;
	[sflag:s16] =	ssyncadd.s32 $0xFFFFFC00  }
0x5f: {  	[spmem:s3] =	stream.indirect.scatter.add.f32 [tilespmem:s9], [sflag:$0x1], $0x8, s12, s12, $0xb8;
	[tilespmem:$0x3C00] =	vst v63  }
0x60: {  	s24 =	sadd.s32 s25, s24;
	s25 =	smax.u32 s31, $0x1;
	_ =	swait.ge [sflag:s14], $0x2000  }
0x61: {  	p0 =	sne.s32 s25, $0x1;
	[sflag:s14] =	ssyncset.done $0x0  }
.Ltmp0:
0x62: {  	[sflag:s14] =	ssyncadd.s32 $0xFFFFE000;
	(pc) =	sbr.rel @!p0 .LBB2_2-.Ltmp0, $4  }
0x63: {  	s24 =	sadd.s32 $0x18C00, s24;
	[bflag:$0x0] =	sbarrier.arrive $0xFFFF  }
0x64: {  	[hbm:s24], [sflag:s6] =	dma.local [spmem:s8], $0x280  }
0x65: {  	_ =	swait.ge [sflag:s7], $0x280  }
0x66: {  	s25 =	sadd.s32 $0xFFFFFFFF, s25;
	[sflag:s7] =	ssyncset.done $0x0  }
.LBB2_1:
0x67: {  	p0 =	sne.s32 s25, $0x1;
	s25 =	sadd.s32 $0xFFFFFFFF, s25;
	[sflag:s7] =	ssyncadd.s32 $0xFFFFFD80  }
0x68: {  	[spmem:s8], [sflag:s6] =	dma.local [hbm:s5], $0x280  }
0x69: {  	_ =	swait.ge [sflag:s7], $0x280  }
0x6a: {  	[sflag:s7] =	ssyncset.done $0x0  }
0x6b: {  	[sflag:s7] =	ssyncadd.s32 $0xFFFFFD80  }
0x6c: {  	[tilespmem:s9], [sflag:$0x4] =	stream.linear.gather [hbm4b:s2+s4], $0x2000, $0x38;
	[tilespmem:$0x3C00] =	vst v63  }
0x6d: {  	_ =	swait.ge [sflag:s7], $0x2000  }
0x6e: {  	[sflag:s7] =	ssyncset.done $0x0  }
0x6f: {  	[sflag:s7] =	ssyncadd.s32 $0xFFFFE000  }
0x70: {  	[bflag:$0x0] =	sbarrier.arrive $0xFFFF  }
0x71: {  	[tilespmem:s4], [sflag:$0x2] =	stream.linear.gather [hbm4b:s10+s4], $0x400, $0x38;
	[tilespmem:$0x3C00] =	vst v63  }
0x72: {  	_ = 	snop  }
0x73: {  	[tilespmem:s12], [sflag:$0x3] =	stream.linear.gather [hbm4b:s11+s4], $0x400, $0x38;
	[tilespmem:$0x3C00] =	vst v63  }
0x74: {  	_ =	swait.ge [sflag:s13], $0x400  }
0x75: {  	[sflag:s13] =	ssyncset.done $0x0  }
0x76: {  	[sflag:s13] =	ssyncadd.s32 $0xFFFFFC00  }
0x77: {  	[spmem:s3] =	stream.indirect.scatter.add.f32 [tilespmem:s9], [sflag:$0x1], $0x8, s4, s12, $0xb8;
	[tilespmem:$0x3C00] =	vst v63  }
0x78: {  	_ =	swait.ge [sflag:s14], $0x2000  }
0x79: {  	[sflag:s14] =	ssyncset.done $0x0  }
0x7a: {  	[sflag:s14] =	ssyncadd.s32 $0xFFFFE000  }
0x7b: {  	[tilespmem:s4], [sflag:$0x2] =	stream.linear.gather [hbm4b:s15+s4], $0x400, $0x38;
	[tilespmem:$0x3C00] =	vst v63  }
0x7c: {  	_ =	swait.ge [sflag:s16], $0x400  }
0x7d: {  	[sflag:s16] =	ssyncset.done $0x0  }
0x7e: {  	[sflag:s16] =	ssyncadd.s32 $0xFFFFFC00  }
0x7f: {  	[spmem:s3] =	stream.indirect.scatter.add.f32 [tilespmem:s9], [sflag:$0x1], $0x8, s12, s12, $0xb8;
	[tilespmem:$0x3C00] =	vst v63  }
0x80: {  	_ =	swait.ge [sflag:s14], $0x2000  }
0x81: {  	[sflag:s14] =	ssyncset.done $0x0  }
0x82: {  	[sflag:s14] =	ssyncadd.s32 $0xFFFFE000  }
0x83: {  	[tilespmem:s12], [sflag:$0x3] =	stream.linear.gather [hbm4b:s17+s4], $0x400, $0x38;
	[tilespmem:$0x3C00] =	vst v63  }
0x84: {  	_ =	swait.ge [sflag:s13], $0x400  }
0x85: {  	[sflag:s13] =	ssyncset.done $0x0  }
0x86: {  	[sflag:s13] =	ssyncadd.s32 $0xFFFFFC00  }
0x87: {  	[spmem:s3] =	stream.indirect.scatter.add.f32 [tilespmem:s9], [sflag:$0x1], $0x8, s4, s12, $0xb8;
	[tilespmem:$0x3C00] =	vst v63  }
0x88: {  	_ =	swait.ge [sflag:s14], $0x2000  }
0x89: {  	[sflag:s14] =	ssyncset.done $0x0  }
0x8a: {  	[sflag:s14] =	ssyncadd.s32 $0xFFFFE000  }
0x8b: {  	[tilespmem:s4], [sflag:$0x2] =	stream.linear.gather [hbm4b:s18+s4], $0x400, $0x38;
	[tilespmem:$0x3C00] =	vst v63  }
0x8c: {  	_ =	swait.ge [sflag:s16], $0x400  }
0x8d: {  	[sflag:s16] =	ssyncset.done $0x0  }
0x8e: {  	[sflag:s16] =	ssyncadd.s32 $0xFFFFFC00  }
0x8f: {  	[spmem:s3] =	stream.indirect.scatter.add.f32 [tilespmem:s9], [sflag:$0x1], $0x8, s12, s12, $0xb8;
	[tilespmem:$0x3C00] =	vst v63  }
0x90: {  	_ =	swait.ge [sflag:s14], $0x2000  }
0x91: {  	[sflag:s14] =	ssyncset.done $0x0  }
0x92: {  	[sflag:s14] =	ssyncadd.s32 $0xFFFFE000  }
0x93: {  	[tilespmem:s12], [sflag:$0x3] =	stream.linear.gather [hbm4b:s19+s4], $0x400, $0x38;
	[tilespmem:$0x3C00] =	vst v63  }
0x94: {  	_ =	swait.ge [sflag:s13], $0x400  }
0x95: {  	[sflag:s13] =	ssyncset.done $0x0  }
0x96: {  	[sflag:s13] =	ssyncadd.s32 $0xFFFFFC00  }
0x97: {  	[spmem:s3] =	stream.indirect.scatter.add.f32 [tilespmem:s9], [sflag:$0x1], $0x8, s4, s12, $0xb8;
	[tilespmem:$0x3C00] =	vst v63  }
0x98: {  	_ =	swait.ge [sflag:s14], $0x2000  }
0x99: {  	[sflag:s14] =	ssyncset.done $0x0  }
0x9a: {  	[sflag:s14] =	ssyncadd.s32 $0xFFFFE000  }
0x9b: {  	[tilespmem:s4], [sflag:$0x2] =	stream.linear.gather [hbm4b:s20+s4], $0x400, $0x38;
	[tilespmem:$0x3C00] =	vst v63  }
0x9c: {  	_ =	swait.ge [sflag:s16], $0x400  }
0x9d: {  	[sflag:s16] =	ssyncset.done $0x0  }
0x9e: {  	[sflag:s16] =	ssyncadd.s32 $0xFFFFFC00  }
0x9f: {  	[spmem:s3] =	stream.indirect.scatter.add.f32 [tilespmem:s9], [sflag:$0x1], $0x8, s12, s12, $0xb8;
	[tilespmem:$0x3C00] =	vst v63  }
0xa0: {  	_ =	swait.ge [sflag:s14], $0x2000  }
0xa1: {  	[sflag:s14] =	ssyncset.done $0x0  }
0xa2: {  	[sflag:s14] =	ssyncadd.s32 $0xFFFFE000  }
0xa3: {  	[tilespmem:s12], [sflag:$0x3] =	stream.linear.gather [hbm4b:s21+s4], $0x400, $0x38;
	[tilespmem:$0x3C00] =	vst v63  }
0xa4: {  	_ =	swait.ge [sflag:s13], $0x400  }
0xa5: {  	[sflag:s13] =	ssyncset.done $0x0  }
0xa6: {  	[sflag:s13] =	ssyncadd.s32 $0xFFFFFC00  }
0xa7: {  	[spmem:s3] =	stream.indirect.scatter.add.f32 [tilespmem:s9], [sflag:$0x1], $0x8, s4, s12, $0xb8;
	[tilespmem:$0x3C00] =	vst v63  }
0xa8: {  	_ =	swait.ge [sflag:s14], $0x2000  }
0xa9: {  	[sflag:s14] =	ssyncset.done $0x0  }
0xaa: {  	[sflag:s14] =	ssyncadd.s32 $0xFFFFE000  }
0xab: {  	[tilespmem:s4], [sflag:$0x2] =	stream.linear.gather [hbm4b:s22+s4], $0x400, $0x38;
	[tilespmem:$0x3C00] =	vst v63  }
0xac: {  	_ =	swait.ge [sflag:s16], $0x400  }
0xad: {  	[sflag:s16] =	ssyncset.done $0x0  }
0xae: {  	[sflag:s16] =	ssyncadd.s32 $0xFFFFFC00  }
0xaf: {  	[spmem:s3] =	stream.indirect.scatter.add.f32 [tilespmem:s9], [sflag:$0x1], $0x8, s12, s12, $0xb8;
	[tilespmem:$0x3C00] =	vst v63  }
0xb0: {  	_ =	swait.ge [sflag:s14], $0x2000  }
0xb1: {  	[sflag:s14] =	ssyncset.done $0x0  }
0xb2: {  	[sflag:s14] =	ssyncadd.s32 $0xFFFFE000  }
0xb3: {  	[tilespmem:s12], [sflag:$0x3] =	stream.linear.gather [hbm4b:s23+s4], $0x400, $0x38;
	[tilespmem:$0x3C00] =	vst v63  }
0xb4: {  	_ =	swait.ge [sflag:s13], $0x400  }
0xb5: {  	[sflag:s13] =	ssyncset.done $0x0  }
0xb6: {  	[sflag:s13] =	ssyncadd.s32 $0xFFFFFC00  }
0xb7: {  	[spmem:s3] =	stream.indirect.scatter.add.f32 [tilespmem:s9], [sflag:$0x1], $0x8, s4, s12, $0xb8;
	[tilespmem:$0x3C00] =	vst v63  }
0xb8: {  	_ =	swait.ge [sflag:s14], $0x2000  }
0xb9: {  	[sflag:s14] =	ssyncset.done $0x0  }
0xba: {  	[sflag:s14] =	ssyncadd.s32 $0xFFFFE000  }
0xbb: {  	_ =	swait.ge [sflag:s16], $0x400  }
0xbc: {  	[sflag:s16] =	ssyncset.done $0x0  }
0xbd: {  	[sflag:s16] =	ssyncadd.s32 $0xFFFFFC00  }
0xbe: {  	[spmem:s3] =	stream.indirect.scatter.add.f32 [tilespmem:s9], [sflag:$0x1], $0x8, s12, s12, $0xb8;
	[tilespmem:$0x3C00] =	vst v63  }
0xbf: {  	_ =	swait.ge [sflag:s14], $0x2000  }
0xc0: {  	[sflag:s14] =	ssyncset.done $0x0  }
.Ltmp1:
0xc1: {  	[sflag:s14] =	ssyncadd.s32 $0xFFFFE000;
	(pc) =	sbr.rel @p0 .LBB2_1-.Ltmp1, $4  }
0xc2: {  	[bflag:$0x0] =	sbarrier.arrive $0xFFFF  }
0xc3: {  	[hbm:s24], [sflag:s6] =	dma.local [spmem:s8], $0x280  }
0xc4: {  	_ =	swait.ge [sflag:s7], $0x280  }
0xc5: {  	[sflag:s7] =	ssyncset.done $0x0  }
.LBB2_2:
0xc6: {  	[sflag:s7] =	ssyncadd.s32 $0xFFFFFD80  }
0xc7: {  	_ =	sfence.sel $0x180000  }
0xc8: {  	[bflag:$0x0] =	sbarrier.arrive $0xFFFF  }
0xc9: {  	p0 =	sne.s32 s0, $0x0;
	_ =	strace $0x90000047  }
0xca: {  	s0 =	sadd.s32 @!p0 $0x100000, s1;
	[bflag:$0x2] =	sbarrier.arrive $0xFFFF  }
0xcb: {  	[sflag:s0] =	ssyncadd.tile.s32 @!p0 $0x1;
	_ =	shalt  }
.Lfunc_end2:
_tile_overlayer_lowered:
.L_overlay_start_2:
0xcc: {  	(tag) =	ssettag $0x2  }
0xcd: {  	s0 =	rddreg [dreg:$0x0];
	s2 =	stileid.u32  }
0xce: {  	s1 =	rddreg [dreg:$0x1];
	p0 =	sne.s32 s2, $0x0  }
0xcf: {  	s3 =	rddreg [dreg:$0x2];
	[bflag:$0x3] =	sbarrier.arrive $0xFFFF;
	s2 =	simm.s32 @!p0 $0x1C04  }
0xd0: {  	[timem:s3], [sflag:s2] =	dma.local @!p0 [hbm:s0], s1  }
0xd1: {  	s0 =	simm.s32 @!p0 $0x4  }
0xd2: {  	_ =	swait.ge @!p0 [sflag:s0], s1  }
0xd3: {  	s1 =	ssub.s32 @!p0 $0x0, s1;
	[sflag:s0] =	ssyncset.done @!p0 $0x0  }
0xd4: {  	[sflag:s0] =	ssyncadd.s32 @!p0 s1  }
0xd5: {  	[bflag:$0x3] =	sbarrier.arrive $0xFFFF  }
0xd6: {  	_ =	shalt  }

</sc_bundles>
